<compile_context>
chip_gen: v7x
topology: tpu7x:2x2x1
jax: 0.10.2.dev20260603
libtpu: 0.0.44.dev20260713+nightly
codegen_flags: <defaults>
</compile_context>

<pallas_src>
import jax
import jax.numpy as jnp
from jax import lax
from jax.experimental import pallas as pl
from jax.experimental.pallas import tpu as pltpu
from jax.experimental.pallas import tpu_sc as plsc

N = 10000
E = 320000
IN = 128
H = 256
OUT = 128
C = 4
G = 64

NP = 10240
BLK = 256
NB = NP // BLK
NSC = 2
NT = 16
RPT = NP // NT
K = 128

NCH = -(-E // NT // K)
EPT = NCH * K

NCH_D = -(-E // (NSC * NT) // K)
EPT_D = NCH_D * K


def _mesh():
    return plsc.VectorSubcoreMesh(core_axis_name="c", subcore_axis_name="s",
                                  num_cores=NSC, num_subcores=NT)


_SC_PARAMS = pltpu.CompilerParams(use_tc_tiling_on_sc=False)


def _deg_body(colD, zeros_hbm, ones_hbm, out_hbm, hist, cidx, ones_v):
    c = lax.axis_index("c")
    s = lax.axis_index("s")
    pltpu.sync_copy(zeros_hbm, hist.at[pl.ds(s * RPT, RPT)])
    pltpu.sync_copy(ones_hbm, ones_v)
    pltpu.sync_copy(colD.at[c, s], cidx)
    plsc.subcore_barrier()

    def body(g, carry):
        pltpu.sync_copy(ones_v, hist.at[cidx.at[g]], add=True)
        return carry

    lax.fori_loop(0, NCH_D, body, 0)
    plsc.subcore_barrier()
    pltpu.sync_copy(hist.at[pl.ds(s * RPT, RPT)],
                    out_hbm.at[pl.ds(c * NP + s * RPT, RPT)])


def _deg_call(colD, zeros16, ones16):
    return pl.kernel(
        _deg_body,
        out_type=jax.ShapeDtypeStruct((2 * NP, 16), jnp.float32),
        mesh=_mesh(),
        compiler_params=_SC_PARAMS,
        scratch_types=[
            pltpu.VMEM_SHARED((NP, 16), jnp.float32),
            pltpu.VMEM((NCH_D, K), jnp.int32),
            pltpu.VMEM((K, 16), jnp.float32),
        ],
    )(colD, zeros16, ones16)


def _agg_body(rc4, tab_a, tab_b, out_hbm,
              acc, rc, buf0, buf1,
              gsem0, gsem1, isem0, isem1):
    c = lax.axis_index("c")
    s = lax.axis_index("s")
    gsems = (gsem0, gsem1)
    isems = (isem0, isem1)
    bufs = (buf0, buf1)

    def run(tab):
        pltpu.sync_copy(tab.at[pl.ds(s * RPT, RPT)],
                        acc.at[pl.ds(s * RPT, RPT)])
        plsc.subcore_barrier()
        pltpu.sync_copy(rc4.at[s, 0], rc.at[0])
        pltpu.async_copy(tab.at[rc.at[0, 0]], buf0, gsem0)
        pltpu.async_copy(rc4.at[s, 1], rc.at[1], isem1)

        def step(g, p):
            q = 1 - p
            bufp, bufq = (bufs[p], bufs[q])
            gsp, gsq = (gsems[p], gsems[q])
            isp, isq = (isems[p], isems[q])

            @pl.when(g + 1 < NCH)
            def _():
                pltpu.make_async_copy(rc4.at[s, g + 1], rc.at[q], isq).wait()
                pltpu.async_copy(tab.at[rc.at[q, 0]], bufq, gsq)

            pltpu.make_async_copy(tab.at[rc.at[p, 0]], bufp, gsp).wait()
            pltpu.sync_copy(bufp, acc.at[rc.at[p, 1]], add=True)

            @pl.when(g + 2 < NCH)
            def _():
                pltpu.async_copy(rc4.at[s, g + 2], rc.at[p], isp)

        def body(gg, carry):
            g0 = 2 * gg
            step(g0, 0)

            @pl.when(g0 + 1 < NCH)
            def _():
                step(g0 + 1, 1)

            return carry

        lax.fori_loop(0, (NCH + 1) // 2, body, 0)
        plsc.subcore_barrier()
        pltpu.sync_copy(acc.at[pl.ds(s * RPT, RPT)],
                        out_hbm.at[pl.ds(c * NP + s * RPT, RPT)])

    @pl.when(c == 0)
    def _():
        run(tab_a)

    @pl.when(c == 1)
    def _():
        run(tab_b)


def _agg_call(Fh, rc4, tab_a, tab_b):
    return pl.kernel(
        _agg_body,
        out_type=jax.ShapeDtypeStruct((2 * NP, Fh), jnp.float32),
        mesh=_mesh(),
        compiler_params=_SC_PARAMS,
        scratch_types=[
            pltpu.VMEM_SHARED((NP, Fh), jnp.float32),
            pltpu.VMEM((2, 2, K), jnp.int32),
            pltpu.VMEM((K, Fh), jnp.float32),
            pltpu.VMEM((K, Fh), jnp.float32),
            pltpu.SemaphoreType.DMA,
            pltpu.SemaphoreType.DMA,
            pltpu.SemaphoreType.DMA,
            pltpu.SemaphoreType.DMA,
        ],
    )(rc4, tab_a, tab_b)


def _prescale_body(p0, p1, x, dis_b, y0a, y0b):
    deg = p0[:, 0:1] + p1[:, 0:1] + 1.0
    dis = lax.rsqrt(deg)
    dis_b[...] = jnp.broadcast_to(dis, (BLK, 128))
    y0a[...] = x[:, : IN // 2] * dis
    y0b[...] = x[:, IN // 2:] * dis


def _prescale_call(degp, xp):
    return pl.pallas_call(
        _prescale_body,
        grid=(NB,),
        in_specs=[
            pl.BlockSpec((BLK, 16), lambda b: (b, 0)),
            pl.BlockSpec((BLK, 16), lambda b: (b + NB, 0)),
            pl.BlockSpec((BLK, IN), lambda b: (b, 0)),
        ],
        out_specs=[
            pl.BlockSpec((BLK, 128), lambda b: (b, 0)),
            pl.BlockSpec((BLK, IN // 2), lambda b: (b, 0)),
            pl.BlockSpec((BLK, IN // 2), lambda b: (b, 0)),
        ],
        out_shape=[
            jax.ShapeDtypeStruct((NP, 128), jnp.float32),
            jax.ShapeDtypeStruct((NP, IN // 2), jnp.float32),
            jax.ShapeDtypeStruct((NP, IN // 2), jnp.float32),
        ],
    )(degp, degp, xp)


def _layer0_body(sa, sb, db, cb, W, Bp, ya, yb):
    dis = db[:, 0:1]
    a = sa[...] * dis
    b2 = sb[...] * dis
    cl = cb[:, 0:1]
    acc = jnp.zeros((BLK, H), jnp.float32)
    for j in range(C):
        m = (jnp.dot(a, W[j, : IN // 2, :], preferred_element_type=jnp.float32)
             + jnp.dot(b2, W[j, IN // 2:, :], preferred_element_type=jnp.float32)
             + Bp[j, :][None, :])
        acc = jnp.where(cl == j, m, acc)
    ya[...] = acc[:, : H // 2] * dis
    yb[...] = acc[:, H // 2:] * dis


def _layer0_call(s0, dis_b, cl_b, W0, B0p):
    return pl.pallas_call(
        _layer0_body,
        grid=(NB,),
        in_specs=[
            pl.BlockSpec((BLK, IN // 2), lambda b: (b, 0)),
            pl.BlockSpec((BLK, IN // 2), lambda b: (b + NB, 0)),
            pl.BlockSpec((BLK, 128), lambda b: (b, 0)),
            pl.BlockSpec((BLK, 128), lambda b: (b, 0)),
            pl.BlockSpec((C, IN, H), lambda b: (0, 0, 0)),
            pl.BlockSpec((8, H), lambda b: (0, 0)),
        ],
        out_specs=[
            pl.BlockSpec((BLK, H // 2), lambda b: (b, 0)),
            pl.BlockSpec((BLK, H // 2), lambda b: (b, 0)),
        ],
        out_shape=[
            jax.ShapeDtypeStruct((NP, H // 2), jnp.float32),
            jax.ShapeDtypeStruct((NP, H // 2), jnp.float32),
        ],
    )(s0, s0, dis_b, cl_b, W0, B0p)


def _layer1_body(sa, sb, db, cb, bt, W, Bp, Wm1, aux, Wm2, out, pooled):
    b = pl.program_id(0)
    dis = db[:, 0:1]
    agg = jnp.concatenate([sa[...] * dis, sb[...] * dis], axis=1)
    cl = cb[:, 0:1]
    acc = jnp.zeros((BLK, H), jnp.float32)
    for j in range(C):
        m = (jnp.dot(agg, W[j], preferred_element_type=jnp.float32)
             + Bp[j, :][None, :])
        acc = jnp.where(cl == j, m, acc)
    bids = bt[...].reshape(1, BLK)
    gi = lax.broadcasted_iota(jnp.int32, (G, BLK), 0)
    oh = (gi == bids).astype(jnp.float32)
    part = jnp.dot(oh, acc, preferred_element_type=jnp.float32)

    @pl.when(b == 0)
    def _():
        pooled[...] = part

    @pl.when(b > 0)
    def _():
        pooled[...] += part

    @pl.when(b == NB - 1)
    def _():
        p = pooled[...]
        hm = jnp.dot(p, Wm1[...], preferred_element_type=jnp.float32) + aux[0, :][None, :]
        mu = jnp.mean(hm, axis=0, keepdims=True)
        var = jnp.mean((hm - mu) * (hm - mu), axis=0, keepdims=True)
        hm = (hm - mu) * lax.rsqrt(var + 1e-5) * aux[1, :][None, :] + aux[2, :][None, :]
        hm = jnp.maximum(hm, 0.0)
        out[...] = jnp.dot(hm, Wm2[...], preferred_element_type=jnp.float32) + aux[3, :OUT][None, :]


def _layer1_call(s1, dis_b, cl_b, bt3, W1, B1p, Wm1, aux, Wm2):
    return pl.pallas_call(
        _layer1_body,
        grid=(NB,),
        in_specs=[
            pl.BlockSpec((BLK, H // 2), lambda b: (b, 0)),
            pl.BlockSpec((BLK, H // 2), lambda b: (b + NB, 0)),
            pl.BlockSpec((BLK, 128), lambda b: (b, 0)),
            pl.BlockSpec((BLK, 128), lambda b: (b, 0)),
            pl.BlockSpec((1, 1, BLK), lambda b: (b, 0, 0)),
            pl.BlockSpec((C, H, H), lambda b: (0, 0, 0)),
            pl.BlockSpec((8, H), lambda b: (0, 0)),
            pl.BlockSpec((H, H), lambda b: (0, 0)),
            pl.BlockSpec((8, H), lambda b: (0, 0)),
            pl.BlockSpec((H, OUT), lambda b: (0, 0)),
        ],
        out_specs=pl.BlockSpec((G, OUT), lambda b: (0, 0)),
        out_shape=jax.ShapeDtypeStruct((G, OUT), jnp.float32),
        scratch_shapes=[pltpu.VMEM((G, H), jnp.float32)],
    )(s1, s1, dis_b, cl_b, bt3, W1, B1p, Wm1, aux, Wm2)


def kernel(x_feat, cluster_labels, edge_index, batch, W0, B0, W1, B1,
           Wm1, bm1, gamma, beta, Wm2, bm2):
    row = edge_index[0].astype(jnp.int32)
    col = edge_index[1].astype(jnp.int32)
    row3 = jnp.pad(row.reshape(NT, E // NT), ((0, 0), (0, EPT - E // NT))
                   ).reshape(NT, NCH, K)
    col3 = jnp.pad(col.reshape(NT, E // NT), ((0, 0), (0, EPT - E // NT)),
                   constant_values=NP - 1).reshape(NT, NCH, K)
    rc4 = jnp.stack([row3, col3], axis=2)
    colD = jnp.pad(col, (0, NSC * NT * EPT_D - E),
                   constant_values=NP - 1).reshape(NSC, NT, NCH_D, K)

    xp = jnp.pad(x_feat, ((0, NP - N), (0, 0)))
    clp = jnp.pad(cluster_labels.astype(jnp.int8), (0, NP - N))
    cl_b = jnp.broadcast_to(clp[:, None], (NP, 128))
    btp = jnp.pad(batch.astype(jnp.int32), (0, NP - N), constant_values=G)
    bt3 = btp.reshape(NB, 1, BLK)
    B0p = jnp.pad(B0, ((0, 8 - C), (0, 0)))
    B1p = jnp.pad(B1, ((0, 8 - C), (0, 0)))
    aux = jnp.pad(
        jnp.stack([bm1, gamma, beta, jnp.pad(bm2, (0, H - OUT))], axis=0),
        ((0, 4), (0, 0)))
    zeros16 = jnp.zeros((RPT, 16), jnp.float32)
    ones16 = jnp.ones((K, 16), jnp.float32)

    degp = _deg_call(colD, zeros16, ones16)
    dis_b, y0a, y0b = _prescale_call(degp, xp)
    s0 = _agg_call(IN // 2, rc4, y0a, y0b)
    y1a, y1b = _layer0_call(s0, dis_b, cl_b, W0, B0p)
    s1 = _agg_call(H // 2, rc4, y1a, y1b)
    return _layer1_call(s1, dis_b, cl_b, bt3, W1, B1p, Wm1, aux, Wm2)

# --- scband reference (transcript-rebuilt; emitter-appended) ---
"""Pipeline reference for scband-partition-enhanced-gcn-28965259444458 (READ-ONLY COPY).

The authoritative reference and input builder live on the scoring server;
editing this copy changes nothing except your own understanding.
"""

import jax, jax.numpy as jnp
import numpy as np

N = 10000   # nodes
E = 320000  # edges
IN = 128    # in_channels (feature part of data.x, excluding cluster-label column)
H = 256     # hidden_channels
OUT = 128   # out_channels
L = 2       # num_layers
C = 4       # num_clusters
G = 64      # number of graphs in batch


def setup_inputs(seed: int = 0) -> dict:
    key = jax.random.key(seed)
    ks = jax.random.split(key, 10)
    x_feat = jax.random.normal(ks[0], (N, IN), dtype=jnp.float32)
    cluster_labels = jax.random.randint(ks[1], (N,), 0, C, dtype=jnp.int64)
    edge_index = jax.random.randint(ks[2], (2, E), 0, N, dtype=jnp.int64)
    batch = jnp.sort(jax.random.randint(ks[3], (N,), 0, G, dtype=jnp.int64))
    s0 = 1.0 / np.sqrt(IN)
    s1 = 1.0 / np.sqrt(H)
    # layer 0: C convs mapping IN -> H ; layer 1: C convs mapping H -> H
    W0 = jax.random.normal(ks[4], (C, IN, H), dtype=jnp.float32) * s0
    B0 = jnp.zeros((C, H), dtype=jnp.float32)
    W1 = jax.random.normal(ks[5], (C, H, H), dtype=jnp.float32) * s1
    B1 = jnp.zeros((C, H), dtype=jnp.float32)
    # pool MLP: Linear(H,H) -> BatchNorm -> ReLU -> Linear(H,OUT)
    Wm1 = jax.random.normal(ks[6], (H, H), dtype=jnp.float32) * s1
    bm1 = jnp.zeros((H,), dtype=jnp.float32)
    gamma = jnp.ones((H,), dtype=jnp.float32)
    beta = jnp.zeros((H,), dtype=jnp.float32)
    Wm2 = jax.random.normal(ks[7], (H, OUT), dtype=jnp.float32) * s1
    bm2 = jnp.zeros((OUT,), dtype=jnp.float32)
    return {"x_feat": x_feat, "cluster_labels": cluster_labels, "edge_index": edge_index,
            "batch": batch, "W0": W0, "B0": B0, "W1": W1, "B1": B1,
            "Wm1": Wm1, "bm1": bm1, "gamma": gamma, "beta": beta,
            "Wm2": Wm2, "bm2": bm2}


def _gcn_norm(edge_index):
    # gcn_norm with add_self_loops=True, improved=False, edge_weight=None
    row = edge_index[0]
    col = edge_index[1]
    loop = jnp.arange(N, dtype=row.dtype)
    row = jnp.concatenate([row, loop])
    col = jnp.concatenate([col, loop])
    deg = jnp.zeros((N,), dtype=jnp.float32).at[col].add(1.0)
    dis = jnp.where(deg > 0, jax.lax.rsqrt(jnp.maximum(deg, 1e-12)), 0.0)
    norm = dis[row] * dis[col]
    return row, col, norm


def reference(x_feat, cluster_labels, edge_index, batch, W0, B0, W1, B1,
              Wm1, bm1, gamma, beta, Wm2, bm2):
    row, col, norm = _gcn_norm(edge_index)
    # x = cat(features, zeros(N, hidden - in))
    x = jnp.concatenate([x_feat, jnp.zeros((N, H - IN), dtype=x_feat.dtype)], axis=1)
    for i in range(L):
        x2 = jnp.zeros((N, H), dtype=jnp.float32)
        for j in range(C):
            if i == 0:
                h = x[:, :IN] @ W0[j]
                b = B0[j]
            else:
                h = x @ W1[j]
                b = B1[j]
            msg = norm[:, None] * h[row]          # gather source nodes
            out = jnp.zeros((N, H), dtype=jnp.float32).at[col].add(msg)  # scatter-add to targets
            out = out + b
            mask = (cluster_labels == j)
            x2 = jnp.where(mask[:, None], out, x2)  # x2[mask,:] = out[mask,:]
        x = x2
    # global_add_pool
    pooled = jax.ops.segment_sum(x, batch, num_segments=G)
    # MLP([H, H, OUT], act='relu') with batch norm (training-mode batch stats)
    hm = pooled @ Wm1 + bm1
    mu = hm.mean(axis=0)
    var = hm.var(axis=0)
    hm = (hm - mu) / jnp.sqrt(var + 1e-5) * gamma + beta
    hm = jax.nn.relu(hm)
    return hm @ Wm2 + bm2

if __name__ == "__main__":
    import jax
    _d = setup_inputs()
    print(jax.jit(kernel)(*tuple(_d.values())))

</pallas_src>

<mosaic_0001>
#map = affine_map<(d0, d1) -> (0, 0, 0, 0)>
#map1 = affine_map<(d0, d1) -> (0, 0)>
module attributes {stable_mosaic.version = 14 : i64} {
  func.func @_deg_body(%arg0: i32, %arg1: i32, %arg2: memref<2x16x79x128xi32, #tpu.memory_space<hbm>>, %arg3: memref<640x16xf32, #tpu.memory_space<hbm>>, %arg4: memref<128x16xf32, #tpu.memory_space<hbm>>, %arg5: memref<20480x16xf32, #tpu.memory_space<hbm>>, %arg6: memref<10240x16xf32, #tpu.memory_space<vmem_shared>>, %arg7: memref<79x128xi32, #tpu.memory_space<vmem>>, %arg8: memref<128x16xf32, #tpu.memory_space<vmem>>) attributes {dimension_semantics = [#tpu.dimension_semantics<core_parallel>, #tpu.dimension_semantics<subcore_parallel>], iteration_bounds = array<i64: 2, 16>, scalar_prefetch = 0 : i64, scratch_operands = 3 : i64, tpu.core_type = #tpu.core_type<sc_vector_subcore>, window_params = [{transform_indices = #map}, {transform_indices = #map1}, {transform_indices = #map1}, {transform_indices = #map1}]} {
    %mul3A = arith.constant 640 : i32
    %mul3A_0 = arith.muli %arg1, %mul3A : i32
    "tpu.region"() ({
      %run_scoped3A = tpu.sem_alloc : memref<!tpu.dma_semaphore, #tpu.memory_space<semaphore_mem>>
      %dma_start3A = arith.constant 0 : i32
      %dma_start3A_13 = tpu.memref_slice %arg6[%mul3A_0, %dma_start3A] : memref<10240x16xf32, #tpu.memory_space<vmem_shared>> -> memref<640x16xf32, #tpu.memory_space<vmem_shared>>
      tpu.enqueue_dma source(%arg3 : memref<640x16xf32, #tpu.memory_space<hbm>>) target(%dma_start3A_13 : memref<640x16xf32, #tpu.memory_space<vmem_shared>>) target_semaphore(%run_scoped3A : memref<!tpu.dma_semaphore, #tpu.memory_space<semaphore_mem>>)
      %dma_wait3A = arith.constant 0 : i32
      %dma_wait3A_14 = tpu.memref_slice %arg6[%mul3A_0, %dma_wait3A] : memref<10240x16xf32, #tpu.memory_space<vmem_shared>> -> memref<640x16xf32, #tpu.memory_space<vmem_shared>>
      tpu.wait_dma2 semaphore(%run_scoped3A : memref<!tpu.dma_semaphore, #tpu.memory_space<semaphore_mem>>) src(%arg3 : memref<640x16xf32, #tpu.memory_space<hbm>>) dst(%dma_wait3A_14 : memref<640x16xf32, #tpu.memory_space<vmem_shared>>)
      tpu.yield
    }) : () -> ()
    "tpu.region"() ({
      %run_scoped3A = tpu.sem_alloc : memref<!tpu.dma_semaphore, #tpu.memory_space<semaphore_mem>>
      tpu.enqueue_dma source(%arg4 : memref<128x16xf32, #tpu.memory_space<hbm>>) target(%arg8 : memref<128x16xf32, #tpu.memory_space<vmem>>) target_semaphore(%run_scoped3A : memref<!tpu.dma_semaphore, #tpu.memory_space<semaphore_mem>>)
      tpu.wait_dma2 semaphore(%run_scoped3A : memref<!tpu.dma_semaphore, #tpu.memory_space<semaphore_mem>>) src(%arg4 : memref<128x16xf32, #tpu.memory_space<hbm>>) dst(%arg8 : memref<128x16xf32, #tpu.memory_space<vmem>>)
      tpu.yield
    }) : () -> ()
    "tpu.region"() ({
      %run_scoped3A = tpu.sem_alloc : memref<!tpu.dma_semaphore, #tpu.memory_space<semaphore_mem>>
      %dma_start3A = arith.constant 0 : i32
      %dma_start3A_13 = arith.constant 0 : i32
      %dma_start3A_14 = tpu.memref_slice %arg2[%arg0, %arg1, %dma_start3A, %dma_start3A_13] : memref<2x16x79x128xi32, #tpu.memory_space<hbm>> -> memref<1x1x79x128xi32, #tpu.memory_space<hbm>>
      %dma_start3A_15 = tpu.memref_squeeze %dma_start3A_14 : memref<1x1x79x128xi32, #tpu.memory_space<hbm>> -> memref<79x128xi32, #tpu.memory_space<hbm>>
      %dma_start3A_16 = arith.constant 0 : i32
      %dma_start3A_17 = arith.constant 0 : i32
      %dma_start3A_18 = tpu.memref_slice %arg2[%arg0, %arg1, %dma_start3A_16, %dma_start3A_17] : memref<2x16x79x128xi32, #tpu.memory_space<hbm>> -> memref<1x1x79x128xi32, #tpu.memory_space<hbm>>
      %dma_start3A_19 = tpu.memref_squeeze %dma_start3A_18 : memref<1x1x79x128xi32, #tpu.memory_space<hbm>> -> memref<79x128xi32, #tpu.memory_space<hbm>>
      tpu.enqueue_dma source(%dma_start3A_19 : memref<79x128xi32, #tpu.memory_space<hbm>>) target(%arg7 : memref<79x128xi32, #tpu.memory_space<vmem>>) target_semaphore(%run_scoped3A : memref<!tpu.dma_semaphore, #tpu.memory_space<semaphore_mem>>)
      %dma_wait3A = arith.constant 0 : i32
      %dma_wait3A_20 = arith.constant 0 : i32
      %dma_wait3A_21 = tpu.memref_slice %arg2[%arg0, %arg1, %dma_wait3A, %dma_wait3A_20] : memref<2x16x79x128xi32, #tpu.memory_space<hbm>> -> memref<1x1x79x128xi32, #tpu.memory_space<hbm>>
      %dma_wait3A_22 = tpu.memref_squeeze %dma_wait3A_21 : memref<1x1x79x128xi32, #tpu.memory_space<hbm>> -> memref<79x128xi32, #tpu.memory_space<hbm>>
      %dma_wait3A_23 = arith.constant 0 : i32
      %dma_wait3A_24 = arith.constant 0 : i32
      %dma_wait3A_25 = tpu.memref_slice %arg2[%arg0, %arg1, %dma_wait3A_23, %dma_wait3A_24] : memref<2x16x79x128xi32, #tpu.memory_space<hbm>> -> memref<1x1x79x128xi32, #tpu.memory_space<hbm>>
      %dma_wait3A_26 = tpu.memref_squeeze %dma_wait3A_25 : memref<1x1x79x128xi32, #tpu.memory_space<hbm>> -> memref<79x128xi32, #tpu.memory_space<hbm>>
      tpu.wait_dma2 semaphore(%run_scoped3A : memref<!tpu.dma_semaphore, #tpu.memory_space<semaphore_mem>>) src(%dma_wait3A_26 : memref<79x128xi32, #tpu.memory_space<hbm>>) dst(%arg7 : memref<79x128xi32, #tpu.memory_space<vmem>>)
      tpu.yield
    }) : () -> ()
    %barrier3A = arith.constant 0 : index
    tpu.barrier barrier_id(%barrier3A)
    %scan3A = arith.constant 0 : i32
    %scan3A_1 = arith.constant 0 : i32
    %scan3A_2 = arith.constant 79 : i32
    %scan3A_3 = arith.addi %scan3A_1, %scan3A_2 : i32
    %scan3A_4 = arith.constant 1 : i32
    scf.for %scan3A_13 = %scan3A_1 to %scan3A_3 step %scan3A_4  : i32 {
      "tpu.region"() ({
        %run_scoped3A = tpu.sem_alloc : memref<!tpu.dma_semaphore, #tpu.memory_space<semaphore_mem>>
        %dma_start3A = arith.constant 0 : i32
        %dma_start3A_14 = tpu.memref_slice %arg7[%scan3A_13, %dma_start3A] : memref<79x128xi32, #tpu.memory_space<vmem>> -> memref<1x128xi32, #tpu.memory_space<vmem>>
        %dma_start3A_15 = tpu.memref_squeeze %dma_start3A_14 : memref<1x128xi32, #tpu.memory_space<vmem>> -> memref<128xi32, #tpu.memory_space<vmem>>
        %dma_start3A_16 = arith.constant 0 : i32
        %dma_start3A_17 = arith.constant 0 : i32
        %dma_start3A_18 = tpu.memref_slice %arg6[%dma_start3A_16, %dma_start3A_17] : memref<10240x16xf32, #tpu.memory_space<vmem_shared>> -> memref<10240x16xf32, #tpu.memory_space<vmem_shared>>
        tpu.enqueue_indirect_dma source(%arg8 : memref<128x16xf32, #tpu.memory_space<vmem>>) target(%dma_start3A_18 : memref<10240x16xf32, #tpu.memory_space<vmem_shared>>) offsets(%dma_start3A_15 : memref<128xi32, #tpu.memory_space<vmem>>) semaphore(%run_scoped3A : memref<!tpu.dma_semaphore, #tpu.memory_space<semaphore_mem>>) {add = true}
        %dma_wait3A = arith.constant 0 : i32
        %dma_wait3A_19 = tpu.memref_slice %arg7[%scan3A_13, %dma_wait3A] : memref<79x128xi32, #tpu.memory_space<vmem>> -> memref<1x128xi32, #tpu.memory_space<vmem>>
        %dma_wait3A_20 = tpu.memref_squeeze %dma_wait3A_19 : memref<1x128xi32, #tpu.memory_space<vmem>> -> memref<128xi32, #tpu.memory_space<vmem>>
        %dma_wait3A_21 = arith.constant 0 : i32
        %dma_wait3A_22 = arith.constant 0 : i32
        %dma_wait3A_23 = tpu.memref_slice %arg6[%dma_wait3A_21, %dma_wait3A_22] : memref<10240x16xf32, #tpu.memory_space<vmem_shared>> -> memref<10240x16xf32, #tpu.memory_space<vmem_shared>>
        tpu.wait_indirect_dma semaphore(%run_scoped3A : memref<!tpu.dma_semaphore, #tpu.memory_space<semaphore_mem>>) src(%arg8 : memref<128x16xf32, #tpu.memory_space<vmem>>) dst(%dma_wait3A_23 : memref<10240x16xf32, #tpu.memory_space<vmem_shared>>)
        tpu.yield
      }) : () -> ()
    }
    %scan3A_5 = arith.constant 79 : i32
    %barrier3A_6 = arith.constant 0 : index
    tpu.barrier barrier_id(%barrier3A_6)
    %mul3A_7 = arith.constant 640 : i32
    %mul3A_8 = arith.muli %arg1, %mul3A_7 : i32
    %mul3A_9 = arith.constant 10240 : i32
    %mul3A_10 = arith.muli %arg0, %mul3A_9 : i32
    %mul3A_11 = arith.constant 640 : i32
    %mul3A_12 = arith.muli %arg1, %mul3A_11 : i32
    %add3A = arith.addi %mul3A_10, %mul3A_12 : i32
    "tpu.region"() ({
      %run_scoped3A = tpu.sem_alloc : memref<!tpu.dma_semaphore, #tpu.memory_space<semaphore_mem>>
      %dma_start3A = arith.constant 0 : i32
      %dma_start3A_13 = tpu.memref_slice %arg5[%add3A, %dma_start3A] : memref<20480x16xf32, #tpu.memory_space<hbm>> -> memref<640x16xf32, #tpu.memory_space<hbm>>
      %dma_start3A_14 = arith.constant 0 : i32
      %dma_start3A_15 = tpu.memref_slice %arg6[%mul3A_8, %dma_start3A_14] : memref<10240x16xf32, #tpu.memory_space<vmem_shared>> -> memref<640x16xf32, #tpu.memory_space<vmem_shared>>
      tpu.enqueue_dma source(%dma_start3A_15 : memref<640x16xf32, #tpu.memory_space<vmem_shared>>) target(%dma_start3A_13 : memref<640x16xf32, #tpu.memory_space<hbm>>) target_semaphore(%run_scoped3A : memref<!tpu.dma_semaphore, #tpu.memory_space<semaphore_mem>>)
      %dma_wait3A = arith.constant 0 : i32
      %dma_wait3A_16 = tpu.memref_slice %arg5[%add3A, %dma_wait3A] : memref<20480x16xf32, #tpu.memory_space<hbm>> -> memref<640x16xf32, #tpu.memory_space<hbm>>
      %dma_wait3A_17 = arith.constant 0 : i32
      %dma_wait3A_18 = tpu.memref_slice %arg6[%mul3A_8, %dma_wait3A_17] : memref<10240x16xf32, #tpu.memory_space<vmem_shared>> -> memref<640x16xf32, #tpu.memory_space<vmem_shared>>
      tpu.wait_dma2 semaphore(%run_scoped3A : memref<!tpu.dma_semaphore, #tpu.memory_space<semaphore_mem>>) src(%dma_wait3A_18 : memref<640x16xf32, #tpu.memory_space<vmem_shared>>) dst(%dma_wait3A_16 : memref<640x16xf32, #tpu.memory_space<hbm>>)
      tpu.yield
    }) : () -> ()
    return
  }
}

#map = affine_map<(d0, d1) -> (0, 0, 0, 0)>
#map1 = affine_map<(d0, d1) -> (0, 0)>
module attributes {stable_mosaic.version = 14 : i64} {
  func.func @_agg_body(%arg0: i32, %arg1: i32, %arg2: memref<16x157x2x128xi32, #tpu.memory_space<hbm>>, %arg3: memref<10240x128xf32, #tpu.memory_space<hbm>>, %arg4: memref<10240x128xf32, #tpu.memory_space<hbm>>, %arg5: memref<20480x128xf32, #tpu.memory_space<hbm>>, %arg6: memref<10240x128xf32, #tpu.memory_space<vmem_shared>>, %arg7: memref<2x2x128xi32, #tpu.memory_space<vmem>>, %arg8: memref<128x128xf32, #tpu.memory_space<vmem>>, %arg9: memref<128x128xf32, #tpu.memory_space<vmem>>, %arg10: memref<!tpu.dma_semaphore, #tpu.memory_space<semaphore_mem>>, %arg11: memref<!tpu.dma_semaphore, #tpu.memory_space<semaphore_mem>>, %arg12: memref<!tpu.dma_semaphore, #tpu.memory_space<semaphore_mem>>, %arg13: memref<!tpu.dma_semaphore, #tpu.memory_space<semaphore_mem>>) attributes {dimension_semantics = [#tpu.dimension_semantics<core_parallel>, #tpu.dimension_semantics<subcore_parallel>], iteration_bounds = array<i64: 2, 16>, scalar_prefetch = 0 : i64, scratch_operands = 8 : i64, tpu.core_type = #tpu.core_type<sc_vector_subcore>, window_params = [{transform_indices = #map}, {transform_indices = #map1}, {transform_indices = #map1}, {transform_indices = #map1}]} {
    %eq3A = arith.constant 0 : i32
    %eq3A_0 = arith.cmpi eq, %arg0, %eq3A : i32
    %convert_element_type3A = arith.extui %eq3A_0 : i1 to i32
    %cond3A = arith.constant 0 : i32
    %cond3A_1 = arith.cmpi ne, %convert_element_type3A, %cond3A : i32
    scf.if %cond3A_1 {
      %mul3A = arith.constant 640 : i32
      %mul3A_7 = arith.muli %arg1, %mul3A : i32
      %mul3A_8 = arith.constant 640 : i32
      %mul3A_9 = arith.muli %arg1, %mul3A_8 : i32
      "tpu.region"() ({
        %run_scoped3A_48 = tpu.sem_alloc : memref<!tpu.dma_semaphore, #tpu.memory_space<semaphore_mem>>
        %dma_start3A_49 = arith.constant 0 : i32
        %dma_start3A_50 = tpu.memref_slice %arg6[%mul3A_9, %dma_start3A_49] : memref<10240x128xf32, #tpu.memory_space<vmem_shared>> -> memref<640x128xf32, #tpu.memory_space<vmem_shared>>
        %dma_start3A_51 = arith.constant 0 : i32
        %dma_start3A_52 = tpu.memref_slice %arg3[%mul3A_7, %dma_start3A_51] : memref<10240x128xf32, #tpu.memory_space<hbm>> -> memref<640x128xf32, #tpu.memory_space<hbm>>
        tpu.enqueue_dma source(%dma_start3A_52 : memref<640x128xf32, #tpu.memory_space<hbm>>) target(%dma_start3A_50 : memref<640x128xf32, #tpu.memory_space<vmem_shared>>) target_semaphore(%run_scoped3A_48 : memref<!tpu.dma_semaphore, #tpu.memory_space<semaphore_mem>>)
        %dma_wait3A = arith.constant 0 : i32
        %dma_wait3A_53 = tpu.memref_slice %arg6[%mul3A_9, %dma_wait3A] : memref<10240x128xf32, #tpu.memory_space<vmem_shared>> -> memref<640x128xf32, #tpu.memory_space<vmem_shared>>
        %dma_wait3A_54 = arith.constant 0 : i32
        %dma_wait3A_55 = tpu.memref_slice %arg3[%mul3A_7, %dma_wait3A_54] : memref<10240x128xf32, #tpu.memory_space<hbm>> -> memref<640x128xf32, #tpu.memory_space<hbm>>
        tpu.wait_dma2 semaphore(%run_scoped3A_48 : memref<!tpu.dma_semaphore, #tpu.memory_space<semaphore_mem>>) src(%dma_wait3A_55 : memref<640x128xf32, #tpu.memory_space<hbm>>) dst(%dma_wait3A_53 : memref<640x128xf32, #tpu.memory_space<vmem_shared>>)
        tpu.yield
      }) : () -> ()
      %barrier3A = arith.constant 0 : index
      tpu.barrier barrier_id(%barrier3A)
      %run_scoped3A = arith.constant 0 : i32
      %run_scoped3A_10 = arith.constant 0 : i32
      "tpu.region"() ({
        %run_scoped3A_48 = tpu.sem_alloc : memref<!tpu.dma_semaphore, #tpu.memory_space<semaphore_mem>>
        %dma_start3A_49 = arith.constant 0 : i32
        %dma_start3A_50 = arith.constant 0 : i32
        %dma_start3A_51 = tpu.memref_slice %arg7[%run_scoped3A_10, %dma_start3A_49, %dma_start3A_50] : memref<2x2x128xi32, #tpu.memory_space<vmem>> -> memref<1x2x128xi32, #tpu.memory_space<vmem>>
        %dma_start3A_52 = tpu.memref_squeeze %dma_start3A_51 : memref<1x2x128xi32, #tpu.memory_space<vmem>> -> memref<2x128xi32, #tpu.memory_space<vmem>>
        %dma_start3A_53 = arith.constant 0 : i32
        %dma_start3A_54 = arith.constant 0 : i32
        %dma_start3A_55 = tpu.memref_slice %arg2[%arg1, %run_scoped3A, %dma_start3A_53, %dma_start3A_54] : memref<16x157x2x128xi32, #tpu.memory_space<hbm>> -> memref<1x1x2x128xi32, #tpu.memory_space<hbm>>
        %dma_start3A_56 = tpu.memref_squeeze %dma_start3A_55 : memref<1x1x2x128xi32, #tpu.memory_space<hbm>> -> memref<2x128xi32, #tpu.memory_space<hbm>>
        %dma_start3A_57 = arith.constant 0 : i32
        %dma_start3A_58 = arith.constant 0 : i32
        %dma_start3A_59 = tpu.memref_slice %arg7[%run_scoped3A_10, %dma_start3A_57, %dma_start3A_58] : memref<2x2x128xi32, #tpu.memory_space<vmem>> -> memref<1x2x128xi32, #tpu.memory_space<vmem>>
        %dma_start3A_60 = tpu.memref_squeeze %dma_start3A_59 : memref<1x2x128xi32, #tpu.memory_space<vmem>> -> memref<2x128xi32, #tpu.memory_space<vmem>>
        %dma_start3A_61 = arith.constant 0 : i32
        %dma_start3A_62 = arith.constant 0 : i32
        %dma_start3A_63 = tpu.memref_slice %arg2[%arg1, %run_scoped3A, %dma_start3A_61, %dma_start3A_62] : memref<16x157x2x128xi32, #tpu.memory_space<hbm>> -> memref<1x1x2x128xi32, #tpu.memory_space<hbm>>
        %dma_start3A_64 = tpu.memref_squeeze %dma_start3A_63 : memref<1x1x2x128xi32, #tpu.memory_space<hbm>> -> memref<2x128xi32, #tpu.memory_space<hbm>>
        tpu.enqueue_dma source(%dma_start3A_64 : memref<2x128xi32, #tpu.memory_space<hbm>>) target(%dma_start3A_60 : memref<2x128xi32, #tpu.memory_space<vmem>>) target_semaphore(%run_scoped3A_48 : memref<!tpu.dma_semaphore, #tpu.memory_space<semaphore_mem>>)
        %dma_wait3A = arith.constant 0 : i32
        %dma_wait3A_65 = arith.constant 0 : i32
        %dma_wait3A_66 = tpu.memref_slice %arg7[%run_scoped3A_10, %dma_wait3A, %dma_wait3A_65] : memref<2x2x128xi32, #tpu.memory_space<vmem>> -> memref<1x2x128xi32, #tpu.memory_space<vmem>>
        %dma_wait3A_67 = tpu.memref_squeeze %dma_wait3A_66 : memref<1x2x128xi32, #tpu.memory_space<vmem>> -> memref<2x128xi32, #tpu.memory_space<vmem>>
        %dma_wait3A_68 = arith.constant 0 : i32
        %dma_wait3A_69 = arith.constant 0 : i32
        %dma_wait3A_70 = tpu.memref_slice %arg2[%arg1, %run_scoped3A, %dma_wait3A_68, %dma_wait3A_69] : memref<16x157x2x128xi32, #tpu.memory_space<hbm>> -> memref<1x1x2x128xi32, #tpu.memory_space<hbm>>
        %dma_wait3A_71 = tpu.memref_squeeze %dma_wait3A_70 : memref<1x1x2x128xi32, #tpu.memory_space<hbm>> -> memref<2x128xi32, #tpu.memory_space<hbm>>
        %dma_wait3A_72 = arith.constant 0 : i32
        %dma_wait3A_73 = arith.constant 0 : i32
        %dma_wait3A_74 = tpu.memref_slice %arg7[%run_scoped3A_10, %dma_wait3A_72, %dma_wait3A_73] : memref<2x2x128xi32, #tpu.memory_space<vmem>> -> memref<1x2x128xi32, #tpu.memory_space<vmem>>
        %dma_wait3A_75 = tpu.memref_squeeze %dma_wait3A_74 : memref<1x2x128xi32, #tpu.memory_space<vmem>> -> memref<2x128xi32, #tpu.memory_space<vmem>>
        %dma_wait3A_76 = arith.constant 0 : i32
        %dma_wait3A_77 = arith.constant 0 : i32
        %dma_wait3A_78 = tpu.memref_slice %arg2[%arg1, %run_scoped3A, %dma_wait3A_76, %dma_wait3A_77] : memref<16x157x2x128xi32, #tpu.memory_space<hbm>> -> memref<1x1x2x128xi32, #tpu.memory_space<hbm>>
        %dma_wait3A_79 = tpu.memref_squeeze %dma_wait3A_78 : memref<1x1x2x128xi32, #tpu.memory_space<hbm>> -> memref<2x128xi32, #tpu.memory_space<hbm>>
        tpu.wait_dma2 semaphore(%run_scoped3A_48 : memref<!tpu.dma_semaphore, #tpu.memory_space<semaphore_mem>>) src(%dma_wait3A_79 : memref<2x128xi32, #tpu.memory_space<hbm>>) dst(%dma_wait3A_75 : memref<2x128xi32, #tpu.memory_space<vmem>>)
        tpu.yield
      }) : () -> ()
      %dma_start3A = arith.constant 0 : i32
      %dma_start3A_11 = arith.constant 0 : i32
      %dma_start3A_12 = arith.constant 0 : i32
      %dma_start3A_13 = tpu.memref_slice %arg7[%dma_start3A, %dma_start3A_11, %dma_start3A_12] : memref<2x2x128xi32, #tpu.memory_space<vmem>> -> memref<1x1x128xi32, #tpu.memory_space<vmem>>
      %dma_start3A_14 = tpu.memref_squeeze %dma_start3A_13 : memref<1x1x128xi32, #tpu.memory_space<vmem>> -> memref<128xi32, #tpu.memory_space<vmem>>
      %dma_start3A_15 = arith.constant 0 : i32
      %dma_start3A_16 = arith.constant 0 : i32
      %dma_start3A_17 = tpu.memref_slice %arg3[%dma_start3A_15, %dma_start3A_16] : memref<10240x128xf32, #tpu.memory_space<hbm>> -> memref<10240x128xf32, #tpu.memory_space<hbm>>
      tpu.enqueue_indirect_dma source(%dma_start3A_17 : memref<10240x128xf32, #tpu.memory_space<hbm>>) target(%arg8 : memref<128x128xf32, #tpu.memory_space<vmem>>) offsets(%dma_start3A_14 : memref<128xi32, #tpu.memory_space<vmem>>) semaphore(%arg10 : memref<!tpu.dma_semaphore, #tpu.memory_space<semaphore_mem>>)
      %dma_start3A_18 = arith.constant 1 : i32
      %dma_start3A_19 = arith.constant 1 : i32
      %dma_start3A_20 = arith.constant 0 : i32
      %dma_start3A_21 = arith.constant 0 : i32
      %dma_start3A_22 = tpu.memref_slice %arg7[%dma_start3A_19, %dma_start3A_20, %dma_start3A_21] : memref<2x2x128xi32, #tpu.memory_space<vmem>> -> memref<1x2x128xi32, #tpu.memory_space<vmem>>
      %dma_start3A_23 = tpu.memref_squeeze %dma_start3A_22 : memref<1x2x128xi32, #tpu.memory_space<vmem>> -> memref<2x128xi32, #tpu.memory_space<vmem>>
      %dma_start3A_24 = arith.constant 0 : i32
      %dma_start3A_25 = arith.constant 0 : i32
      %dma_start3A_26 = tpu.memref_slice %arg2[%arg1, %dma_start3A_18, %dma_start3A_24, %dma_start3A_25] : memref<16x157x2x128xi32, #tpu.memory_space<hbm>> -> memref<1x1x2x128xi32, #tpu.memory_space<hbm>>
      %dma_start3A_27 = tpu.memref_squeeze %dma_start3A_26 : memref<1x1x2x128xi32, #tpu.memory_space<hbm>> -> memref<2x128xi32, #tpu.memory_space<hbm>>
      %dma_start3A_28 = arith.constant 0 : i32
      %dma_start3A_29 = arith.constant 0 : i32
      %dma_start3A_30 = tpu.memref_slice %arg7[%dma_start3A_19, %dma_start3A_28, %dma_start3A_29] : memref<2x2x128xi32, #tpu.memory_space<vmem>> -> memref<1x2x128xi32, #tpu.memory_space<vmem>>
      %dma_start3A_31 = tpu.memref_squeeze %dma_start3A_30 : memref<1x2x128xi32, #tpu.memory_space<vmem>> -> memref<2x128xi32, #tpu.memory_space<vmem>>
      %dma_start3A_32 = arith.constant 0 : i32
      %dma_start3A_33 = arith.constant 0 : i32
      %dma_start3A_34 = tpu.memref_slice %arg2[%arg1, %dma_start3A_18, %dma_start3A_32, %dma_start3A_33] : memref<16x157x2x128xi32, #tpu.memory_space<hbm>> -> memref<1x1x2x128xi32, #tpu.memory_space<hbm>>
      %dma_start3A_35 = tpu.memref_squeeze %dma_start3A_34 : memref<1x1x2x128xi32, #tpu.memory_space<hbm>> -> memref<2x128xi32, #tpu.memory_space<hbm>>
      tpu.enqueue_dma source(%dma_start3A_35 : memref<2x128xi32, #tpu.memory_space<hbm>>) target(%dma_start3A_31 : memref<2x128xi32, #tpu.memory_space<vmem>>) target_semaphore(%arg13 : memref<!tpu.dma_semaphore, #tpu.memory_space<semaphore_mem>>)
      %scan3A = arith.constant 0 : i32
      %scan3A_36 = arith.constant 0 : i32
      %scan3A_37 = arith.constant 79 : i32
      %scan3A_38 = arith.addi %scan3A_36, %scan3A_37 : i32
      %scan3A_39 = arith.constant 1 : i32
      scf.for %scan3A_48 = %scan3A_36 to %scan3A_38 step %scan3A_39  : i32 {
        %mul3A_49 = arith.constant 2 : i32
        %mul3A_50 = arith.muli %mul3A_49, %scan3A_48 : i32
        %add3A_51 = arith.constant 1 : i32
        %add3A_52 = arith.addi %mul3A_50, %add3A_51 : i32
        %lt3A = arith.constant 157 : i32
        %lt3A_53 = arith.cmpi slt, %add3A_52, %lt3A : i32
        %convert_element_type3A_54 = arith.extui %lt3A_53 : i1 to i32
        %cond3A_55 = arith.constant 0 : i32
        %cond3A_56 = arith.cmpi ne, %convert_element_type3A_54, %cond3A_55 : i32
        scf.if %cond3A_56 {
          %add3A_80 = arith.constant 1 : i32
          %add3A_81 = arith.addi %mul3A_50, %add3A_80 : i32
          %dma_wait3A_82 = arith.constant 1 : i32
          %dma_wait3A_83 = arith.constant 0 : i32
          %dma_wait3A_84 = arith.constant 0 : i32
          %dma_wait3A_85 = tpu.memref_slice %arg7[%dma_wait3A_82, %dma_wait3A_83, %dma_wait3A_84] : memref<2x2x128xi32, #tpu.memory_space<vmem>> -> memref<1x2x128xi32, #tpu.memory_space<vmem>>
          %dma_wait3A_86 = tpu.memref_squeeze %dma_wait3A_85 : memref<1x2x128xi32, #tpu.memory_space<vmem>> -> memref<2x128xi32, #tpu.memory_space<vmem>>
          %dma_wait3A_87 = arith.constant 0 : i32
          %dma_wait3A_88 = arith.constant 0 : i32
          %dma_wait3A_89 = tpu.memref_slice %arg2[%arg1, %add3A_81, %dma_wait3A_87, %dma_wait3A_88] : memref<16x157x2x128xi32, #tpu.memory_space<hbm>> -> memref<1x1x2x128xi32, #tpu.memory_space<hbm>>
          %dma_wait3A_90 = tpu.memref_squeeze %dma_wait3A_89 : memref<1x1x2x128xi32, #tpu.memory_space<hbm>> -> memref<2x128xi32, #tpu.memory_space<hbm>>
          %dma_wait3A_91 = arith.constant 0 : i32
          %dma_wait3A_92 = arith.constant 0 : i32
          %dma_wait3A_93 = tpu.memref_slice %arg7[%dma_wait3A_82, %dma_wait3A_91, %dma_wait3A_92] : memref<2x2x128xi32, #tpu.memory_space<vmem>> -> memref<1x2x128xi32, #tpu.memory_space<vmem>>
          %dma_wait3A_94 = tpu.memref_squeeze %dma_wait3A_93 : memref<1x2x128xi32, #tpu.memory_space<vmem>> -> memref<2x128xi32, #tpu.memory_space<vmem>>
          %dma_wait3A_95 = arith.constant 0 : i32
          %dma_wait3A_96 = arith.constant 0 : i32
          %dma_wait3A_97 = tpu.memref_slice %arg2[%arg1, %add3A_81, %dma_wait3A_95, %dma_wait3A_96] : memref<16x157x2x128xi32, #tpu.memory_space<hbm>> -> memref<1x1x2x128xi32, #tpu.memory_space<hbm>>
          %dma_wait3A_98 = tpu.memref_squeeze %dma_wait3A_97 : memref<1x1x2x128xi32, #tpu.memory_space<hbm>> -> memref<2x128xi32, #tpu.memory_space<hbm>>
          tpu.wait_dma2 semaphore(%arg13 : memref<!tpu.dma_semaphore, #tpu.memory_space<semaphore_mem>>) src(%dma_wait3A_98 : memref<2x128xi32, #tpu.memory_space<hbm>>) dst(%dma_wait3A_94 : memref<2x128xi32, #tpu.memory_space<vmem>>)
          %dma_start3A_99 = arith.constant 1 : i32
          %dma_start3A_100 = arith.constant 0 : i32
          %dma_start3A_101 = arith.constant 0 : i32
          %dma_start3A_102 = tpu.memref_slice %arg7[%dma_start3A_99, %dma_start3A_100, %dma_start3A_101] : memref<2x2x128xi32, #tpu.memory_space<vmem>> -> memref<1x1x128xi32, #tpu.memory_space<vmem>>
          %dma_start3A_103 = tpu.memref_squeeze %dma_start3A_102 : memref<1x1x128xi32, #tpu.memory_space<vmem>> -> memref<128xi32, #tpu.memory_space<vmem>>
          %dma_start3A_104 = arith.constant 0 : i32
          %dma_start3A_105 = arith.constant 0 : i32
          %dma_start3A_106 = tpu.memref_slice %arg3[%dma_start3A_104, %dma_start3A_105] : memref<10240x128xf32, #tpu.memory_space<hbm>> -> memref<10240x128xf32, #tpu.memory_space<hbm>>
          tpu.enqueue_indirect_dma source(%dma_start3A_106 : memref<10240x128xf32, #tpu.memory_space<hbm>>) target(%arg9 : memref<128x128xf32, #tpu.memory_space<vmem>>) offsets(%dma_start3A_103 : memref<128xi32, #tpu.memory_space<vmem>>) semaphore(%arg11 : memref<!tpu.dma_semaphore, #tpu.memory_space<semaphore_mem>>)
        } else {
        }
        %dma_wait3A = arith.constant 0 : i32
        %dma_wait3A_57 = arith.constant 0 : i32
        %dma_wait3A_58 = arith.constant 0 : i32
        %dma_wait3A_59 = tpu.memref_slice %arg7[%dma_wait3A, %dma_wait3A_57, %dma_wait3A_58] : memref<2x2x128xi32, #tpu.memory_space<vmem>> -> memref<1x1x128xi32, #tpu.memory_space<vmem>>
        %dma_wait3A_60 = tpu.memref_squeeze %dma_wait3A_59 : memref<1x1x128xi32, #tpu.memory_space<vmem>> -> memref<128xi32, #tpu.memory_space<vmem>>
        %dma_wait3A_61 = arith.constant 0 : i32
        %dma_wait3A_62 = arith.constant 0 : i32
        %dma_wait3A_63 = tpu.memref_slice %arg3[%dma_wait3A_61, %dma_wait3A_62] : memref<10240x128xf32, #tpu.memory_space<hbm>> -> memref<10240x128xf32, #tpu.memory_space<hbm>>
        tpu.wait_indirect_dma semaphore(%arg10 : memref<!tpu.dma_semaphore, #tpu.memory_space<semaphore_mem>>) src(%dma_wait3A_63 : memref<10240x128xf32, #tpu.memory_space<hbm>>) dst(%arg8 : memref<128x128xf32, #tpu.memory_space<vmem>>)
        %run_scoped3A_64 = arith.constant 0 : i32
        %run_scoped3A_65 = arith.constant 1 : i32
        "tpu.region"() ({
          %run_scoped3A_80 = tpu.sem_alloc : memref<!tpu.dma_semaphore, #tpu.memory_space<semaphore_mem>>
          %dma_start3A_81 = arith.constant 0 : i32
          %dma_start3A_82 = tpu.memref_slice %arg7[%run_scoped3A_64, %run_scoped3A_65, %dma_start3A_81] : memref<2x2x128xi32, #tpu.memory_space<vmem>> -> memref<1x1x128xi32, #tpu.memory_space<vmem>>
          %dma_start3A_83 = tpu.memref_squeeze %dma_start3A_82 : memref<1x1x128xi32, #tpu.memory_space<vmem>> -> memref<128xi32, #tpu.memory_space<vmem>>
          %dma_start3A_84 = arith.constant 0 : i32
          %dma_start3A_85 = arith.constant 0 : i32
          %dma_start3A_86 = tpu.memref_slice %arg6[%dma_start3A_84, %dma_start3A_85] : memref<10240x128xf32, #tpu.memory_space<vmem_shared>> -> memref<10240x128xf32, #tpu.memory_space<vmem_shared>>
          tpu.enqueue_indirect_dma source(%arg8 : memref<128x128xf32, #tpu.memory_space<vmem>>) target(%dma_start3A_86 : memref<10240x128xf32, #tpu.memory_space<vmem_shared>>) offsets(%dma_start3A_83 : memref<128xi32, #tpu.memory_space<vmem>>) semaphore(%run_scoped3A_80 : memref<!tpu.dma_semaphore, #tpu.memory_space<semaphore_mem>>) {add = true}
          %dma_wait3A_87 = arith.constant 0 : i32
          %dma_wait3A_88 = tpu.memref_slice %arg7[%run_scoped3A_64, %run_scoped3A_65, %dma_wait3A_87] : memref<2x2x128xi32, #tpu.memory_space<vmem>> -> memref<1x1x128xi32, #tpu.memory_space<vmem>>
          %dma_wait3A_89 = tpu.memref_squeeze %dma_wait3A_88 : memref<1x1x128xi32, #tpu.memory_space<vmem>> -> memref<128xi32, #tpu.memory_space<vmem>>
          %dma_wait3A_90 = arith.constant 0 : i32
          %dma_wait3A_91 = arith.constant 0 : i32
          %dma_wait3A_92 = tpu.memref_slice %arg6[%dma_wait3A_90, %dma_wait3A_91] : memref<10240x128xf32, #tpu.memory_space<vmem_shared>> -> memref<10240x128xf32, #tpu.memory_space<vmem_shared>>
          tpu.wait_indirect_dma semaphore(%run_scoped3A_80 : memref<!tpu.dma_semaphore, #tpu.memory_space<semaphore_mem>>) src(%arg8 : memref<128x128xf32, #tpu.memory_space<vmem>>) dst(%dma_wait3A_92 : memref<10240x128xf32, #tpu.memory_space<vmem_shared>>)
          tpu.yield
        }) : () -> ()
        %add3A_66 = arith.constant 2 : i32
        %add3A_67 = arith.addi %mul3A_50, %add3A_66 : i32
        %lt3A_68 = arith.constant 157 : i32
        %lt3A_69 = arith.cmpi slt, %add3A_67, %lt3A_68 : i32
        %convert_element_type3A_70 = arith.extui %lt3A_69 : i1 to i32
        %cond3A_71 = arith.constant 0 : i32
        %cond3A_72 = arith.cmpi ne, %convert_element_type3A_70, %cond3A_71 : i32
        scf.if %cond3A_72 {
          %add3A_80 = arith.constant 2 : i32
          %add3A_81 = arith.addi %mul3A_50, %add3A_80 : i32
          %dma_start3A_82 = arith.constant 0 : i32
          %dma_start3A_83 = arith.constant 0 : i32
          %dma_start3A_84 = arith.constant 0 : i32
          %dma_start3A_85 = tpu.memref_slice %arg7[%dma_start3A_82, %dma_start3A_83, %dma_start3A_84] : memref<2x2x128xi32, #tpu.memory_space<vmem>> -> memref<1x2x128xi32, #tpu.memory_space<vmem>>
          %dma_start3A_86 = tpu.memref_squeeze %dma_start3A_85 : memref<1x2x128xi32, #tpu.memory_space<vmem>> -> memref<2x128xi32, #tpu.memory_space<vmem>>
          %dma_start3A_87 = arith.constant 0 : i32
          %dma_start3A_88 = arith.constant 0 : i32
          %dma_start3A_89 = tpu.memref_slice %arg2[%arg1, %add3A_81, %dma_start3A_87, %dma_start3A_88] : memref<16x157x2x128xi32, #tpu.memory_space<hbm>> -> memref<1x1x2x128xi32, #tpu.memory_space<hbm>>
          %dma_start3A_90 = tpu.memref_squeeze %dma_start3A_89 : memref<1x1x2x128xi32, #tpu.memory_space<hbm>> -> memref<2x128xi32, #tpu.memory_space<hbm>>
          %dma_start3A_91 = arith.constant 0 : i32
          %dma_start3A_92 = arith.constant 0 : i32
          %dma_start3A_93 = tpu.memref_slice %arg7[%dma_start3A_82, %dma_start3A_91, %dma_start3A_92] : memref<2x2x128xi32, #tpu.memory_space<vmem>> -> memref<1x2x128xi32, #tpu.memory_space<vmem>>
          %dma_start3A_94 = tpu.memref_squeeze %dma_start3A_93 : memref<1x2x128xi32, #tpu.memory_space<vmem>> -> memref<2x128xi32, #tpu.memory_space<vmem>>
          %dma_start3A_95 = arith.constant 0 : i32
          %dma_start3A_96 = arith.constant 0 : i32
          %dma_start3A_97 = tpu.memref_slice %arg2[%arg1, %add3A_81, %dma_start3A_95, %dma_start3A_96] : memref<16x157x2x128xi32, #tpu.memory_space<hbm>> -> memref<1x1x2x128xi32, #tpu.memory_space<hbm>>
          %dma_start3A_98 = tpu.memref_squeeze %dma_start3A_97 : memref<1x1x2x128xi32, #tpu.memory_space<hbm>> -> memref<2x128xi32, #tpu.memory_space<hbm>>
          tpu.enqueue_dma source(%dma_start3A_98 : memref<2x128xi32, #tpu.memory_space<hbm>>) target(%dma_start3A_94 : memref<2x128xi32, #tpu.memory_space<vmem>>) target_semaphore(%arg12 : memref<!tpu.dma_semaphore, #tpu.memory_space<semaphore_mem>>)
        } else {
        }
        %add3A_73 = arith.constant 1 : i32
        %add3A_74 = arith.addi %mul3A_50, %add3A_73 : i32
        %lt3A_75 = arith.constant 157 : i32
        %lt3A_76 = arith.cmpi slt, %add3A_74, %lt3A_75 : i32
        %convert_element_type3A_77 = arith.extui %lt3A_76 : i1 to i32
        %cond3A_78 = arith.constant 0 : i32
        %cond3A_79 = arith.cmpi ne, %convert_element_type3A_77, %cond3A_78 : i32
        scf.if %cond3A_79 {
          %add3A_80 = arith.constant 1 : i32
          %add3A_81 = arith.addi %mul3A_50, %add3A_80 : i32
          %add3A_82 = arith.constant 1 : i32
          %add3A_83 = arith.addi %add3A_81, %add3A_82 : i32
          %lt3A_84 = arith.constant 157 : i32
          %lt3A_85 = arith.cmpi slt, %add3A_83, %lt3A_84 : i32
          %convert_element_type3A_86 = arith.extui %lt3A_85 : i1 to i32
          %cond3A_87 = arith.constant 0 : i32
          %cond3A_88 = arith.cmpi ne, %convert_element_type3A_86, %cond3A_87 : i32
          scf.if %cond3A_88 {
            %add3A_106 = arith.constant 1 : i32
            %add3A_107 = arith.addi %add3A_81, %add3A_106 : i32
            %dma_wait3A_108 = arith.constant 0 : i32
            %dma_wait3A_109 = arith.constant 0 : i32
            %dma_wait3A_110 = arith.constant 0 : i32
            %dma_wait3A_111 = tpu.memref_slice %arg7[%dma_wait3A_108, %dma_wait3A_109, %dma_wait3A_110] : memref<2x2x128xi32, #tpu.memory_space<vmem>> -> memref<1x2x128xi32, #tpu.memory_space<vmem>>
            %dma_wait3A_112 = tpu.memref_squeeze %dma_wait3A_111 : memref<1x2x128xi32, #tpu.memory_space<vmem>> -> memref<2x128xi32, #tpu.memory_space<vmem>>
            %dma_wait3A_113 = arith.constant 0 : i32
            %dma_wait3A_114 = arith.constant 0 : i32
            %dma_wait3A_115 = tpu.memref_slice %arg2[%arg1, %add3A_107, %dma_wait3A_113, %dma_wait3A_114] : memref<16x157x2x128xi32, #tpu.memory_space<hbm>> -> memref<1x1x2x128xi32, #tpu.memory_space<hbm>>
            %dma_wait3A_116 = tpu.memref_squeeze %dma_wait3A_115 : memref<1x1x2x128xi32, #tpu.memory_space<hbm>> -> memref<2x128xi32, #tpu.memory_space<hbm>>
            %dma_wait3A_117 = arith.constant 0 : i32
            %dma_wait3A_118 = arith.constant 0 : i32
            %dma_wait3A_119 = tpu.memref_slice %arg7[%dma_wait3A_108, %dma_wait3A_117, %dma_wait3A_118] : memref<2x2x128xi32, #tpu.memory_space<vmem>> -> memref<1x2x128xi32, #tpu.memory_space<vmem>>
            %dma_wait3A_120 = tpu.memref_squeeze %dma_wait3A_119 : memref<1x2x128xi32, #tpu.memory_space<vmem>> -> memref<2x128xi32, #tpu.memory_space<vmem>>
            %dma_wait3A_121 = arith.constant 0 : i32
            %dma_wait3A_122 = arith.constant 0 : i32
            %dma_wait3A_123 = tpu.memref_slice %arg2[%arg1, %add3A_107, %dma_wait3A_121, %dma_wait3A_122] : memref<16x157x2x128xi32, #tpu.memory_space<hbm>> -> memref<1x1x2x128xi32, #tpu.memory_space<hbm>>
            %dma_wait3A_124 = tpu.memref_squeeze %dma_wait3A_123 : memref<1x1x2x128xi32, #tpu.memory_space<hbm>> -> memref<2x128xi32, #tpu.memory_space<hbm>>
            tpu.wait_dma2 semaphore(%arg12 : memref<!tpu.dma_semaphore, #tpu.memory_space<semaphore_mem>>) src(%dma_wait3A_124 : memref<2x128xi32, #tpu.memory_space<hbm>>) dst(%dma_wait3A_120 : memref<2x128xi32, #tpu.memory_space<vmem>>)
            %dma_start3A_125 = arith.constant 0 : i32
            %dma_start3A_126 = arith.constant 0 : i32
            %dma_start3A_127 = arith.constant 0 : i32
            %dma_start3A_128 = tpu.memref_slice %arg7[%dma_start3A_125, %dma_start3A_126, %dma_start3A_127] : memref<2x2x128xi32, #tpu.memory_space<vmem>> -> memref<1x1x128xi32, #tpu.memory_space<vmem>>
            %dma_start3A_129 = tpu.memref_squeeze %dma_start3A_128 : memref<1x1x128xi32, #tpu.memory_space<vmem>> -> memref<128xi32, #tpu.memory_space<vmem>>
            %dma_start3A_130 = arith.constant 0 : i32
            %dma_start3A_131 = arith.constant 0 : i32
            %dma_start3A_132 = tpu.memref_slice %arg3[%dma_start3A_130, %dma_start3A_131] : memref<10240x128xf32, #tpu.memory_space<hbm>> -> memref<10240x128xf32, #tpu.memory_space<hbm>>
            tpu.enqueue_indirect_dma source(%dma_start3A_132 : memref<10240x128xf32, #tpu.memory_space<hbm>>) target(%arg8 : memref<128x128xf32, #tpu.memory_space<vmem>>) offsets(%dma_start3A_129 : memref<128xi32, #tpu.memory_space<vmem>>) semaphore(%arg10 : memref<!tpu.dma_semaphore, #tpu.memory_space<semaphore_mem>>)
          } else {
          }
          %dma_wait3A_89 = arith.constant 1 : i32
          %dma_wait3A_90 = arith.constant 0 : i32
          %dma_wait3A_91 = arith.constant 0 : i32
          %dma_wait3A_92 = tpu.memref_slice %arg7[%dma_wait3A_89, %dma_wait3A_90, %dma_wait3A_91] : memref<2x2x128xi32, #tpu.memory_space<vmem>> -> memref<1x1x128xi32, #tpu.memory_space<vmem>>
          %dma_wait3A_93 = tpu.memref_squeeze %dma_wait3A_92 : memref<1x1x128xi32, #tpu.memory_space<vmem>> -> memref<128xi32, #tpu.memory_space<vmem>>
          %dma_wait3A_94 = arith.constant 0 : i32
          %dma_wait3A_95 = arith.constant 0 : i32
          %dma_wait3A_96 = tpu.memref_slice %arg3[%dma_wait3A_94, %dma_wait3A_95] : memref<10240x128xf32, #tpu.memory_space<hbm>> -> memref<10240x128xf32, #tpu.memory_space<hbm>>
          tpu.wait_indirect_dma semaphore(%arg11 : memref<!tpu.dma_semaphore, #tpu.memory_space<semaphore_mem>>) src(%dma_wait3A_96 : memref<10240x128xf32, #tpu.memory_space<hbm>>) dst(%arg9 : memref<128x128xf32, #tpu.memory_space<vmem>>)
          %run_scoped3A_97 = arith.constant 1 : i32
          %run_scoped3A_98 = arith.constant 1 : i32
          "tpu.region"() ({
            %run_scoped3A_106 = tpu.sem_alloc : memref<!tpu.dma_semaphore, #tpu.memory_space<semaphore_mem>>
            %dma_start3A_107 = arith.constant 0 : i32
            %dma_start3A_108 = tpu.memref_slice %arg7[%run_scoped3A_97, %run_scoped3A_98, %dma_start3A_107] : memref<2x2x128xi32, #tpu.memory_space<vmem>> -> memref<1x1x128xi32, #tpu.memory_space<vmem>>
            %dma_start3A_109 = tpu.memref_squeeze %dma_start3A_108 : memref<1x1x128xi32, #tpu.memory_space<vmem>> -> memref<128xi32, #tpu.memory_space<vmem>>
            %dma_start3A_110 = arith.constant 0 : i32
            %dma_start3A_111 = arith.constant 0 : i32
            %dma_start3A_112 = tpu.memref_slice %arg6[%dma_start3A_110, %dma_start3A_111] : memref<10240x128xf32, #tpu.memory_space<vmem_shared>> -> memref<10240x128xf32, #tpu.memory_space<vmem_shared>>
            tpu.enqueue_indirect_dma source(%arg9 : memref<128x128xf32, #tpu.memory_space<vmem>>) target(%dma_start3A_112 : memref<10240x128xf32, #tpu.memory_space<vmem_shared>>) offsets(%dma_start3A_109 : memref<128xi32, #tpu.memory_space<vmem>>) semaphore(%run_scoped3A_106 : memref<!tpu.dma_semaphore, #tpu.memory_space<semaphore_mem>>) {add = true}
            %dma_wait3A_113 = arith.constant 0 : i32
            %dma_wait3A_114 = tpu.memref_slice %arg7[%run_scoped3A_97, %run_scoped3A_98, %dma_wait3A_113] : memref<2x2x128xi32, #tpu.memory_space<vmem>> -> memref<1x1x128xi32, #tpu.memory_space<vmem>>
            %dma_wait3A_115 = tpu.memref_squeeze %dma_wait3A_114 : memref<1x1x128xi32, #tpu.memory_space<vmem>> -> memref<128xi32, #tpu.memory_space<vmem>>
            %dma_wait3A_116 = arith.constant 0 : i32
            %dma_wait3A_117 = arith.constant 0 : i32
            %dma_wait3A_118 = tpu.memref_slice %arg6[%dma_wait3A_116, %dma_wait3A_117] : memref<10240x128xf32, #tpu.memory_space<vmem_shared>> -> memref<10240x128xf32, #tpu.memory_space<vmem_shared>>
            tpu.wait_indirect_dma semaphore(%run_scoped3A_106 : memref<!tpu.dma_semaphore, #tpu.memory_space<semaphore_mem>>) src(%arg9 : memref<128x128xf32, #tpu.memory_space<vmem>>) dst(%dma_wait3A_118 : memref<10240x128xf32, #tpu.memory_space<vmem_shared>>)
            tpu.yield
          }) : () -> ()
          %add3A_99 = arith.constant 2 : i32
          %add3A_100 = arith.addi %add3A_81, %add3A_99 : i32
          %lt3A_101 = arith.constant 157 : i32
          %lt3A_102 = arith.cmpi slt, %add3A_100, %lt3A_101 : i32
          %convert_element_type3A_103 = arith.extui %lt3A_102 : i1 to i32
          %cond3A_104 = arith.constant 0 : i32
          %cond3A_105 = arith.cmpi ne, %convert_element_type3A_103, %cond3A_104 : i32
          scf.if %cond3A_105 {
            %add3A_106 = arith.constant 2 : i32
            %add3A_107 = arith.addi %add3A_81, %add3A_106 : i32
            %dma_start3A_108 = arith.constant 1 : i32
            %dma_start3A_109 = arith.constant 0 : i32
            %dma_start3A_110 = arith.constant 0 : i32
            %dma_start3A_111 = tpu.memref_slice %arg7[%dma_start3A_108, %dma_start3A_109, %dma_start3A_110] : memref<2x2x128xi32, #tpu.memory_space<vmem>> -> memref<1x2x128xi32, #tpu.memory_space<vmem>>
            %dma_start3A_112 = tpu.memref_squeeze %dma_start3A_111 : memref<1x2x128xi32, #tpu.memory_space<vmem>> -> memref<2x128xi32, #tpu.memory_space<vmem>>
            %dma_start3A_113 = arith.constant 0 : i32
            %dma_start3A_114 = arith.constant 0 : i32
            %dma_start3A_115 = tpu.memref_slice %arg2[%arg1, %add3A_107, %dma_start3A_113, %dma_start3A_114] : memref<16x157x2x128xi32, #tpu.memory_space<hbm>> -> memref<1x1x2x128xi32, #tpu.memory_space<hbm>>
            %dma_start3A_116 = tpu.memref_squeeze %dma_start3A_115 : memref<1x1x2x128xi32, #tpu.memory_space<hbm>> -> memref<2x128xi32, #tpu.memory_space<hbm>>
            %dma_start3A_117 = arith.constant 0 : i32
            %dma_start3A_118 = arith.constant 0 : i32
            %dma_start3A_119 = tpu.memref_slice %arg7[%dma_start3A_108, %dma_start3A_117, %dma_start3A_118] : memref<2x2x128xi32, #tpu.memory_space<vmem>> -> memref<1x2x128xi32, #tpu.memory_space<vmem>>
            %dma_start3A_120 = tpu.memref_squeeze %dma_start3A_119 : memref<1x2x128xi32, #tpu.memory_space<vmem>> -> memref<2x128xi32, #tpu.memory_space<vmem>>
            %dma_start3A_121 = arith.constant 0 : i32
            %dma_start3A_122 = arith.constant 0 : i32
            %dma_start3A_123 = tpu.memref_slice %arg2[%arg1, %add3A_107, %dma_start3A_121, %dma_start3A_122] : memref<16x157x2x128xi32, #tpu.memory_space<hbm>> -> memref<1x1x2x128xi32, #tpu.memory_space<hbm>>
            %dma_start3A_124 = tpu.memref_squeeze %dma_start3A_123 : memref<1x1x2x128xi32, #tpu.memory_space<hbm>> -> memref<2x128xi32, #tpu.memory_space<hbm>>
            tpu.enqueue_dma source(%dma_start3A_124 : memref<2x128xi32, #tpu.memory_space<hbm>>) target(%dma_start3A_120 : memref<2x128xi32, #tpu.memory_space<vmem>>) target_semaphore(%arg13 : memref<!tpu.dma_semaphore, #tpu.memory_space<semaphore_mem>>)
          } else {
          }
        } else {
        }
      }
      %scan3A_40 = arith.constant 79 : i32
      %barrier3A_41 = arith.constant 0 : index
      tpu.barrier barrier_id(%barrier3A_41)
      %mul3A_42 = arith.constant 640 : i32
      %mul3A_43 = arith.muli %arg1, %mul3A_42 : i32
      %mul3A_44 = arith.constant 10240 : i32
      %mul3A_45 = arith.muli %arg0, %mul3A_44 : i32
      %mul3A_46 = arith.constant 640 : i32
      %mul3A_47 = arith.muli %arg1, %mul3A_46 : i32
      %add3A = arith.addi %mul3A_45, %mul3A_47 : i32
      "tpu.region"() ({
        %run_scoped3A_48 = tpu.sem_alloc : memref<!tpu.dma_semaphore, #tpu.memory_space<semaphore_mem>>
        %dma_start3A_49 = arith.constant 0 : i32
        %dma_start3A_50 = tpu.memref_slice %arg5[%add3A, %dma_start3A_49] : memref<20480x128xf32, #tpu.memory_space<hbm>> -> memref<640x128xf32, #tpu.memory_space<hbm>>
        %dma_start3A_51 = arith.constant 0 : i32
        %dma_start3A_52 = tpu.memref_slice %arg6[%mul3A_43, %dma_start3A_51] : memref<10240x128xf32, #tpu.memory_space<vmem_shared>> -> memref<640x128xf32, #tpu.memory_space<vmem_shared>>
        tpu.enqueue_dma source(%dma_start3A_52 : memref<640x128xf32, #tpu.memory_space<vmem_shared>>) target(%dma_start3A_50 : memref<640x128xf32, #tpu.memory_space<hbm>>) target_semaphore(%run_scoped3A_48 : memref<!tpu.dma_semaphore, #tpu.memory_space<semaphore_mem>>)
        %dma_wait3A = arith.constant 0 : i32
        %dma_wait3A_53 = tpu.memref_slice %arg5[%add3A, %dma_wait3A] : memref<20480x128xf32, #tpu.memory_space<hbm>> -> memref<640x128xf32, #tpu.memory_space<hbm>>
        %dma_wait3A_54 = arith.constant 0 : i32
        %dma_wait3A_55 = tpu.memref_slice %arg6[%mul3A_43, %dma_wait3A_54] : memref<10240x128xf32, #tpu.memory_space<vmem_shared>> -> memref<640x128xf32, #tpu.memory_space<vmem_shared>>
        tpu.wait_dma2 semaphore(%run_scoped3A_48 : memref<!tpu.dma_semaphore, #tpu.memory_space<semaphore_mem>>) src(%dma_wait3A_55 : memref<640x128xf32, #tpu.memory_space<vmem_shared>>) dst(%dma_wait3A_53 : memref<640x128xf32, #tpu.memory_space<hbm>>)
        tpu.yield
      }) : () -> ()
    } else {
    }
    %eq3A_2 = arith.constant 1 : i32
    %eq3A_3 = arith.cmpi eq, %arg0, %eq3A_2 : i32
    %convert_element_type3A_4 = arith.extui %eq3A_3 : i1 to i32
    %cond3A_5 = arith.constant 0 : i32
    %cond3A_6 = arith.cmpi ne, %convert_element_type3A_4, %cond3A_5 : i32
    scf.if %cond3A_6 {
      %mul3A = arith.constant 640 : i32
      %mul3A_7 = arith.muli %arg1, %mul3A : i32
      %mul3A_8 = arith.constant 640 : i32
      %mul3A_9 = arith.muli %arg1, %mul3A_8 : i32
      "tpu.region"() ({
        %run_scoped3A_48 = tpu.sem_alloc : memref<!tpu.dma_semaphore, #tpu.memory_space<semaphore_mem>>
        %dma_start3A_49 = arith.constant 0 : i32
        %dma_start3A_50 = tpu.memref_slice %arg6[%mul3A_9, %dma_start3A_49] : memref<10240x128xf32, #tpu.memory_space<vmem_shared>> -> memref<640x128xf32, #tpu.memory_space<vmem_shared>>
        %dma_start3A_51 = arith.constant 0 : i32
        %dma_start3A_52 = tpu.memref_slice %arg4[%mul3A_7, %dma_start3A_51] : memref<10240x128xf32, #tpu.memory_space<hbm>> -> memref<640x128xf32, #tpu.memory_space<hbm>>
        tpu.enqueue_dma source(%dma_start3A_52 : memref<640x128xf32, #tpu.memory_space<hbm>>) target(%dma_start3A_50 : memref<640x128xf32, #tpu.memory_space<vmem_shared>>) target_semaphore(%run_scoped3A_48 : memref<!tpu.dma_semaphore, #tpu.memory_space<semaphore_mem>>)
        %dma_wait3A = arith.constant 0 : i32
        %dma_wait3A_53 = tpu.memref_slice %arg6[%mul3A_9, %dma_wait3A] : memref<10240x128xf32, #tpu.memory_space<vmem_shared>> -> memref<640x128xf32, #tpu.memory_space<vmem_shared>>
        %dma_wait3A_54 = arith.constant 0 : i32
        %dma_wait3A_55 = tpu.memref_slice %arg4[%mul3A_7, %dma_wait3A_54] : memref<10240x128xf32, #tpu.memory_space<hbm>> -> memref<640x128xf32, #tpu.memory_space<hbm>>
        tpu.wait_dma2 semaphore(%run_scoped3A_48 : memref<!tpu.dma_semaphore, #tpu.memory_space<semaphore_mem>>) src(%dma_wait3A_55 : memref<640x128xf32, #tpu.memory_space<hbm>>) dst(%dma_wait3A_53 : memref<640x128xf32, #tpu.memory_space<vmem_shared>>)
        tpu.yield
      }) : () -> ()
      %barrier3A = arith.constant 0 : index
      tpu.barrier barrier_id(%barrier3A)
      %run_scoped3A = arith.constant 0 : i32
      %run_scoped3A_10 = arith.constant 0 : i32
      "tpu.region"() ({
        %run_scoped3A_48 = tpu.sem_alloc : memref<!tpu.dma_semaphore, #tpu.memory_space<semaphore_mem>>
        %dma_start3A_49 = arith.constant 0 : i32
        %dma_start3A_50 = arith.constant 0 : i32
        %dma_start3A_51 = tpu.memref_slice %arg7[%run_scoped3A_10, %dma_start3A_49, %dma_start3A_50] : memref<2x2x128xi32, #tpu.memory_space<vmem>> -> memref<1x2x128xi32, #tpu.memory_space<vmem>>
        %dma_start3A_52 = tpu.memref_squeeze %dma_start3A_51 : memref<1x2x128xi32, #tpu.memory_space<vmem>> -> memref<2x128xi32, #tpu.memory_space<vmem>>
        %dma_start3A_53 = arith.constant 0 : i32
        %dma_start3A_54 = arith.constant 0 : i32
        %dma_start3A_55 = tpu.memref_slice %arg2[%arg1, %run_scoped3A, %dma_start3A_53, %dma_start3A_54] : memref<16x157x2x128xi32, #tpu.memory_space<hbm>> -> memref<1x1x2x128xi32, #tpu.memory_space<hbm>>
        %dma_start3A_56 = tpu.memref_squeeze %dma_start3A_55 : memref<1x1x2x128xi32, #tpu.memory_space<hbm>> -> memref<2x128xi32, #tpu.memory_space<hbm>>
        %dma_start3A_57 = arith.constant 0 : i32
        %dma_start3A_58 = arith.constant 0 : i32
        %dma_start3A_59 = tpu.memref_slice %arg7[%run_scoped3A_10, %dma_start3A_57, %dma_start3A_58] : memref<2x2x128xi32, #tpu.memory_space<vmem>> -> memref<1x2x128xi32, #tpu.memory_space<vmem>>
        %dma_start3A_60 = tpu.memref_squeeze %dma_start3A_59 : memref<1x2x128xi32, #tpu.memory_space<vmem>> -> memref<2x128xi32, #tpu.memory_space<vmem>>
        %dma_start3A_61 = arith.constant 0 : i32
        %dma_start3A_62 = arith.constant 0 : i32
        %dma_start3A_63 = tpu.memref_slice %arg2[%arg1, %run_scoped3A, %dma_start3A_61, %dma_start3A_62] : memref<16x157x2x128xi32, #tpu.memory_space<hbm>> -> memref<1x1x2x128xi32, #tpu.memory_space<hbm>>
        %dma_start3A_64 = tpu.memref_squeeze %dma_start3A_63 : memref<1x1x2x128xi32, #tpu.memory_space<hbm>> -> memref<2x128xi32, #tpu.memory_space<hbm>>
        tpu.enqueue_dma source(%dma_start3A_64 : memref<2x128xi32, #tpu.memory_space<hbm>>) target(%dma_start3A_60 : memref<2x128xi32, #tpu.memory_space<vmem>>) target_semaphore(%run_scoped3A_48 : memref<!tpu.dma_semaphore, #tpu.memory_space<semaphore_mem>>)
        %dma_wait3A = arith.constant 0 : i32
        %dma_wait3A_65 = arith.constant 0 : i32
        %dma_wait3A_66 = tpu.memref_slice %arg7[%run_scoped3A_10, %dma_wait3A, %dma_wait3A_65] : memref<2x2x128xi32, #tpu.memory_space<vmem>> -> memref<1x2x128xi32, #tpu.memory_space<vmem>>
        %dma_wait3A_67 = tpu.memref_squeeze %dma_wait3A_66 : memref<1x2x128xi32, #tpu.memory_space<vmem>> -> memref<2x128xi32, #tpu.memory_space<vmem>>
        %dma_wait3A_68 = arith.constant 0 : i32
        %dma_wait3A_69 = arith.constant 0 : i32
        %dma_wait3A_70 = tpu.memref_slice %arg2[%arg1, %run_scoped3A, %dma_wait3A_68, %dma_wait3A_69] : memref<16x157x2x128xi32, #tpu.memory_space<hbm>> -> memref<1x1x2x128xi32, #tpu.memory_space<hbm>>
        %dma_wait3A_71 = tpu.memref_squeeze %dma_wait3A_70 : memref<1x1x2x128xi32, #tpu.memory_space<hbm>> -> memref<2x128xi32, #tpu.memory_space<hbm>>
        %dma_wait3A_72 = arith.constant 0 : i32
        %dma_wait3A_73 = arith.constant 0 : i32
        %dma_wait3A_74 = tpu.memref_slice %arg7[%run_scoped3A_10, %dma_wait3A_72, %dma_wait3A_73] : memref<2x2x128xi32, #tpu.memory_space<vmem>> -> memref<1x2x128xi32, #tpu.memory_space<vmem>>
        %dma_wait3A_75 = tpu.memref_squeeze %dma_wait3A_74 : memref<1x2x128xi32, #tpu.memory_space<vmem>> -> memref<2x128xi32, #tpu.memory_space<vmem>>
        %dma_wait3A_76 = arith.constant 0 : i32
        %dma_wait3A_77 = arith.constant 0 : i32
        %dma_wait3A_78 = tpu.memref_slice %arg2[%arg1, %run_scoped3A, %dma_wait3A_76, %dma_wait3A_77] : memref<16x157x2x128xi32, #tpu.memory_space<hbm>> -> memref<1x1x2x128xi32, #tpu.memory_space<hbm>>
        %dma_wait3A_79 = tpu.memref_squeeze %dma_wait3A_78 : memref<1x1x2x128xi32, #tpu.memory_space<hbm>> -> memref<2x128xi32, #tpu.memory_space<hbm>>
        tpu.wait_dma2 semaphore(%run_scoped3A_48 : memref<!tpu.dma_semaphore, #tpu.memory_space<semaphore_mem>>) src(%dma_wait3A_79 : memref<2x128xi32, #tpu.memory_space<hbm>>) dst(%dma_wait3A_75 : memref<2x128xi32, #tpu.memory_space<vmem>>)
        tpu.yield
      }) : () -> ()
      %dma_start3A = arith.constant 0 : i32
      %dma_start3A_11 = arith.constant 0 : i32
      %dma_start3A_12 = arith.constant 0 : i32
      %dma_start3A_13 = tpu.memref_slice %arg7[%dma_start3A, %dma_start3A_11, %dma_start3A_12] : memref<2x2x128xi32, #tpu.memory_space<vmem>> -> memref<1x1x128xi32, #tpu.memory_space<vmem>>
      %dma_start3A_14 = tpu.memref_squeeze %dma_start3A_13 : memref<1x1x128xi32, #tpu.memory_space<vmem>> -> memref<128xi32, #tpu.memory_space<vmem>>
      %dma_start3A_15 = arith.constant 0 : i32
      %dma_start3A_16 = arith.constant 0 : i32
      %dma_start3A_17 = tpu.memref_slice %arg4[%dma_start3A_15, %dma_start3A_16] : memref<10240x128xf32, #tpu.memory_space<hbm>> -> memref<10240x128xf32, #tpu.memory_space<hbm>>
      tpu.enqueue_indirect_dma source(%dma_start3A_17 : memref<10240x128xf32, #tpu.memory_space<hbm>>) target(%arg8 : memref<128x128xf32, #tpu.memory_space<vmem>>) offsets(%dma_start3A_14 : memref<128xi32, #tpu.memory_space<vmem>>) semaphore(%arg10 : memref<!tpu.dma_semaphore, #tpu.memory_space<semaphore_mem>>)
      %dma_start3A_18 = arith.constant 1 : i32
      %dma_start3A_19 = arith.constant 1 : i32
      %dma_start3A_20 = arith.constant 0 : i32
      %dma_start3A_21 = arith.constant 0 : i32
      %dma_start3A_22 = tpu.memref_slice %arg7[%dma_start3A_19, %dma_start3A_20, %dma_start3A_21] : memref<2x2x128xi32, #tpu.memory_space<vmem>> -> memref<1x2x128xi32, #tpu.memory_space<vmem>>
      %dma_start3A_23 = tpu.memref_squeeze %dma_start3A_22 : memref<1x2x128xi32, #tpu.memory_space<vmem>> -> memref<2x128xi32, #tpu.memory_space<vmem>>
      %dma_start3A_24 = arith.constant 0 : i32
      %dma_start3A_25 = arith.constant 0 : i32
      %dma_start3A_26 = tpu.memref_slice %arg2[%arg1, %dma_start3A_18, %dma_start3A_24, %dma_start3A_25] : memref<16x157x2x128xi32, #tpu.memory_space<hbm>> -> memref<1x1x2x128xi32, #tpu.memory_space<hbm>>
      %dma_start3A_27 = tpu.memref_squeeze %dma_start3A_26 : memref<1x1x2x128xi32, #tpu.memory_space<hbm>> -> memref<2x128xi32, #tpu.memory_space<hbm>>
      %dma_start3A_28 = arith.constant 0 : i32
      %dma_start3A_29 = arith.constant 0 : i32
      %dma_start3A_30 = tpu.memref_slice %arg7[%dma_start3A_19, %dma_start3A_28, %dma_start3A_29] : memref<2x2x128xi32, #tpu.memory_space<vmem>> -> memref<1x2x128xi32, #tpu.memory_space<vmem>>
      %dma_start3A_31 = tpu.memref_squeeze %dma_start3A_30 : memref<1x2x128xi32, #tpu.memory_space<vmem>> -> memref<2x128xi32, #tpu.memory_space<vmem>>
      %dma_start3A_32 = arith.constant 0 : i32
      %dma_start3A_33 = arith.constant 0 : i32
      %dma_start3A_34 = tpu.memref_slice %arg2[%arg1, %dma_start3A_18, %dma_start3A_32, %dma_start3A_33] : memref<16x157x2x128xi32, #tpu.memory_space<hbm>> -> memref<1x1x2x128xi32, #tpu.memory_space<hbm>>
      %dma_start3A_35 = tpu.memref_squeeze %dma_start3A_34 : memref<1x1x2x128xi32, #tpu.memory_space<hbm>> -> memref<2x128xi32, #tpu.memory_space<hbm>>
      tpu.enqueue_dma source(%dma_start3A_35 : memref<2x128xi32, #tpu.memory_space<hbm>>) target(%dma_start3A_31 : memref<2x128xi32, #tpu.memory_space<vmem>>) target_semaphore(%arg13 : memref<!tpu.dma_semaphore, #tpu.memory_space<semaphore_mem>>)
      %scan3A = arith.constant 0 : i32
      %scan3A_36 = arith.constant 0 : i32
      %scan3A_37 = arith.constant 79 : i32
      %scan3A_38 = arith.addi %scan3A_36, %scan3A_37 : i32
      %scan3A_39 = arith.constant 1 : i32
      scf.for %scan3A_48 = %scan3A_36 to %scan3A_38 step %scan3A_39  : i32 {
        %mul3A_49 = arith.constant 2 : i32
        %mul3A_50 = arith.muli %mul3A_49, %scan3A_48 : i32
        %add3A_51 = arith.constant 1 : i32
        %add3A_52 = arith.addi %mul3A_50, %add3A_51 : i32
        %lt3A = arith.constant 157 : i32
        %lt3A_53 = arith.cmpi slt, %add3A_52, %lt3A : i32
        %convert_element_type3A_54 = arith.extui %lt3A_53 : i1 to i32
        %cond3A_55 = arith.constant 0 : i32
        %cond3A_56 = arith.cmpi ne, %convert_element_type3A_54, %cond3A_55 : i32
        scf.if %cond3A_56 {
          %add3A_80 = arith.constant 1 : i32
          %add3A_81 = arith.addi %mul3A_50, %add3A_80 : i32
          %dma_wait3A_82 = arith.constant 1 : i32
          %dma_wait3A_83 = arith.constant 0 : i32
          %dma_wait3A_84 = arith.constant 0 : i32
          %dma_wait3A_85 = tpu.memref_slice %arg7[%dma_wait3A_82, %dma_wait3A_83, %dma_wait3A_84] : memref<2x2x128xi32, #tpu.memory_space<vmem>> -> memref<1x2x128xi32, #tpu.memory_space<vmem>>
          %dma_wait3A_86 = tpu.memref_squeeze %dma_wait3A_85 : memref<1x2x128xi32, #tpu.memory_space<vmem>> -> memref<2x128xi32, #tpu.memory_space<vmem>>
          %dma_wait3A_87 = arith.constant 0 : i32
          %dma_wait3A_88 = arith.constant 0 : i32
          %dma_wait3A_89 = tpu.memref_slice %arg2[%arg1, %add3A_81, %dma_wait3A_87, %dma_wait3A_88] : memref<16x157x2x128xi32, #tpu.memory_space<hbm>> -> memref<1x1x2x128xi32, #tpu.memory_space<hbm>>
          %dma_wait3A_90 = tpu.memref_squeeze %dma_wait3A_89 : memref<1x1x2x128xi32, #tpu.memory_space<hbm>> -> memref<2x128xi32, #tpu.memory_space<hbm>>
          %dma_wait3A_91 = arith.constant 0 : i32
          %dma_wait3A_92 = arith.constant 0 : i32
          %dma_wait3A_93 = tpu.memref_slice %arg7[%dma_wait3A_82, %dma_wait3A_91, %dma_wait3A_92] : memref<2x2x128xi32, #tpu.memory_space<vmem>> -> memref<1x2x128xi32, #tpu.memory_space<vmem>>
          %dma_wait3A_94 = tpu.memref_squeeze %dma_wait3A_93 : memref<1x2x128xi32, #tpu.memory_space<vmem>> -> memref<2x128xi32, #tpu.memory_space<vmem>>
          %dma_wait3A_95 = arith.constant 0 : i32
          %dma_wait3A_96 = arith.constant 0 : i32
          %dma_wait3A_97 = tpu.memref_slice %arg2[%arg1, %add3A_81, %dma_wait3A_95, %dma_wait3A_96] : memref<16x157x2x128xi32, #tpu.memory_space<hbm>> -> memref<1x1x2x128xi32, #tpu.memory_space<hbm>>
          %dma_wait3A_98 = tpu.memref_squeeze %dma_wait3A_97 : memref<1x1x2x128xi32, #tpu.memory_space<hbm>> -> memref<2x128xi32, #tpu.memory_space<hbm>>
          tpu.wait_dma2 semaphore(%arg13 : memref<!tpu.dma_semaphore, #tpu.memory_space<semaphore_mem>>) src(%dma_wait3A_98 : memref<2x128xi32, #tpu.memory_space<hbm>>) dst(%dma_wait3A_94 : memref<2x128xi32, #tpu.memory_space<vmem>>)
          %dma_start3A_99 = arith.constant 1 : i32
          %dma_start3A_100 = arith.constant 0 : i32
          %dma_start3A_101 = arith.constant 0 : i32
          %dma_start3A_102 = tpu.memref_slice %arg7[%dma_start3A_99, %dma_start3A_100, %dma_start3A_101] : memref<2x2x128xi32, #tpu.memory_space<vmem>> -> memref<1x1x128xi32, #tpu.memory_space<vmem>>
          %dma_start3A_103 = tpu.memref_squeeze %dma_start3A_102 : memref<1x1x128xi32, #tpu.memory_space<vmem>> -> memref<128xi32, #tpu.memory_space<vmem>>
          %dma_start3A_104 = arith.constant 0 : i32
          %dma_start3A_105 = arith.constant 0 : i32
          %dma_start3A_106 = tpu.memref_slice %arg4[%dma_start3A_104, %dma_start3A_105] : memref<10240x128xf32, #tpu.memory_space<hbm>> -> memref<10240x128xf32, #tpu.memory_space<hbm>>
          tpu.enqueue_indirect_dma source(%dma_start3A_106 : memref<10240x128xf32, #tpu.memory_space<hbm>>) target(%arg9 : memref<128x128xf32, #tpu.memory_space<vmem>>) offsets(%dma_start3A_103 : memref<128xi32, #tpu.memory_space<vmem>>) semaphore(%arg11 : memref<!tpu.dma_semaphore, #tpu.memory_space<semaphore_mem>>)
        } else {
        }
        %dma_wait3A = arith.constant 0 : i32
        %dma_wait3A_57 = arith.constant 0 : i32
        %dma_wait3A_58 = arith.constant 0 : i32
        %dma_wait3A_59 = tpu.memref_slice %arg7[%dma_wait3A, %dma_wait3A_57, %dma_wait3A_58] : memref<2x2x128xi32, #tpu.memory_space<vmem>> -> memref<1x1x128xi32, #tpu.memory_space<vmem>>
        %dma_wait3A_60 = tpu.memref_squeeze %dma_wait3A_59 : memref<1x1x128xi32, #tpu.memory_space<vmem>> -> memref<128xi32, #tpu.memory_space<vmem>>
        %dma_wait3A_61 = arith.constant 0 : i32
        %dma_wait3A_62 = arith.constant 0 : i32
        %dma_wait3A_63 = tpu.memref_slice %arg4[%dma_wait3A_61, %dma_wait3A_62] : memref<10240x128xf32, #tpu.memory_space<hbm>> -> memref<10240x128xf32, #tpu.memory_space<hbm>>
        tpu.wait_indirect_dma semaphore(%arg10 : memref<!tpu.dma_semaphore, #tpu.memory_space<semaphore_mem>>) src(%dma_wait3A_63 : memref<10240x128xf32, #tpu.memory_space<hbm>>) dst(%arg8 : memref<128x128xf32, #tpu.memory_space<vmem>>)
        %run_scoped3A_64 = arith.constant 0 : i32
        %run_scoped3A_65 = arith.constant 1 : i32
        "tpu.region"() ({
          %run_scoped3A_80 = tpu.sem_alloc : memref<!tpu.dma_semaphore, #tpu.memory_space<semaphore_mem>>
          %dma_start3A_81 = arith.constant 0 : i32
          %dma_start3A_82 = tpu.memref_slice %arg7[%run_scoped3A_64, %run_scoped3A_65, %dma_start3A_81] : memref<2x2x128xi32, #tpu.memory_space<vmem>> -> memref<1x1x128xi32, #tpu.memory_space<vmem>>
          %dma_start3A_83 = tpu.memref_squeeze %dma_start3A_82 : memref<1x1x128xi32, #tpu.memory_space<vmem>> -> memref<128xi32, #tpu.memory_space<vmem>>
          %dma_start3A_84 = arith.constant 0 : i32
          %dma_start3A_85 = arith.constant 0 : i32
          %dma_start3A_86 = tpu.memref_slice %arg6[%dma_start3A_84, %dma_start3A_85] : memref<10240x128xf32, #tpu.memory_space<vmem_shared>> -> memref<10240x128xf32, #tpu.memory_space<vmem_shared>>
          tpu.enqueue_indirect_dma source(%arg8 : memref<128x128xf32, #tpu.memory_space<vmem>>) target(%dma_start3A_86 : memref<10240x128xf32, #tpu.memory_space<vmem_shared>>) offsets(%dma_start3A_83 : memref<128xi32, #tpu.memory_space<vmem>>) semaphore(%run_scoped3A_80 : memref<!tpu.dma_semaphore, #tpu.memory_space<semaphore_mem>>) {add = true}
          %dma_wait3A_87 = arith.constant 0 : i32
          %dma_wait3A_88 = tpu.memref_slice %arg7[%run_scoped3A_64, %run_scoped3A_65, %dma_wait3A_87] : memref<2x2x128xi32, #tpu.memory_space<vmem>> -> memref<1x1x128xi32, #tpu.memory_space<vmem>>
          %dma_wait3A_89 = tpu.memref_squeeze %dma_wait3A_88 : memref<1x1x128xi32, #tpu.memory_space<vmem>> -> memref<128xi32, #tpu.memory_space<vmem>>
          %dma_wait3A_90 = arith.constant 0 : i32
          %dma_wait3A_91 = arith.constant 0 : i32
          %dma_wait3A_92 = tpu.memref_slice %arg6[%dma_wait3A_90, %dma_wait3A_91] : memref<10240x128xf32, #tpu.memory_space<vmem_shared>> -> memref<10240x128xf32, #tpu.memory_space<vmem_shared>>
          tpu.wait_indirect_dma semaphore(%run_scoped3A_80 : memref<!tpu.dma_semaphore, #tpu.memory_space<semaphore_mem>>) src(%arg8 : memref<128x128xf32, #tpu.memory_space<vmem>>) dst(%dma_wait3A_92 : memref<10240x128xf32, #tpu.memory_space<vmem_shared>>)
          tpu.yield
        }) : () -> ()
        %add3A_66 = arith.constant 2 : i32
        %add3A_67 = arith.addi %mul3A_50, %add3A_66 : i32
        %lt3A_68 = arith.constant 157 : i32
        %lt3A_69 = arith.cmpi slt, %add3A_67, %lt3A_68 : i32
        %convert_element_type3A_70 = arith.extui %lt3A_69 : i1 to i32
        %cond3A_71 = arith.constant 0 : i32
        %cond3A_72 = arith.cmpi ne, %convert_element_type3A_70, %cond3A_71 : i32
        scf.if %cond3A_72 {
          %add3A_80 = arith.constant 2 : i32
          %add3A_81 = arith.addi %mul3A_50, %add3A_80 : i32
          %dma_start3A_82 = arith.constant 0 : i32
          %dma_start3A_83 = arith.constant 0 : i32
          %dma_start3A_84 = arith.constant 0 : i32
          %dma_start3A_85 = tpu.memref_slice %arg7[%dma_start3A_82, %dma_start3A_83, %dma_start3A_84] : memref<2x2x128xi32, #tpu.memory_space<vmem>> -> memref<1x2x128xi32, #tpu.memory_space<vmem>>
          %dma_start3A_86 = tpu.memref_squeeze %dma_start3A_85 : memref<1x2x128xi32, #tpu.memory_space<vmem>> -> memref<2x128xi32, #tpu.memory_space<vmem>>
          %dma_start3A_87 = arith.constant 0 : i32
          %dma_start3A_88 = arith.constant 0 : i32
          %dma_start3A_89 = tpu.memref_slice %arg2[%arg1, %add3A_81, %dma_start3A_87, %dma_start3A_88] : memref<16x157x2x128xi32, #tpu.memory_space<hbm>> -> memref<1x1x2x128xi32, #tpu.memory_space<hbm>>
          %dma_start3A_90 = tpu.memref_squeeze %dma_start3A_89 : memref<1x1x2x128xi32, #tpu.memory_space<hbm>> -> memref<2x128xi32, #tpu.memory_space<hbm>>
          %dma_start3A_91 = arith.constant 0 : i32
          %dma_start3A_92 = arith.constant 0 : i32
          %dma_start3A_93 = tpu.memref_slice %arg7[%dma_start3A_82, %dma_start3A_91, %dma_start3A_92] : memref<2x2x128xi32, #tpu.memory_space<vmem>> -> memref<1x2x128xi32, #tpu.memory_space<vmem>>
          %dma_start3A_94 = tpu.memref_squeeze %dma_start3A_93 : memref<1x2x128xi32, #tpu.memory_space<vmem>> -> memref<2x128xi32, #tpu.memory_space<vmem>>
          %dma_start3A_95 = arith.constant 0 : i32
          %dma_start3A_96 = arith.constant 0 : i32
          %dma_start3A_97 = tpu.memref_slice %arg2[%arg1, %add3A_81, %dma_start3A_95, %dma_start3A_96] : memref<16x157x2x128xi32, #tpu.memory_space<hbm>> -> memref<1x1x2x128xi32, #tpu.memory_space<hbm>>
          %dma_start3A_98 = tpu.memref_squeeze %dma_start3A_97 : memref<1x1x2x128xi32, #tpu.memory_space<hbm>> -> memref<2x128xi32, #tpu.memory_space<hbm>>
          tpu.enqueue_dma source(%dma_start3A_98 : memref<2x128xi32, #tpu.memory_space<hbm>>) target(%dma_start3A_94 : memref<2x128xi32, #tpu.memory_space<vmem>>) target_semaphore(%arg12 : memref<!tpu.dma_semaphore, #tpu.memory_space<semaphore_mem>>)
        } else {
        }
        %add3A_73 = arith.constant 1 : i32
        %add3A_74 = arith.addi %mul3A_50, %add3A_73 : i32
        %lt3A_75 = arith.constant 157 : i32
        %lt3A_76 = arith.cmpi slt, %add3A_74, %lt3A_75 : i32
        %convert_element_type3A_77 = arith.extui %lt3A_76 : i1 to i32
        %cond3A_78 = arith.constant 0 : i32
        %cond3A_79 = arith.cmpi ne, %convert_element_type3A_77, %cond3A_78 : i32
        scf.if %cond3A_79 {
          %add3A_80 = arith.constant 1 : i32
          %add3A_81 = arith.addi %mul3A_50, %add3A_80 : i32
          %add3A_82 = arith.constant 1 : i32
          %add3A_83 = arith.addi %add3A_81, %add3A_82 : i32
          %lt3A_84 = arith.constant 157 : i32
          %lt3A_85 = arith.cmpi slt, %add3A_83, %lt3A_84 : i32
          %convert_element_type3A_86 = arith.extui %lt3A_85 : i1 to i32
          %cond3A_87 = arith.constant 0 : i32
          %cond3A_88 = arith.cmpi ne, %convert_element_type3A_86, %cond3A_87 : i32
          scf.if %cond3A_88 {
            %add3A_106 = arith.constant 1 : i32
            %add3A_107 = arith.addi %add3A_81, %add3A_106 : i32
            %dma_wait3A_108 = arith.constant 0 : i32
            %dma_wait3A_109 = arith.constant 0 : i32
            %dma_wait3A_110 = arith.constant 0 : i32
            %dma_wait3A_111 = tpu.memref_slice %arg7[%dma_wait3A_108, %dma_wait3A_109, %dma_wait3A_110] : memref<2x2x128xi32, #tpu.memory_space<vmem>> -> memref<1x2x128xi32, #tpu.memory_space<vmem>>
            %dma_wait3A_112 = tpu.memref_squeeze %dma_wait3A_111 : memref<1x2x128xi32, #tpu.memory_space<vmem>> -> memref<2x128xi32, #tpu.memory_space<vmem>>
            %dma_wait3A_113 = arith.constant 0 : i32
            %dma_wait3A_114 = arith.constant 0 : i32
            %dma_wait3A_115 = tpu.memref_slice %arg2[%arg1, %add3A_107, %dma_wait3A_113, %dma_wait3A_114] : memref<16x157x2x128xi32, #tpu.memory_space<hbm>> -> memref<1x1x2x128xi32, #tpu.memory_space<hbm>>
            %dma_wait3A_116 = tpu.memref_squeeze %dma_wait3A_115 : memref<1x1x2x128xi32, #tpu.memory_space<hbm>> -> memref<2x128xi32, #tpu.memory_space<hbm>>
            %dma_wait3A_117 = arith.constant 0 : i32
            %dma_wait3A_118 = arith.constant 0 : i32
            %dma_wait3A_119 = tpu.memref_slice %arg7[%dma_wait3A_108, %dma_wait3A_117, %dma_wait3A_118] : memref<2x2x128xi32, #tpu.memory_space<vmem>> -> memref<1x2x128xi32, #tpu.memory_space<vmem>>
            %dma_wait3A_120 = tpu.memref_squeeze %dma_wait3A_119 : memref<1x2x128xi32, #tpu.memory_space<vmem>> -> memref<2x128xi32, #tpu.memory_space<vmem>>
            %dma_wait3A_121 = arith.constant 0 : i32
            %dma_wait3A_122 = arith.constant 0 : i32
            %dma_wait3A_123 = tpu.memref_slice %arg2[%arg1, %add3A_107, %dma_wait3A_121, %dma_wait3A_122] : memref<16x157x2x128xi32, #tpu.memory_space<hbm>> -> memref<1x1x2x128xi32, #tpu.memory_space<hbm>>
            %dma_wait3A_124 = tpu.memref_squeeze %dma_wait3A_123 : memref<1x1x2x128xi32, #tpu.memory_space<hbm>> -> memref<2x128xi32, #tpu.memory_space<hbm>>
            tpu.wait_dma2 semaphore(%arg12 : memref<!tpu.dma_semaphore, #tpu.memory_space<semaphore_mem>>) src(%dma_wait3A_124 : memref<2x128xi32, #tpu.memory_space<hbm>>) dst(%dma_wait3A_120 : memref<2x128xi32, #tpu.memory_space<vmem>>)
            %dma_start3A_125 = arith.constant 0 : i32
            %dma_start3A_126 = arith.constant 0 : i32
            %dma_start3A_127 = arith.constant 0 : i32
            %dma_start3A_128 = tpu.memref_slice %arg7[%dma_start3A_125, %dma_start3A_126, %dma_start3A_127] : memref<2x2x128xi32, #tpu.memory_space<vmem>> -> memref<1x1x128xi32, #tpu.memory_space<vmem>>
            %dma_start3A_129 = tpu.memref_squeeze %dma_start3A_128 : memref<1x1x128xi32, #tpu.memory_space<vmem>> -> memref<128xi32, #tpu.memory_space<vmem>>
            %dma_start3A_130 = arith.constant 0 : i32
            %dma_start3A_131 = arith.constant 0 : i32
            %dma_start3A_132 = tpu.memref_slice %arg4[%dma_start3A_130, %dma_start3A_131] : memref<10240x128xf32, #tpu.memory_space<hbm>> -> memref<10240x128xf32, #tpu.memory_space<hbm>>
            tpu.enqueue_indirect_dma source(%dma_start3A_132 : memref<10240x128xf32, #tpu.memory_space<hbm>>) target(%arg8 : memref<128x128xf32, #tpu.memory_space<vmem>>) offsets(%dma_start3A_129 : memref<128xi32, #tpu.memory_space<vmem>>) semaphore(%arg10 : memref<!tpu.dma_semaphore, #tpu.memory_space<semaphore_mem>>)
          } else {
          }
          %dma_wait3A_89 = arith.constant 1 : i32
          %dma_wait3A_90 = arith.constant 0 : i32
          %dma_wait3A_91 = arith.constant 0 : i32
          %dma_wait3A_92 = tpu.memref_slice %arg7[%dma_wait3A_89, %dma_wait3A_90, %dma_wait3A_91] : memref<2x2x128xi32, #tpu.memory_space<vmem>> -> memref<1x1x128xi32, #tpu.memory_space<vmem>>
          %dma_wait3A_93 = tpu.memref_squeeze %dma_wait3A_92 : memref<1x1x128xi32, #tpu.memory_space<vmem>> -> memref<128xi32, #tpu.memory_space<vmem>>
          %dma_wait3A_94 = arith.constant 0 : i32
          %dma_wait3A_95 = arith.constant 0 : i32
          %dma_wait3A_96 = tpu.memref_slice %arg4[%dma_wait3A_94, %dma_wait3A_95] : memref<10240x128xf32, #tpu.memory_space<hbm>> -> memref<10240x128xf32, #tpu.memory_space<hbm>>
          tpu.wait_indirect_dma semaphore(%arg11 : memref<!tpu.dma_semaphore, #tpu.memory_space<semaphore_mem>>) src(%dma_wait3A_96 : memref<10240x128xf32, #tpu.memory_space<hbm>>) dst(%arg9 : memref<128x128xf32, #tpu.memory_space<vmem>>)
          %run_scoped3A_97 = arith.constant 1 : i32
          %run_scoped3A_98 = arith.constant 1 : i32
          "tpu.region"() ({
            %run_scoped3A_106 = tpu.sem_alloc : memref<!tpu.dma_semaphore, #tpu.memory_space<semaphore_mem>>
            %dma_start3A_107 = arith.constant 0 : i32
            %dma_start3A_108 = tpu.memref_slice %arg7[%run_scoped3A_97, %run_scoped3A_98, %dma_start3A_107] : memref<2x2x128xi32, #tpu.memory_space<vmem>> -> memref<1x1x128xi32, #tpu.memory_space<vmem>>
            %dma_start3A_109 = tpu.memref_squeeze %dma_start3A_108 : memref<1x1x128xi32, #tpu.memory_space<vmem>> -> memref<128xi32, #tpu.memory_space<vmem>>
            %dma_start3A_110 = arith.constant 0 : i32
            %dma_start3A_111 = arith.constant 0 : i32
            %dma_start3A_112 = tpu.memref_slice %arg6[%dma_start3A_110, %dma_start3A_111] : memref<10240x128xf32, #tpu.memory_space<vmem_shared>> -> memref<10240x128xf32, #tpu.memory_space<vmem_shared>>
            tpu.enqueue_indirect_dma source(%arg9 : memref<128x128xf32, #tpu.memory_space<vmem>>) target(%dma_start3A_112 : memref<10240x128xf32, #tpu.memory_space<vmem_shared>>) offsets(%dma_start3A_109 : memref<128xi32, #tpu.memory_space<vmem>>) semaphore(%run_scoped3A_106 : memref<!tpu.dma_semaphore, #tpu.memory_space<semaphore_mem>>) {add = true}
            %dma_wait3A_113 = arith.constant 0 : i32
            %dma_wait3A_114 = tpu.memref_slice %arg7[%run_scoped3A_97, %run_scoped3A_98, %dma_wait3A_113] : memref<2x2x128xi32, #tpu.memory_space<vmem>> -> memref<1x1x128xi32, #tpu.memory_space<vmem>>
            %dma_wait3A_115 = tpu.memref_squeeze %dma_wait3A_114 : memref<1x1x128xi32, #tpu.memory_space<vmem>> -> memref<128xi32, #tpu.memory_space<vmem>>
            %dma_wait3A_116 = arith.constant 0 : i32
            %dma_wait3A_117 = arith.constant 0 : i32
            %dma_wait3A_118 = tpu.memref_slice %arg6[%dma_wait3A_116, %dma_wait3A_117] : memref<10240x128xf32, #tpu.memory_space<vmem_shared>> -> memref<10240x128xf32, #tpu.memory_space<vmem_shared>>
            tpu.wait_indirect_dma semaphore(%run_scoped3A_106 : memref<!tpu.dma_semaphore, #tpu.memory_space<semaphore_mem>>) src(%arg9 : memref<128x128xf32, #tpu.memory_space<vmem>>) dst(%dma_wait3A_118 : memref<10240x128xf32, #tpu.memory_space<vmem_shared>>)
            tpu.yield
          }) : () -> ()
          %add3A_99 = arith.constant 2 : i32
          %add3A_100 = arith.addi %add3A_81, %add3A_99 : i32
          %lt3A_101 = arith.constant 157 : i32
          %lt3A_102 = arith.cmpi slt, %add3A_100, %lt3A_101 : i32
          %convert_element_type3A_103 = arith.extui %lt3A_102 : i1 to i32
          %cond3A_104 = arith.constant 0 : i32
          %cond3A_105 = arith.cmpi ne, %convert_element_type3A_103, %cond3A_104 : i32
          scf.if %cond3A_105 {
            %add3A_106 = arith.constant 2 : i32
            %add3A_107 = arith.addi %add3A_81, %add3A_106 : i32
            %dma_start3A_108 = arith.constant 1 : i32
            %dma_start3A_109 = arith.constant 0 : i32
            %dma_start3A_110 = arith.constant 0 : i32
            %dma_start3A_111 = tpu.memref_slice %arg7[%dma_start3A_108, %dma_start3A_109, %dma_start3A_110] : memref<2x2x128xi32, #tpu.memory_space<vmem>> -> memref<1x2x128xi32, #tpu.memory_space<vmem>>
            %dma_start3A_112 = tpu.memref_squeeze %dma_start3A_111 : memref<1x2x128xi32, #tpu.memory_space<vmem>> -> memref<2x128xi32, #tpu.memory_space<vmem>>
            %dma_start3A_113 = arith.constant 0 : i32
            %dma_start3A_114 = arith.constant 0 : i32
            %dma_start3A_115 = tpu.memref_slice %arg2[%arg1, %add3A_107, %dma_start3A_113, %dma_start3A_114] : memref<16x157x2x128xi32, #tpu.memory_space<hbm>> -> memref<1x1x2x128xi32, #tpu.memory_space<hbm>>
            %dma_start3A_116 = tpu.memref_squeeze %dma_start3A_115 : memref<1x1x2x128xi32, #tpu.memory_space<hbm>> -> memref<2x128xi32, #tpu.memory_space<hbm>>
            %dma_start3A_117 = arith.constant 0 : i32
            %dma_start3A_118 = arith.constant 0 : i32
            %dma_start3A_119 = tpu.memref_slice %arg7[%dma_start3A_108, %dma_start3A_117, %dma_start3A_118] : memref<2x2x128xi32, #tpu.memory_space<vmem>> -> memref<1x2x128xi32, #tpu.memory_space<vmem>>
            %dma_start3A_120 = tpu.memref_squeeze %dma_start3A_119 : memref<1x2x128xi32, #tpu.memory_space<vmem>> -> memref<2x128xi32, #tpu.memory_space<vmem>>
            %dma_start3A_121 = arith.constant 0 : i32
            %dma_start3A_122 = arith.constant 0 : i32
            %dma_start3A_123 = tpu.memref_slice %arg2[%arg1, %add3A_107, %dma_start3A_121, %dma_start3A_122] : memref<16x157x2x128xi32, #tpu.memory_space<hbm>> -> memref<1x1x2x128xi32, #tpu.memory_space<hbm>>
            %dma_start3A_124 = tpu.memref_squeeze %dma_start3A_123 : memref<1x1x2x128xi32, #tpu.memory_space<hbm>> -> memref<2x128xi32, #tpu.memory_space<hbm>>
            tpu.enqueue_dma source(%dma_start3A_124 : memref<2x128xi32, #tpu.memory_space<hbm>>) target(%dma_start3A_120 : memref<2x128xi32, #tpu.memory_space<vmem>>) target_semaphore(%arg13 : memref<!tpu.dma_semaphore, #tpu.memory_space<semaphore_mem>>)
          } else {
          }
        } else {
        }
      }
      %scan3A_40 = arith.constant 79 : i32
      %barrier3A_41 = arith.constant 0 : index
      tpu.barrier barrier_id(%barrier3A_41)
      %mul3A_42 = arith.constant 640 : i32
      %mul3A_43 = arith.muli %arg1, %mul3A_42 : i32
      %mul3A_44 = arith.constant 10240 : i32
      %mul3A_45 = arith.muli %arg0, %mul3A_44 : i32
      %mul3A_46 = arith.constant 640 : i32
      %mul3A_47 = arith.muli %arg1, %mul3A_46 : i32
      %add3A = arith.addi %mul3A_45, %mul3A_47 : i32
      "tpu.region"() ({
        %run_scoped3A_48 = tpu.sem_alloc : memref<!tpu.dma_semaphore, #tpu.memory_space<semaphore_mem>>
        %dma_start3A_49 = arith.constant 0 : i32
        %dma_start3A_50 = tpu.memref_slice %arg5[%add3A, %dma_start3A_49] : memref<20480x128xf32, #tpu.memory_space<hbm>> -> memref<640x128xf32, #tpu.memory_space<hbm>>
        %dma_start3A_51 = arith.constant 0 : i32
        %dma_start3A_52 = tpu.memref_slice %arg6[%mul3A_43, %dma_start3A_51] : memref<10240x128xf32, #tpu.memory_space<vmem_shared>> -> memref<640x128xf32, #tpu.memory_space<vmem_shared>>
        tpu.enqueue_dma source(%dma_start3A_52 : memref<640x128xf32, #tpu.memory_space<vmem_shared>>) target(%dma_start3A_50 : memref<640x128xf32, #tpu.memory_space<hbm>>) target_semaphore(%run_scoped3A_48 : memref<!tpu.dma_semaphore, #tpu.memory_space<semaphore_mem>>)
        %dma_wait3A = arith.constant 0 : i32
        %dma_wait3A_53 = tpu.memref_slice %arg5[%add3A, %dma_wait3A] : memref<20480x128xf32, #tpu.memory_space<hbm>> -> memref<640x128xf32, #tpu.memory_space<hbm>>
        %dma_wait3A_54 = arith.constant 0 : i32
        %dma_wait3A_55 = tpu.memref_slice %arg6[%mul3A_43, %dma_wait3A_54] : memref<10240x128xf32, #tpu.memory_space<vmem_shared>> -> memref<640x128xf32, #tpu.memory_space<vmem_shared>>
        tpu.wait_dma2 semaphore(%run_scoped3A_48 : memref<!tpu.dma_semaphore, #tpu.memory_space<semaphore_mem>>) src(%dma_wait3A_55 : memref<640x128xf32, #tpu.memory_space<vmem_shared>>) dst(%dma_wait3A_53 : memref<640x128xf32, #tpu.memory_space<hbm>>)
        tpu.yield
      }) : () -> ()
    } else {
    }
    return
  }
}

#map = affine_map<(d0, d1) -> (0, 0, 0, 0)>
#map1 = affine_map<(d0, d1) -> (0, 0)>
module attributes {stable_mosaic.version = 14 : i64} {
  func.func @_agg_body(%arg0: i32, %arg1: i32, %arg2: memref<16x157x2x128xi32, #tpu.memory_space<hbm>>, %arg3: memref<10240x64xf32, #tpu.memory_space<hbm>>, %arg4: memref<10240x64xf32, #tpu.memory_space<hbm>>, %arg5: memref<20480x64xf32, #tpu.memory_space<hbm>>, %arg6: memref<10240x64xf32, #tpu.memory_space<vmem_shared>>, %arg7: memref<2x2x128xi32, #tpu.memory_space<vmem>>, %arg8: memref<128x64xf32, #tpu.memory_space<vmem>>, %arg9: memref<128x64xf32, #tpu.memory_space<vmem>>, %arg10: memref<!tpu.dma_semaphore, #tpu.memory_space<semaphore_mem>>, %arg11: memref<!tpu.dma_semaphore, #tpu.memory_space<semaphore_mem>>, %arg12: memref<!tpu.dma_semaphore, #tpu.memory_space<semaphore_mem>>, %arg13: memref<!tpu.dma_semaphore, #tpu.memory_space<semaphore_mem>>) attributes {dimension_semantics = [#tpu.dimension_semantics<core_parallel>, #tpu.dimension_semantics<subcore_parallel>], iteration_bounds = array<i64: 2, 16>, scalar_prefetch = 0 : i64, scratch_operands = 8 : i64, tpu.core_type = #tpu.core_type<sc_vector_subcore>, window_params = [{transform_indices = #map}, {transform_indices = #map1}, {transform_indices = #map1}, {transform_indices = #map1}]} {
    %eq3A = arith.constant 0 : i32
    %eq3A_0 = arith.cmpi eq, %arg0, %eq3A : i32
    %convert_element_type3A = arith.extui %eq3A_0 : i1 to i32
    %cond3A = arith.constant 0 : i32
    %cond3A_1 = arith.cmpi ne, %convert_element_type3A, %cond3A : i32
    scf.if %cond3A_1 {
      %mul3A = arith.constant 640 : i32
      %mul3A_7 = arith.muli %arg1, %mul3A : i32
      %mul3A_8 = arith.constant 640 : i32
      %mul3A_9 = arith.muli %arg1, %mul3A_8 : i32
      "tpu.region"() ({
        %run_scoped3A_48 = tpu.sem_alloc : memref<!tpu.dma_semaphore, #tpu.memory_space<semaphore_mem>>
        %dma_start3A_49 = arith.constant 0 : i32
        %dma_start3A_50 = tpu.memref_slice %arg6[%mul3A_9, %dma_start3A_49] : memref<10240x64xf32, #tpu.memory_space<vmem_shared>> -> memref<640x64xf32, #tpu.memory_space<vmem_shared>>
        %dma_start3A_51 = arith.constant 0 : i32
        %dma_start3A_52 = tpu.memref_slice %arg3[%mul3A_7, %dma_start3A_51] : memref<10240x64xf32, #tpu.memory_space<hbm>> -> memref<640x64xf32, #tpu.memory_space<hbm>>
        tpu.enqueue_dma source(%dma_start3A_52 : memref<640x64xf32, #tpu.memory_space<hbm>>) target(%dma_start3A_50 : memref<640x64xf32, #tpu.memory_space<vmem_shared>>) target_semaphore(%run_scoped3A_48 : memref<!tpu.dma_semaphore, #tpu.memory_space<semaphore_mem>>)
        %dma_wait3A = arith.constant 0 : i32
        %dma_wait3A_53 = tpu.memref_slice %arg6[%mul3A_9, %dma_wait3A] : memref<10240x64xf32, #tpu.memory_space<vmem_shared>> -> memref<640x64xf32, #tpu.memory_space<vmem_shared>>
        %dma_wait3A_54 = arith.constant 0 : i32
        %dma_wait3A_55 = tpu.memref_slice %arg3[%mul3A_7, %dma_wait3A_54] : memref<10240x64xf32, #tpu.memory_space<hbm>> -> memref<640x64xf32, #tpu.memory_space<hbm>>
        tpu.wait_dma2 semaphore(%run_scoped3A_48 : memref<!tpu.dma_semaphore, #tpu.memory_space<semaphore_mem>>) src(%dma_wait3A_55 : memref<640x64xf32, #tpu.memory_space<hbm>>) dst(%dma_wait3A_53 : memref<640x64xf32, #tpu.memory_space<vmem_shared>>)
        tpu.yield
      }) : () -> ()
      %barrier3A = arith.constant 0 : index
      tpu.barrier barrier_id(%barrier3A)
      %run_scoped3A = arith.constant 0 : i32
      %run_scoped3A_10 = arith.constant 0 : i32
      "tpu.region"() ({
        %run_scoped3A_48 = tpu.sem_alloc : memref<!tpu.dma_semaphore, #tpu.memory_space<semaphore_mem>>
        %dma_start3A_49 = arith.constant 0 : i32
        %dma_start3A_50 = arith.constant 0 : i32
        %dma_start3A_51 = tpu.memref_slice %arg7[%run_scoped3A_10, %dma_start3A_49, %dma_start3A_50] : memref<2x2x128xi32, #tpu.memory_space<vmem>> -> memref<1x2x128xi32, #tpu.memory_space<vmem>>
        %dma_start3A_52 = tpu.memref_squeeze %dma_start3A_51 : memref<1x2x128xi32, #tpu.memory_space<vmem>> -> memref<2x128xi32, #tpu.memory_space<vmem>>
        %dma_start3A_53 = arith.constant 0 : i32
        %dma_start3A_54 = arith.constant 0 : i32
        %dma_start3A_55 = tpu.memref_slice %arg2[%arg1, %run_scoped3A, %dma_start3A_53, %dma_start3A_54] : memref<16x157x2x128xi32, #tpu.memory_space<hbm>> -> memref<1x1x2x128xi32, #tpu.memory_space<hbm>>
        %dma_start3A_56 = tpu.memref_squeeze %dma_start3A_55 : memref<1x1x2x128xi32, #tpu.memory_space<hbm>> -> memref<2x128xi32, #tpu.memory_space<hbm>>
        %dma_start3A_57 = arith.constant 0 : i32
        %dma_start3A_58 = arith.constant 0 : i32
        %dma_start3A_59 = tpu.memref_slice %arg7[%run_scoped3A_10, %dma_start3A_57, %dma_start3A_58] : memref<2x2x128xi32, #tpu.memory_space<vmem>> -> memref<1x2x128xi32, #tpu.memory_space<vmem>>
        %dma_start3A_60 = tpu.memref_squeeze %dma_start3A_59 : memref<1x2x128xi32, #tpu.memory_space<vmem>> -> memref<2x128xi32, #tpu.memory_space<vmem>>
        %dma_start3A_61 = arith.constant 0 : i32
        %dma_start3A_62 = arith.constant 0 : i32
        %dma_start3A_63 = tpu.memref_slice %arg2[%arg1, %run_scoped3A, %dma_start3A_61, %dma_start3A_62] : memref<16x157x2x128xi32, #tpu.memory_space<hbm>> -> memref<1x1x2x128xi32, #tpu.memory_space<hbm>>
        %dma_start3A_64 = tpu.memref_squeeze %dma_start3A_63 : memref<1x1x2x128xi32, #tpu.memory_space<hbm>> -> memref<2x128xi32, #tpu.memory_space<hbm>>
        tpu.enqueue_dma source(%dma_start3A_64 : memref<2x128xi32, #tpu.memory_space<hbm>>) target(%dma_start3A_60 : memref<2x128xi32, #tpu.memory_space<vmem>>) target_semaphore(%run_scoped3A_48 : memref<!tpu.dma_semaphore, #tpu.memory_space<semaphore_mem>>)
        %dma_wait3A = arith.constant 0 : i32
        %dma_wait3A_65 = arith.constant 0 : i32
        %dma_wait3A_66 = tpu.memref_slice %arg7[%run_scoped3A_10, %dma_wait3A, %dma_wait3A_65] : memref<2x2x128xi32, #tpu.memory_space<vmem>> -> memref<1x2x128xi32, #tpu.memory_space<vmem>>
        %dma_wait3A_67 = tpu.memref_squeeze %dma_wait3A_66 : memref<1x2x128xi32, #tpu.memory_space<vmem>> -> memref<2x128xi32, #tpu.memory_space<vmem>>
        %dma_wait3A_68 = arith.constant 0 : i32
        %dma_wait3A_69 = arith.constant 0 : i32
        %dma_wait3A_70 = tpu.memref_slice %arg2[%arg1, %run_scoped3A, %dma_wait3A_68, %dma_wait3A_69] : memref<16x157x2x128xi32, #tpu.memory_space<hbm>> -> memref<1x1x2x128xi32, #tpu.memory_space<hbm>>
        %dma_wait3A_71 = tpu.memref_squeeze %dma_wait3A_70 : memref<1x1x2x128xi32, #tpu.memory_space<hbm>> -> memref<2x128xi32, #tpu.memory_space<hbm>>
        %dma_wait3A_72 = arith.constant 0 : i32
        %dma_wait3A_73 = arith.constant 0 : i32
        %dma_wait3A_74 = tpu.memref_slice %arg7[%run_scoped3A_10, %dma_wait3A_72, %dma_wait3A_73] : memref<2x2x128xi32, #tpu.memory_space<vmem>> -> memref<1x2x128xi32, #tpu.memory_space<vmem>>
        %dma_wait3A_75 = tpu.memref_squeeze %dma_wait3A_74 : memref<1x2x128xi32, #tpu.memory_space<vmem>> -> memref<2x128xi32, #tpu.memory_space<vmem>>
        %dma_wait3A_76 = arith.constant 0 : i32
        %dma_wait3A_77 = arith.constant 0 : i32
        %dma_wait3A_78 = tpu.memref_slice %arg2[%arg1, %run_scoped3A, %dma_wait3A_76, %dma_wait3A_77] : memref<16x157x2x128xi32, #tpu.memory_space<hbm>> -> memref<1x1x2x128xi32, #tpu.memory_space<hbm>>
        %dma_wait3A_79 = tpu.memref_squeeze %dma_wait3A_78 : memref<1x1x2x128xi32, #tpu.memory_space<hbm>> -> memref<2x128xi32, #tpu.memory_space<hbm>>
        tpu.wait_dma2 semaphore(%run_scoped3A_48 : memref<!tpu.dma_semaphore, #tpu.memory_space<semaphore_mem>>) src(%dma_wait3A_79 : memref<2x128xi32, #tpu.memory_space<hbm>>) dst(%dma_wait3A_75 : memref<2x128xi32, #tpu.memory_space<vmem>>)
        tpu.yield
      }) : () -> ()
      %dma_start3A = arith.constant 0 : i32
      %dma_start3A_11 = arith.constant 0 : i32
      %dma_start3A_12 = arith.constant 0 : i32
      %dma_start3A_13 = tpu.memref_slice %arg7[%dma_start3A, %dma_start3A_11, %dma_start3A_12] : memref<2x2x128xi32, #tpu.memory_space<vmem>> -> memref<1x1x128xi32, #tpu.memory_space<vmem>>
      %dma_start3A_14 = tpu.memref_squeeze %dma_start3A_13 : memref<1x1x128xi32, #tpu.memory_space<vmem>> -> memref<128xi32, #tpu.memory_space<vmem>>
      %dma_start3A_15 = arith.constant 0 : i32
      %dma_start3A_16 = arith.constant 0 : i32
      %dma_start3A_17 = tpu.memref_slice %arg3[%dma_start3A_15, %dma_start3A_16] : memref<10240x64xf32, #tpu.memory_space<hbm>> -> memref<10240x64xf32, #tpu.memory_space<hbm>>
      tpu.enqueue_indirect_dma source(%dma_start3A_17 : memref<10240x64xf32, #tpu.memory_space<hbm>>) target(%arg8 : memref<128x64xf32, #tpu.memory_space<vmem>>) offsets(%dma_start3A_14 : memref<128xi32, #tpu.memory_space<vmem>>) semaphore(%arg10 : memref<!tpu.dma_semaphore, #tpu.memory_space<semaphore_mem>>)
      %dma_start3A_18 = arith.constant 1 : i32
      %dma_start3A_19 = arith.constant 1 : i32
      %dma_start3A_20 = arith.constant 0 : i32
      %dma_start3A_21 = arith.constant 0 : i32
      %dma_start3A_22 = tpu.memref_slice %arg7[%dma_start3A_19, %dma_start3A_20, %dma_start3A_21] : memref<2x2x128xi32, #tpu.memory_space<vmem>> -> memref<1x2x128xi32, #tpu.memory_space<vmem>>
      %dma_start3A_23 = tpu.memref_squeeze %dma_start3A_22 : memref<1x2x128xi32, #tpu.memory_space<vmem>> -> memref<2x128xi32, #tpu.memory_space<vmem>>
      %dma_start3A_24 = arith.constant 0 : i32
      %dma_start3A_25 = arith.constant 0 : i32
      %dma_start3A_26 = tpu.memref_slice %arg2[%arg1, %dma_start3A_18, %dma_start3A_24, %dma_start3A_25] : memref<16x157x2x128xi32, #tpu.memory_space<hbm>> -> memref<1x1x2x128xi32, #tpu.memory_space<hbm>>
      %dma_start3A_27 = tpu.memref_squeeze %dma_start3A_26 : memref<1x1x2x128xi32, #tpu.memory_space<hbm>> -> memref<2x128xi32, #tpu.memory_space<hbm>>
      %dma_start3A_28 = arith.constant 0 : i32
      %dma_start3A_29 = arith.constant 0 : i32
      %dma_start3A_30 = tpu.memref_slice %arg7[%dma_start3A_19, %dma_start3A_28, %dma_start3A_29] : memref<2x2x128xi32, #tpu.memory_space<vmem>> -> memref<1x2x128xi32, #tpu.memory_space<vmem>>
      %dma_start3A_31 = tpu.memref_squeeze %dma_start3A_30 : memref<1x2x128xi32, #tpu.memory_space<vmem>> -> memref<2x128xi32, #tpu.memory_space<vmem>>
      %dma_start3A_32 = arith.constant 0 : i32
      %dma_start3A_33 = arith.constant 0 : i32
      %dma_start3A_34 = tpu.memref_slice %arg2[%arg1, %dma_start3A_18, %dma_start3A_32, %dma_start3A_33] : memref<16x157x2x128xi32, #tpu.memory_space<hbm>> -> memref<1x1x2x128xi32, #tpu.memory_space<hbm>>
      %dma_start3A_35 = tpu.memref_squeeze %dma_start3A_34 : memref<1x1x2x128xi32, #tpu.memory_space<hbm>> -> memref<2x128xi32, #tpu.memory_space<hbm>>
      tpu.enqueue_dma source(%dma_start3A_35 : memref<2x128xi32, #tpu.memory_space<hbm>>) target(%dma_start3A_31 : memref<2x128xi32, #tpu.memory_space<vmem>>) target_semaphore(%arg13 : memref<!tpu.dma_semaphore, #tpu.memory_space<semaphore_mem>>)
      %scan3A = arith.constant 0 : i32
      %scan3A_36 = arith.constant 0 : i32
      %scan3A_37 = arith.constant 79 : i32
      %scan3A_38 = arith.addi %scan3A_36, %scan3A_37 : i32
      %scan3A_39 = arith.constant 1 : i32
      scf.for %scan3A_48 = %scan3A_36 to %scan3A_38 step %scan3A_39  : i32 {
        %mul3A_49 = arith.constant 2 : i32
        %mul3A_50 = arith.muli %mul3A_49, %scan3A_48 : i32
        %add3A_51 = arith.constant 1 : i32
        %add3A_52 = arith.addi %mul3A_50, %add3A_51 : i32
        %lt3A = arith.constant 157 : i32
        %lt3A_53 = arith.cmpi slt, %add3A_52, %lt3A : i32
        %convert_element_type3A_54 = arith.extui %lt3A_53 : i1 to i32
        %cond3A_55 = arith.constant 0 : i32
        %cond3A_56 = arith.cmpi ne, %convert_element_type3A_54, %cond3A_55 : i32
        scf.if %cond3A_56 {
          %add3A_80 = arith.constant 1 : i32
          %add3A_81 = arith.addi %mul3A_50, %add3A_80 : i32
          %dma_wait3A_82 = arith.constant 1 : i32
          %dma_wait3A_83 = arith.constant 0 : i32
          %dma_wait3A_84 = arith.constant 0 : i32
          %dma_wait3A_85 = tpu.memref_slice %arg7[%dma_wait3A_82, %dma_wait3A_83, %dma_wait3A_84] : memref<2x2x128xi32, #tpu.memory_space<vmem>> -> memref<1x2x128xi32, #tpu.memory_space<vmem>>
          %dma_wait3A_86 = tpu.memref_squeeze %dma_wait3A_85 : memref<1x2x128xi32, #tpu.memory_space<vmem>> -> memref<2x128xi32, #tpu.memory_space<vmem>>
          %dma_wait3A_87 = arith.constant 0 : i32
          %dma_wait3A_88 = arith.constant 0 : i32
          %dma_wait3A_89 = tpu.memref_slice %arg2[%arg1, %add3A_81, %dma_wait3A_87, %dma_wait3A_88] : memref<16x157x2x128xi32, #tpu.memory_space<hbm>> -> memref<1x1x2x128xi32, #tpu.memory_space<hbm>>
          %dma_wait3A_90 = tpu.memref_squeeze %dma_wait3A_89 : memref<1x1x2x128xi32, #tpu.memory_space<hbm>> -> memref<2x128xi32, #tpu.memory_space<hbm>>
          %dma_wait3A_91 = arith.constant 0 : i32
          %dma_wait3A_92 = arith.constant 0 : i32
          %dma_wait3A_93 = tpu.memref_slice %arg7[%dma_wait3A_82, %dma_wait3A_91, %dma_wait3A_92] : memref<2x2x128xi32, #tpu.memory_space<vmem>> -> memref<1x2x128xi32, #tpu.memory_space<vmem>>
          %dma_wait3A_94 = tpu.memref_squeeze %dma_wait3A_93 : memref<1x2x128xi32, #tpu.memory_space<vmem>> -> memref<2x128xi32, #tpu.memory_space<vmem>>
          %dma_wait3A_95 = arith.constant 0 : i32
          %dma_wait3A_96 = arith.constant 0 : i32
          %dma_wait3A_97 = tpu.memref_slice %arg2[%arg1, %add3A_81, %dma_wait3A_95, %dma_wait3A_96] : memref<16x157x2x128xi32, #tpu.memory_space<hbm>> -> memref<1x1x2x128xi32, #tpu.memory_space<hbm>>
          %dma_wait3A_98 = tpu.memref_squeeze %dma_wait3A_97 : memref<1x1x2x128xi32, #tpu.memory_space<hbm>> -> memref<2x128xi32, #tpu.memory_space<hbm>>
          tpu.wait_dma2 semaphore(%arg13 : memref<!tpu.dma_semaphore, #tpu.memory_space<semaphore_mem>>) src(%dma_wait3A_98 : memref<2x128xi32, #tpu.memory_space<hbm>>) dst(%dma_wait3A_94 : memref<2x128xi32, #tpu.memory_space<vmem>>)
          %dma_start3A_99 = arith.constant 1 : i32
          %dma_start3A_100 = arith.constant 0 : i32
          %dma_start3A_101 = arith.constant 0 : i32
          %dma_start3A_102 = tpu.memref_slice %arg7[%dma_start3A_99, %dma_start3A_100, %dma_start3A_101] : memref<2x2x128xi32, #tpu.memory_space<vmem>> -> memref<1x1x128xi32, #tpu.memory_space<vmem>>
          %dma_start3A_103 = tpu.memref_squeeze %dma_start3A_102 : memref<1x1x128xi32, #tpu.memory_space<vmem>> -> memref<128xi32, #tpu.memory_space<vmem>>
          %dma_start3A_104 = arith.constant 0 : i32
          %dma_start3A_105 = arith.constant 0 : i32
          %dma_start3A_106 = tpu.memref_slice %arg3[%dma_start3A_104, %dma_start3A_105] : memref<10240x64xf32, #tpu.memory_space<hbm>> -> memref<10240x64xf32, #tpu.memory_space<hbm>>
          tpu.enqueue_indirect_dma source(%dma_start3A_106 : memref<10240x64xf32, #tpu.memory_space<hbm>>) target(%arg9 : memref<128x64xf32, #tpu.memory_space<vmem>>) offsets(%dma_start3A_103 : memref<128xi32, #tpu.memory_space<vmem>>) semaphore(%arg11 : memref<!tpu.dma_semaphore, #tpu.memory_space<semaphore_mem>>)
        } else {
        }
        %dma_wait3A = arith.constant 0 : i32
        %dma_wait3A_57 = arith.constant 0 : i32
        %dma_wait3A_58 = arith.constant 0 : i32
        %dma_wait3A_59 = tpu.memref_slice %arg7[%dma_wait3A, %dma_wait3A_57, %dma_wait3A_58] : memref<2x2x128xi32, #tpu.memory_space<vmem>> -> memref<1x1x128xi32, #tpu.memory_space<vmem>>
        %dma_wait3A_60 = tpu.memref_squeeze %dma_wait3A_59 : memref<1x1x128xi32, #tpu.memory_space<vmem>> -> memref<128xi32, #tpu.memory_space<vmem>>
        %dma_wait3A_61 = arith.constant 0 : i32
        %dma_wait3A_62 = arith.constant 0 : i32
        %dma_wait3A_63 = tpu.memref_slice %arg3[%dma_wait3A_61, %dma_wait3A_62] : memref<10240x64xf32, #tpu.memory_space<hbm>> -> memref<10240x64xf32, #tpu.memory_space<hbm>>
        tpu.wait_indirect_dma semaphore(%arg10 : memref<!tpu.dma_semaphore, #tpu.memory_space<semaphore_mem>>) src(%dma_wait3A_63 : memref<10240x64xf32, #tpu.memory_space<hbm>>) dst(%arg8 : memref<128x64xf32, #tpu.memory_space<vmem>>)
        %run_scoped3A_64 = arith.constant 0 : i32
        %run_scoped3A_65 = arith.constant 1 : i32
        "tpu.region"() ({
          %run_scoped3A_80 = tpu.sem_alloc : memref<!tpu.dma_semaphore, #tpu.memory_space<semaphore_mem>>
          %dma_start3A_81 = arith.constant 0 : i32
          %dma_start3A_82 = tpu.memref_slice %arg7[%run_scoped3A_64, %run_scoped3A_65, %dma_start3A_81] : memref<2x2x128xi32, #tpu.memory_space<vmem>> -> memref<1x1x128xi32, #tpu.memory_space<vmem>>
          %dma_start3A_83 = tpu.memref_squeeze %dma_start3A_82 : memref<1x1x128xi32, #tpu.memory_space<vmem>> -> memref<128xi32, #tpu.memory_space<vmem>>
          %dma_start3A_84 = arith.constant 0 : i32
          %dma_start3A_85 = arith.constant 0 : i32
          %dma_start3A_86 = tpu.memref_slice %arg6[%dma_start3A_84, %dma_start3A_85] : memref<10240x64xf32, #tpu.memory_space<vmem_shared>> -> memref<10240x64xf32, #tpu.memory_space<vmem_shared>>
          tpu.enqueue_indirect_dma source(%arg8 : memref<128x64xf32, #tpu.memory_space<vmem>>) target(%dma_start3A_86 : memref<10240x64xf32, #tpu.memory_space<vmem_shared>>) offsets(%dma_start3A_83 : memref<128xi32, #tpu.memory_space<vmem>>) semaphore(%run_scoped3A_80 : memref<!tpu.dma_semaphore, #tpu.memory_space<semaphore_mem>>) {add = true}
          %dma_wait3A_87 = arith.constant 0 : i32
          %dma_wait3A_88 = tpu.memref_slice %arg7[%run_scoped3A_64, %run_scoped3A_65, %dma_wait3A_87] : memref<2x2x128xi32, #tpu.memory_space<vmem>> -> memref<1x1x128xi32, #tpu.memory_space<vmem>>
          %dma_wait3A_89 = tpu.memref_squeeze %dma_wait3A_88 : memref<1x1x128xi32, #tpu.memory_space<vmem>> -> memref<128xi32, #tpu.memory_space<vmem>>
          %dma_wait3A_90 = arith.constant 0 : i32
          %dma_wait3A_91 = arith.constant 0 : i32
          %dma_wait3A_92 = tpu.memref_slice %arg6[%dma_wait3A_90, %dma_wait3A_91] : memref<10240x64xf32, #tpu.memory_space<vmem_shared>> -> memref<10240x64xf32, #tpu.memory_space<vmem_shared>>
          tpu.wait_indirect_dma semaphore(%run_scoped3A_80 : memref<!tpu.dma_semaphore, #tpu.memory_space<semaphore_mem>>) src(%arg8 : memref<128x64xf32, #tpu.memory_space<vmem>>) dst(%dma_wait3A_92 : memref<10240x64xf32, #tpu.memory_space<vmem_shared>>)
          tpu.yield
        }) : () -> ()
        %add3A_66 = arith.constant 2 : i32
        %add3A_67 = arith.addi %mul3A_50, %add3A_66 : i32
        %lt3A_68 = arith.constant 157 : i32
        %lt3A_69 = arith.cmpi slt, %add3A_67, %lt3A_68 : i32
        %convert_element_type3A_70 = arith.extui %lt3A_69 : i1 to i32
        %cond3A_71 = arith.constant 0 : i32
        %cond3A_72 = arith.cmpi ne, %convert_element_type3A_70, %cond3A_71 : i32
        scf.if %cond3A_72 {
          %add3A_80 = arith.constant 2 : i32
          %add3A_81 = arith.addi %mul3A_50, %add3A_80 : i32
          %dma_start3A_82 = arith.constant 0 : i32
          %dma_start3A_83 = arith.constant 0 : i32
          %dma_start3A_84 = arith.constant 0 : i32
          %dma_start3A_85 = tpu.memref_slice %arg7[%dma_start3A_82, %dma_start3A_83, %dma_start3A_84] : memref<2x2x128xi32, #tpu.memory_space<vmem>> -> memref<1x2x128xi32, #tpu.memory_space<vmem>>
          %dma_start3A_86 = tpu.memref_squeeze %dma_start3A_85 : memref<1x2x128xi32, #tpu.memory_space<vmem>> -> memref<2x128xi32, #tpu.memory_space<vmem>>
          %dma_start3A_87 = arith.constant 0 : i32
          %dma_start3A_88 = arith.constant 0 : i32
          %dma_start3A_89 = tpu.memref_slice %arg2[%arg1, %add3A_81, %dma_start3A_87, %dma_start3A_88] : memref<16x157x2x128xi32, #tpu.memory_space<hbm>> -> memref<1x1x2x128xi32, #tpu.memory_space<hbm>>
          %dma_start3A_90 = tpu.memref_squeeze %dma_start3A_89 : memref<1x1x2x128xi32, #tpu.memory_space<hbm>> -> memref<2x128xi32, #tpu.memory_space<hbm>>
          %dma_start3A_91 = arith.constant 0 : i32
          %dma_start3A_92 = arith.constant 0 : i32
          %dma_start3A_93 = tpu.memref_slice %arg7[%dma_start3A_82, %dma_start3A_91, %dma_start3A_92] : memref<2x2x128xi32, #tpu.memory_space<vmem>> -> memref<1x2x128xi32, #tpu.memory_space<vmem>>
          %dma_start3A_94 = tpu.memref_squeeze %dma_start3A_93 : memref<1x2x128xi32, #tpu.memory_space<vmem>> -> memref<2x128xi32, #tpu.memory_space<vmem>>
          %dma_start3A_95 = arith.constant 0 : i32
          %dma_start3A_96 = arith.constant 0 : i32
          %dma_start3A_97 = tpu.memref_slice %arg2[%arg1, %add3A_81, %dma_start3A_95, %dma_start3A_96] : memref<16x157x2x128xi32, #tpu.memory_space<hbm>> -> memref<1x1x2x128xi32, #tpu.memory_space<hbm>>
          %dma_start3A_98 = tpu.memref_squeeze %dma_start3A_97 : memref<1x1x2x128xi32, #tpu.memory_space<hbm>> -> memref<2x128xi32, #tpu.memory_space<hbm>>
          tpu.enqueue_dma source(%dma_start3A_98 : memref<2x128xi32, #tpu.memory_space<hbm>>) target(%dma_start3A_94 : memref<2x128xi32, #tpu.memory_space<vmem>>) target_semaphore(%arg12 : memref<!tpu.dma_semaphore, #tpu.memory_space<semaphore_mem>>)
        } else {
        }
        %add3A_73 = arith.constant 1 : i32
        %add3A_74 = arith.addi %mul3A_50, %add3A_73 : i32
        %lt3A_75 = arith.constant 157 : i32
        %lt3A_76 = arith.cmpi slt, %add3A_74, %lt3A_75 : i32
        %convert_element_type3A_77 = arith.extui %lt3A_76 : i1 to i32
        %cond3A_78 = arith.constant 0 : i32
        %cond3A_79 = arith.cmpi ne, %convert_element_type3A_77, %cond3A_78 : i32
        scf.if %cond3A_79 {
          %add3A_80 = arith.constant 1 : i32
          %add3A_81 = arith.addi %mul3A_50, %add3A_80 : i32
          %add3A_82 = arith.constant 1 : i32
          %add3A_83 = arith.addi %add3A_81, %add3A_82 : i32
          %lt3A_84 = arith.constant 157 : i32
          %lt3A_85 = arith.cmpi slt, %add3A_83, %lt3A_84 : i32
          %convert_element_type3A_86 = arith.extui %lt3A_85 : i1 to i32
          %cond3A_87 = arith.constant 0 : i32
          %cond3A_88 = arith.cmpi ne, %convert_element_type3A_86, %cond3A_87 : i32
          scf.if %cond3A_88 {
            %add3A_106 = arith.constant 1 : i32
            %add3A_107 = arith.addi %add3A_81, %add3A_106 : i32
            %dma_wait3A_108 = arith.constant 0 : i32
            %dma_wait3A_109 = arith.constant 0 : i32
            %dma_wait3A_110 = arith.constant 0 : i32
            %dma_wait3A_111 = tpu.memref_slice %arg7[%dma_wait3A_108, %dma_wait3A_109, %dma_wait3A_110] : memref<2x2x128xi32, #tpu.memory_space<vmem>> -> memref<1x2x128xi32, #tpu.memory_space<vmem>>
            %dma_wait3A_112 = tpu.memref_squeeze %dma_wait3A_111 : memref<1x2x128xi32, #tpu.memory_space<vmem>> -> memref<2x128xi32, #tpu.memory_space<vmem>>
            %dma_wait3A_113 = arith.constant 0 : i32
            %dma_wait3A_114 = arith.constant 0 : i32
            %dma_wait3A_115 = tpu.memref_slice %arg2[%arg1, %add3A_107, %dma_wait3A_113, %dma_wait3A_114] : memref<16x157x2x128xi32, #tpu.memory_space<hbm>> -> memref<1x1x2x128xi32, #tpu.memory_space<hbm>>
            %dma_wait3A_116 = tpu.memref_squeeze %dma_wait3A_115 : memref<1x1x2x128xi32, #tpu.memory_space<hbm>> -> memref<2x128xi32, #tpu.memory_space<hbm>>
            %dma_wait3A_117 = arith.constant 0 : i32
            %dma_wait3A_118 = arith.constant 0 : i32
            %dma_wait3A_119 = tpu.memref_slice %arg7[%dma_wait3A_108, %dma_wait3A_117, %dma_wait3A_118] : memref<2x2x128xi32, #tpu.memory_space<vmem>> -> memref<1x2x128xi32, #tpu.memory_space<vmem>>
            %dma_wait3A_120 = tpu.memref_squeeze %dma_wait3A_119 : memref<1x2x128xi32, #tpu.memory_space<vmem>> -> memref<2x128xi32, #tpu.memory_space<vmem>>
            %dma_wait3A_121 = arith.constant 0 : i32
            %dma_wait3A_122 = arith.constant 0 : i32
            %dma_wait3A_123 = tpu.memref_slice %arg2[%arg1, %add3A_107, %dma_wait3A_121, %dma_wait3A_122] : memref<16x157x2x128xi32, #tpu.memory_space<hbm>> -> memref<1x1x2x128xi32, #tpu.memory_space<hbm>>
            %dma_wait3A_124 = tpu.memref_squeeze %dma_wait3A_123 : memref<1x1x2x128xi32, #tpu.memory_space<hbm>> -> memref<2x128xi32, #tpu.memory_space<hbm>>
            tpu.wait_dma2 semaphore(%arg12 : memref<!tpu.dma_semaphore, #tpu.memory_space<semaphore_mem>>) src(%dma_wait3A_124 : memref<2x128xi32, #tpu.memory_space<hbm>>) dst(%dma_wait3A_120 : memref<2x128xi32, #tpu.memory_space<vmem>>)
            %dma_start3A_125 = arith.constant 0 : i32
            %dma_start3A_126 = arith.constant 0 : i32
            %dma_start3A_127 = arith.constant 0 : i32
            %dma_start3A_128 = tpu.memref_slice %arg7[%dma_start3A_125, %dma_start3A_126, %dma_start3A_127] : memref<2x2x128xi32, #tpu.memory_space<vmem>> -> memref<1x1x128xi32, #tpu.memory_space<vmem>>
            %dma_start3A_129 = tpu.memref_squeeze %dma_start3A_128 : memref<1x1x128xi32, #tpu.memory_space<vmem>> -> memref<128xi32, #tpu.memory_space<vmem>>
            %dma_start3A_130 = arith.constant 0 : i32
            %dma_start3A_131 = arith.constant 0 : i32
            %dma_start3A_132 = tpu.memref_slice %arg3[%dma_start3A_130, %dma_start3A_131] : memref<10240x64xf32, #tpu.memory_space<hbm>> -> memref<10240x64xf32, #tpu.memory_space<hbm>>
            tpu.enqueue_indirect_dma source(%dma_start3A_132 : memref<10240x64xf32, #tpu.memory_space<hbm>>) target(%arg8 : memref<128x64xf32, #tpu.memory_space<vmem>>) offsets(%dma_start3A_129 : memref<128xi32, #tpu.memory_space<vmem>>) semaphore(%arg10 : memref<!tpu.dma_semaphore, #tpu.memory_space<semaphore_mem>>)
          } else {
          }
          %dma_wait3A_89 = arith.constant 1 : i32
          %dma_wait3A_90 = arith.constant 0 : i32
          %dma_wait3A_91 = arith.constant 0 : i32
          %dma_wait3A_92 = tpu.memref_slice %arg7[%dma_wait3A_89, %dma_wait3A_90, %dma_wait3A_91] : memref<2x2x128xi32, #tpu.memory_space<vmem>> -> memref<1x1x128xi32, #tpu.memory_space<vmem>>
          %dma_wait3A_93 = tpu.memref_squeeze %dma_wait3A_92 : memref<1x1x128xi32, #tpu.memory_space<vmem>> -> memref<128xi32, #tpu.memory_space<vmem>>
          %dma_wait3A_94 = arith.constant 0 : i32
          %dma_wait3A_95 = arith.constant 0 : i32
          %dma_wait3A_96 = tpu.memref_slice %arg3[%dma_wait3A_94, %dma_wait3A_95] : memref<10240x64xf32, #tpu.memory_space<hbm>> -> memref<10240x64xf32, #tpu.memory_space<hbm>>
          tpu.wait_indirect_dma semaphore(%arg11 : memref<!tpu.dma_semaphore, #tpu.memory_space<semaphore_mem>>) src(%dma_wait3A_96 : memref<10240x64xf32, #tpu.memory_space<hbm>>) dst(%arg9 : memref<128x64xf32, #tpu.memory_space<vmem>>)
          %run_scoped3A_97 = arith.constant 1 : i32
          %run_scoped3A_98 = arith.constant 1 : i32
          "tpu.region"() ({
            %run_scoped3A_106 = tpu.sem_alloc : memref<!tpu.dma_semaphore, #tpu.memory_space<semaphore_mem>>
            %dma_start3A_107 = arith.constant 0 : i32
            %dma_start3A_108 = tpu.memref_slice %arg7[%run_scoped3A_97, %run_scoped3A_98, %dma_start3A_107] : memref<2x2x128xi32, #tpu.memory_space<vmem>> -> memref<1x1x128xi32, #tpu.memory_space<vmem>>
            %dma_start3A_109 = tpu.memref_squeeze %dma_start3A_108 : memref<1x1x128xi32, #tpu.memory_space<vmem>> -> memref<128xi32, #tpu.memory_space<vmem>>
            %dma_start3A_110 = arith.constant 0 : i32
            %dma_start3A_111 = arith.constant 0 : i32
            %dma_start3A_112 = tpu.memref_slice %arg6[%dma_start3A_110, %dma_start3A_111] : memref<10240x64xf32, #tpu.memory_space<vmem_shared>> -> memref<10240x64xf32, #tpu.memory_space<vmem_shared>>
            tpu.enqueue_indirect_dma source(%arg9 : memref<128x64xf32, #tpu.memory_space<vmem>>) target(%dma_start3A_112 : memref<10240x64xf32, #tpu.memory_space<vmem_shared>>) offsets(%dma_start3A_109 : memref<128xi32, #tpu.memory_space<vmem>>) semaphore(%run_scoped3A_106 : memref<!tpu.dma_semaphore, #tpu.memory_space<semaphore_mem>>) {add = true}
            %dma_wait3A_113 = arith.constant 0 : i32
            %dma_wait3A_114 = tpu.memref_slice %arg7[%run_scoped3A_97, %run_scoped3A_98, %dma_wait3A_113] : memref<2x2x128xi32, #tpu.memory_space<vmem>> -> memref<1x1x128xi32, #tpu.memory_space<vmem>>
            %dma_wait3A_115 = tpu.memref_squeeze %dma_wait3A_114 : memref<1x1x128xi32, #tpu.memory_space<vmem>> -> memref<128xi32, #tpu.memory_space<vmem>>
            %dma_wait3A_116 = arith.constant 0 : i32
            %dma_wait3A_117 = arith.constant 0 : i32
            %dma_wait3A_118 = tpu.memref_slice %arg6[%dma_wait3A_116, %dma_wait3A_117] : memref<10240x64xf32, #tpu.memory_space<vmem_shared>> -> memref<10240x64xf32, #tpu.memory_space<vmem_shared>>
            tpu.wait_indirect_dma semaphore(%run_scoped3A_106 : memref<!tpu.dma_semaphore, #tpu.memory_space<semaphore_mem>>) src(%arg9 : memref<128x64xf32, #tpu.memory_space<vmem>>) dst(%dma_wait3A_118 : memref<10240x64xf32, #tpu.memory_space<vmem_shared>>)
            tpu.yield
          }) : () -> ()
          %add3A_99 = arith.constant 2 : i32
          %add3A_100 = arith.addi %add3A_81, %add3A_99 : i32
          %lt3A_101 = arith.constant 157 : i32
          %lt3A_102 = arith.cmpi slt, %add3A_100, %lt3A_101 : i32
          %convert_element_type3A_103 = arith.extui %lt3A_102 : i1 to i32
          %cond3A_104 = arith.constant 0 : i32
          %cond3A_105 = arith.cmpi ne, %convert_element_type3A_103, %cond3A_104 : i32
          scf.if %cond3A_105 {
            %add3A_106 = arith.constant 2 : i32
            %add3A_107 = arith.addi %add3A_81, %add3A_106 : i32
            %dma_start3A_108 = arith.constant 1 : i32
            %dma_start3A_109 = arith.constant 0 : i32
            %dma_start3A_110 = arith.constant 0 : i32
            %dma_start3A_111 = tpu.memref_slice %arg7[%dma_start3A_108, %dma_start3A_109, %dma_start3A_110] : memref<2x2x128xi32, #tpu.memory_space<vmem>> -> memref<1x2x128xi32, #tpu.memory_space<vmem>>
            %dma_start3A_112 = tpu.memref_squeeze %dma_start3A_111 : memref<1x2x128xi32, #tpu.memory_space<vmem>> -> memref<2x128xi32, #tpu.memory_space<vmem>>
            %dma_start3A_113 = arith.constant 0 : i32
            %dma_start3A_114 = arith.constant 0 : i32
            %dma_start3A_115 = tpu.memref_slice %arg2[%arg1, %add3A_107, %dma_start3A_113, %dma_start3A_114] : memref<16x157x2x128xi32, #tpu.memory_space<hbm>> -> memref<1x1x2x128xi32, #tpu.memory_space<hbm>>
            %dma_start3A_116 = tpu.memref_squeeze %dma_start3A_115 : memref<1x1x2x128xi32, #tpu.memory_space<hbm>> -> memref<2x128xi32, #tpu.memory_space<hbm>>
            %dma_start3A_117 = arith.constant 0 : i32
            %dma_start3A_118 = arith.constant 0 : i32
            %dma_start3A_119 = tpu.memref_slice %arg7[%dma_start3A_108, %dma_start3A_117, %dma_start3A_118] : memref<2x2x128xi32, #tpu.memory_space<vmem>> -> memref<1x2x128xi32, #tpu.memory_space<vmem>>
            %dma_start3A_120 = tpu.memref_squeeze %dma_start3A_119 : memref<1x2x128xi32, #tpu.memory_space<vmem>> -> memref<2x128xi32, #tpu.memory_space<vmem>>
            %dma_start3A_121 = arith.constant 0 : i32
            %dma_start3A_122 = arith.constant 0 : i32
            %dma_start3A_123 = tpu.memref_slice %arg2[%arg1, %add3A_107, %dma_start3A_121, %dma_start3A_122] : memref<16x157x2x128xi32, #tpu.memory_space<hbm>> -> memref<1x1x2x128xi32, #tpu.memory_space<hbm>>
            %dma_start3A_124 = tpu.memref_squeeze %dma_start3A_123 : memref<1x1x2x128xi32, #tpu.memory_space<hbm>> -> memref<2x128xi32, #tpu.memory_space<hbm>>
            tpu.enqueue_dma source(%dma_start3A_124 : memref<2x128xi32, #tpu.memory_space<hbm>>) target(%dma_start3A_120 : memref<2x128xi32, #tpu.memory_space<vmem>>) target_semaphore(%arg13 : memref<!tpu.dma_semaphore, #tpu.memory_space<semaphore_mem>>)
          } else {
          }
        } else {
        }
      }
      %scan3A_40 = arith.constant 79 : i32
      %barrier3A_41 = arith.constant 0 : index
      tpu.barrier barrier_id(%barrier3A_41)
      %mul3A_42 = arith.constant 640 : i32
      %mul3A_43 = arith.muli %arg1, %mul3A_42 : i32
      %mul3A_44 = arith.constant 10240 : i32
      %mul3A_45 = arith.muli %arg0, %mul3A_44 : i32
      %mul3A_46 = arith.constant 640 : i32
      %mul3A_47 = arith.muli %arg1, %mul3A_46 : i32
      %add3A = arith.addi %mul3A_45, %mul3A_47 : i32
      "tpu.region"() ({
        %run_scoped3A_48 = tpu.sem_alloc : memref<!tpu.dma_semaphore, #tpu.memory_space<semaphore_mem>>
        %dma_start3A_49 = arith.constant 0 : i32
        %dma_start3A_50 = tpu.memref_slice %arg5[%add3A, %dma_start3A_49] : memref<20480x64xf32, #tpu.memory_space<hbm>> -> memref<640x64xf32, #tpu.memory_space<hbm>>
        %dma_start3A_51 = arith.constant 0 : i32
        %dma_start3A_52 = tpu.memref_slice %arg6[%mul3A_43, %dma_start3A_51] : memref<10240x64xf32, #tpu.memory_space<vmem_shared>> -> memref<640x64xf32, #tpu.memory_space<vmem_shared>>
        tpu.enqueue_dma source(%dma_start3A_52 : memref<640x64xf32, #tpu.memory_space<vmem_shared>>) target(%dma_start3A_50 : memref<640x64xf32, #tpu.memory_space<hbm>>) target_semaphore(%run_scoped3A_48 : memref<!tpu.dma_semaphore, #tpu.memory_space<semaphore_mem>>)
        %dma_wait3A = arith.constant 0 : i32
        %dma_wait3A_53 = tpu.memref_slice %arg5[%add3A, %dma_wait3A] : memref<20480x64xf32, #tpu.memory_space<hbm>> -> memref<640x64xf32, #tpu.memory_space<hbm>>
        %dma_wait3A_54 = arith.constant 0 : i32
        %dma_wait3A_55 = tpu.memref_slice %arg6[%mul3A_43, %dma_wait3A_54] : memref<10240x64xf32, #tpu.memory_space<vmem_shared>> -> memref<640x64xf32, #tpu.memory_space<vmem_shared>>
        tpu.wait_dma2 semaphore(%run_scoped3A_48 : memref<!tpu.dma_semaphore, #tpu.memory_space<semaphore_mem>>) src(%dma_wait3A_55 : memref<640x64xf32, #tpu.memory_space<vmem_shared>>) dst(%dma_wait3A_53 : memref<640x64xf32, #tpu.memory_space<hbm>>)
        tpu.yield
      }) : () -> ()
    } else {
    }
    %eq3A_2 = arith.constant 1 : i32
    %eq3A_3 = arith.cmpi eq, %arg0, %eq3A_2 : i32
    %convert_element_type3A_4 = arith.extui %eq3A_3 : i1 to i32
    %cond3A_5 = arith.constant 0 : i32
    %cond3A_6 = arith.cmpi ne, %convert_element_type3A_4, %cond3A_5 : i32
    scf.if %cond3A_6 {
      %mul3A = arith.constant 640 : i32
      %mul3A_7 = arith.muli %arg1, %mul3A : i32
      %mul3A_8 = arith.constant 640 : i32
      %mul3A_9 = arith.muli %arg1, %mul3A_8 : i32
      "tpu.region"() ({
        %run_scoped3A_48 = tpu.sem_alloc : memref<!tpu.dma_semaphore, #tpu.memory_space<semaphore_mem>>
        %dma_start3A_49 = arith.constant 0 : i32
        %dma_start3A_50 = tpu.memref_slice %arg6[%mul3A_9, %dma_start3A_49] : memref<10240x64xf32, #tpu.memory_space<vmem_shared>> -> memref<640x64xf32, #tpu.memory_space<vmem_shared>>
        %dma_start3A_51 = arith.constant 0 : i32
        %dma_start3A_52 = tpu.memref_slice %arg4[%mul3A_7, %dma_start3A_51] : memref<10240x64xf32, #tpu.memory_space<hbm>> -> memref<640x64xf32, #tpu.memory_space<hbm>>
        tpu.enqueue_dma source(%dma_start3A_52 : memref<640x64xf32, #tpu.memory_space<hbm>>) target(%dma_start3A_50 : memref<640x64xf32, #tpu.memory_space<vmem_shared>>) target_semaphore(%run_scoped3A_48 : memref<!tpu.dma_semaphore, #tpu.memory_space<semaphore_mem>>)
        %dma_wait3A = arith.constant 0 : i32
        %dma_wait3A_53 = tpu.memref_slice %arg6[%mul3A_9, %dma_wait3A] : memref<10240x64xf32, #tpu.memory_space<vmem_shared>> -> memref<640x64xf32, #tpu.memory_space<vmem_shared>>
        %dma_wait3A_54 = arith.constant 0 : i32
        %dma_wait3A_55 = tpu.memref_slice %arg4[%mul3A_7, %dma_wait3A_54] : memref<10240x64xf32, #tpu.memory_space<hbm>> -> memref<640x64xf32, #tpu.memory_space<hbm>>
        tpu.wait_dma2 semaphore(%run_scoped3A_48 : memref<!tpu.dma_semaphore, #tpu.memory_space<semaphore_mem>>) src(%dma_wait3A_55 : memref<640x64xf32, #tpu.memory_space<hbm>>) dst(%dma_wait3A_53 : memref<640x64xf32, #tpu.memory_space<vmem_shared>>)
        tpu.yield
      }) : () -> ()
      %barrier3A = arith.constant 0 : index
      tpu.barrier barrier_id(%barrier3A)
      %run_scoped3A = arith.constant 0 : i32
      %run_scoped3A_10 = arith.constant 0 : i32
      "tpu.region"() ({
        %run_scoped3A_48 = tpu.sem_alloc : memref<!tpu.dma_semaphore, #tpu.memory_space<semaphore_mem>>
        %dma_start3A_49 = arith.constant 0 : i32
        %dma_start3A_50 = arith.constant 0 : i32
        %dma_start3A_51 = tpu.memref_slice %arg7[%run_scoped3A_10, %dma_start3A_49, %dma_start3A_50] : memref<2x2x128xi32, #tpu.memory_space<vmem>> -> memref<1x2x128xi32, #tpu.memory_space<vmem>>
        %dma_start3A_52 = tpu.memref_squeeze %dma_start3A_51 : memref<1x2x128xi32, #tpu.memory_space<vmem>> -> memref<2x128xi32, #tpu.memory_space<vmem>>
        %dma_start3A_53 = arith.constant 0 : i32
        %dma_start3A_54 = arith.constant 0 : i32
        %dma_start3A_55 = tpu.memref_slice %arg2[%arg1, %run_scoped3A, %dma_start3A_53, %dma_start3A_54] : memref<16x157x2x128xi32, #tpu.memory_space<hbm>> -> memref<1x1x2x128xi32, #tpu.memory_space<hbm>>
        %dma_start3A_56 = tpu.memref_squeeze %dma_start3A_55 : memref<1x1x2x128xi32, #tpu.memory_space<hbm>> -> memref<2x128xi32, #tpu.memory_space<hbm>>
        %dma_start3A_57 = arith.constant 0 : i32
        %dma_start3A_58 = arith.constant 0 : i32
        %dma_start3A_59 = tpu.memref_slice %arg7[%run_scoped3A_10, %dma_start3A_57, %dma_start3A_58] : memref<2x2x128xi32, #tpu.memory_space<vmem>> -> memref<1x2x128xi32, #tpu.memory_space<vmem>>
        %dma_start3A_60 = tpu.memref_squeeze %dma_start3A_59 : memref<1x2x128xi32, #tpu.memory_space<vmem>> -> memref<2x128xi32, #tpu.memory_space<vmem>>
        %dma_start3A_61 = arith.constant 0 : i32
        %dma_start3A_62 = arith.constant 0 : i32
        %dma_start3A_63 = tpu.memref_slice %arg2[%arg1, %run_scoped3A, %dma_start3A_61, %dma_start3A_62] : memref<16x157x2x128xi32, #tpu.memory_space<hbm>> -> memref<1x1x2x128xi32, #tpu.memory_space<hbm>>
        %dma_start3A_64 = tpu.memref_squeeze %dma_start3A_63 : memref<1x1x2x128xi32, #tpu.memory_space<hbm>> -> memref<2x128xi32, #tpu.memory_space<hbm>>
        tpu.enqueue_dma source(%dma_start3A_64 : memref<2x128xi32, #tpu.memory_space<hbm>>) target(%dma_start3A_60 : memref<2x128xi32, #tpu.memory_space<vmem>>) target_semaphore(%run_scoped3A_48 : memref<!tpu.dma_semaphore, #tpu.memory_space<semaphore_mem>>)
        %dma_wait3A = arith.constant 0 : i32
        %dma_wait3A_65 = arith.constant 0 : i32
        %dma_wait3A_66 = tpu.memref_slice %arg7[%run_scoped3A_10, %dma_wait3A, %dma_wait3A_65] : memref<2x2x128xi32, #tpu.memory_space<vmem>> -> memref<1x2x128xi32, #tpu.memory_space<vmem>>
        %dma_wait3A_67 = tpu.memref_squeeze %dma_wait3A_66 : memref<1x2x128xi32, #tpu.memory_space<vmem>> -> memref<2x128xi32, #tpu.memory_space<vmem>>
        %dma_wait3A_68 = arith.constant 0 : i32
        %dma_wait3A_69 = arith.constant 0 : i32
        %dma_wait3A_70 = tpu.memref_slice %arg2[%arg1, %run_scoped3A, %dma_wait3A_68, %dma_wait3A_69] : memref<16x157x2x128xi32, #tpu.memory_space<hbm>> -> memref<1x1x2x128xi32, #tpu.memory_space<hbm>>
        %dma_wait3A_71 = tpu.memref_squeeze %dma_wait3A_70 : memref<1x1x2x128xi32, #tpu.memory_space<hbm>> -> memref<2x128xi32, #tpu.memory_space<hbm>>
        %dma_wait3A_72 = arith.constant 0 : i32
        %dma_wait3A_73 = arith.constant 0 : i32
        %dma_wait3A_74 = tpu.memref_slice %arg7[%run_scoped3A_10, %dma_wait3A_72, %dma_wait3A_73] : memref<2x2x128xi32, #tpu.memory_space<vmem>> -> memref<1x2x128xi32, #tpu.memory_space<vmem>>
        %dma_wait3A_75 = tpu.memref_squeeze %dma_wait3A_74 : memref<1x2x128xi32, #tpu.memory_space<vmem>> -> memref<2x128xi32, #tpu.memory_space<vmem>>
        %dma_wait3A_76 = arith.constant 0 : i32
        %dma_wait3A_77 = arith.constant 0 : i32
        %dma_wait3A_78 = tpu.memref_slice %arg2[%arg1, %run_scoped3A, %dma_wait3A_76, %dma_wait3A_77] : memref<16x157x2x128xi32, #tpu.memory_space<hbm>> -> memref<1x1x2x128xi32, #tpu.memory_space<hbm>>
        %dma_wait3A_79 = tpu.memref_squeeze %dma_wait3A_78 : memref<1x1x2x128xi32, #tpu.memory_space<hbm>> -> memref<2x128xi32, #tpu.memory_space<hbm>>
        tpu.wait_dma2 semaphore(%run_scoped3A_48 : memref<!tpu.dma_semaphore, #tpu.memory_space<semaphore_mem>>) src(%dma_wait3A_79 : memref<2x128xi32, #tpu.memory_space<hbm>>) dst(%dma_wait3A_75 : memref<2x128xi32, #tpu.memory_space<vmem>>)
        tpu.yield
      }) : () -> ()
      %dma_start3A = arith.constant 0 : i32
      %dma_start3A_11 = arith.constant 0 : i32
      %dma_start3A_12 = arith.constant 0 : i32
      %dma_start3A_13 = tpu.memref_slice %arg7[%dma_start3A, %dma_start3A_11, %dma_start3A_12] : memref<2x2x128xi32, #tpu.memory_space<vmem>> -> memref<1x1x128xi32, #tpu.memory_space<vmem>>
      %dma_start3A_14 = tpu.memref_squeeze %dma_start3A_13 : memref<1x1x128xi32, #tpu.memory_space<vmem>> -> memref<128xi32, #tpu.memory_space<vmem>>
      %dma_start3A_15 = arith.constant 0 : i32
      %dma_start3A_16 = arith.constant 0 : i32
      %dma_start3A_17 = tpu.memref_slice %arg4[%dma_start3A_15, %dma_start3A_16] : memref<10240x64xf32, #tpu.memory_space<hbm>> -> memref<10240x64xf32, #tpu.memory_space<hbm>>
      tpu.enqueue_indirect_dma source(%dma_start3A_17 : memref<10240x64xf32, #tpu.memory_space<hbm>>) target(%arg8 : memref<128x64xf32, #tpu.memory_space<vmem>>) offsets(%dma_start3A_14 : memref<128xi32, #tpu.memory_space<vmem>>) semaphore(%arg10 : memref<!tpu.dma_semaphore, #tpu.memory_space<semaphore_mem>>)
      %dma_start3A_18 = arith.constant 1 : i32
      %dma_start3A_19 = arith.constant 1 : i32
      %dma_start3A_20 = arith.constant 0 : i32
      %dma_start3A_21 = arith.constant 0 : i32
      %dma_start3A_22 = tpu.memref_slice %arg7[%dma_start3A_19, %dma_start3A_20, %dma_start3A_21] : memref<2x2x128xi32, #tpu.memory_space<vmem>> -> memref<1x2x128xi32, #tpu.memory_space<vmem>>
      %dma_start3A_23 = tpu.memref_squeeze %dma_start3A_22 : memref<1x2x128xi32, #tpu.memory_space<vmem>> -> memref<2x128xi32, #tpu.memory_space<vmem>>
      %dma_start3A_24 = arith.constant 0 : i32
      %dma_start3A_25 = arith.constant 0 : i32
      %dma_start3A_26 = tpu.memref_slice %arg2[%arg1, %dma_start3A_18, %dma_start3A_24, %dma_start3A_25] : memref<16x157x2x128xi32, #tpu.memory_space<hbm>> -> memref<1x1x2x128xi32, #tpu.memory_space<hbm>>
      %dma_start3A_27 = tpu.memref_squeeze %dma_start3A_26 : memref<1x1x2x128xi32, #tpu.memory_space<hbm>> -> memref<2x128xi32, #tpu.memory_space<hbm>>
      %dma_start3A_28 = arith.constant 0 : i32
      %dma_start3A_29 = arith.constant 0 : i32
      %dma_start3A_30 = tpu.memref_slice %arg7[%dma_start3A_19, %dma_start3A_28, %dma_start3A_29] : memref<2x2x128xi32, #tpu.memory_space<vmem>> -> memref<1x2x128xi32, #tpu.memory_space<vmem>>
      %dma_start3A_31 = tpu.memref_squeeze %dma_start3A_30 : memref<1x2x128xi32, #tpu.memory_space<vmem>> -> memref<2x128xi32, #tpu.memory_space<vmem>>
      %dma_start3A_32 = arith.constant 0 : i32
      %dma_start3A_33 = arith.constant 0 : i32
      %dma_start3A_34 = tpu.memref_slice %arg2[%arg1, %dma_start3A_18, %dma_start3A_32, %dma_start3A_33] : memref<16x157x2x128xi32, #tpu.memory_space<hbm>> -> memref<1x1x2x128xi32, #tpu.memory_space<hbm>>
      %dma_start3A_35 = tpu.memref_squeeze %dma_start3A_34 : memref<1x1x2x128xi32, #tpu.memory_space<hbm>> -> memref<2x128xi32, #tpu.memory_space<hbm>>
      tpu.enqueue_dma source(%dma_start3A_35 : memref<2x128xi32, #tpu.memory_space<hbm>>) target(%dma_start3A_31 : memref<2x128xi32, #tpu.memory_space<vmem>>) target_semaphore(%arg13 : memref<!tpu.dma_semaphore, #tpu.memory_space<semaphore_mem>>)
      %scan3A = arith.constant 0 : i32
      %scan3A_36 = arith.constant 0 : i32
      %scan3A_37 = arith.constant 79 : i32
      %scan3A_38 = arith.addi %scan3A_36, %scan3A_37 : i32
      %scan3A_39 = arith.constant 1 : i32
      scf.for %scan3A_48 = %scan3A_36 to %scan3A_38 step %scan3A_39  : i32 {
        %mul3A_49 = arith.constant 2 : i32
        %mul3A_50 = arith.muli %mul3A_49, %scan3A_48 : i32
        %add3A_51 = arith.constant 1 : i32
        %add3A_52 = arith.addi %mul3A_50, %add3A_51 : i32
        %lt3A = arith.constant 157 : i32
        %lt3A_53 = arith.cmpi slt, %add3A_52, %lt3A : i32
        %convert_element_type3A_54 = arith.extui %lt3A_53 : i1 to i32
        %cond3A_55 = arith.constant 0 : i32
        %cond3A_56 = arith.cmpi ne, %convert_element_type3A_54, %cond3A_55 : i32
        scf.if %cond3A_56 {
          %add3A_80 = arith.constant 1 : i32
          %add3A_81 = arith.addi %mul3A_50, %add3A_80 : i32
          %dma_wait3A_82 = arith.constant 1 : i32
          %dma_wait3A_83 = arith.constant 0 : i32
          %dma_wait3A_84 = arith.constant 0 : i32
          %dma_wait3A_85 = tpu.memref_slice %arg7[%dma_wait3A_82, %dma_wait3A_83, %dma_wait3A_84] : memref<2x2x128xi32, #tpu.memory_space<vmem>> -> memref<1x2x128xi32, #tpu.memory_space<vmem>>
          %dma_wait3A_86 = tpu.memref_squeeze %dma_wait3A_85 : memref<1x2x128xi32, #tpu.memory_space<vmem>> -> memref<2x128xi32, #tpu.memory_space<vmem>>
          %dma_wait3A_87 = arith.constant 0 : i32
          %dma_wait3A_88 = arith.constant 0 : i32
          %dma_wait3A_89 = tpu.memref_slice %arg2[%arg1, %add3A_81, %dma_wait3A_87, %dma_wait3A_88] : memref<16x157x2x128xi32, #tpu.memory_space<hbm>> -> memref<1x1x2x128xi32, #tpu.memory_space<hbm>>
          %dma_wait3A_90 = tpu.memref_squeeze %dma_wait3A_89 : memref<1x1x2x128xi32, #tpu.memory_space<hbm>> -> memref<2x128xi32, #tpu.memory_space<hbm>>
          %dma_wait3A_91 = arith.constant 0 : i32
          %dma_wait3A_92 = arith.constant 0 : i32
          %dma_wait3A_93 = tpu.memref_slice %arg7[%dma_wait3A_82, %dma_wait3A_91, %dma_wait3A_92] : memref<2x2x128xi32, #tpu.memory_space<vmem>> -> memref<1x2x128xi32, #tpu.memory_space<vmem>>
          %dma_wait3A_94 = tpu.memref_squeeze %dma_wait3A_93 : memref<1x2x128xi32, #tpu.memory_space<vmem>> -> memref<2x128xi32, #tpu.memory_space<vmem>>
          %dma_wait3A_95 = arith.constant 0 : i32
          %dma_wait3A_96 = arith.constant 0 : i32
          %dma_wait3A_97 = tpu.memref_slice %arg2[%arg1, %add3A_81, %dma_wait3A_95, %dma_wait3A_96] : memref<16x157x2x128xi32, #tpu.memory_space<hbm>> -> memref<1x1x2x128xi32, #tpu.memory_space<hbm>>
          %dma_wait3A_98 = tpu.memref_squeeze %dma_wait3A_97 : memref<1x1x2x128xi32, #tpu.memory_space<hbm>> -> memref<2x128xi32, #tpu.memory_space<hbm>>
          tpu.wait_dma2 semaphore(%arg13 : memref<!tpu.dma_semaphore, #tpu.memory_space<semaphore_mem>>) src(%dma_wait3A_98 : memref<2x128xi32, #tpu.memory_space<hbm>>) dst(%dma_wait3A_94 : memref<2x128xi32, #tpu.memory_space<vmem>>)
          %dma_start3A_99 = arith.constant 1 : i32
          %dma_start3A_100 = arith.constant 0 : i32
          %dma_start3A_101 = arith.constant 0 : i32
          %dma_start3A_102 = tpu.memref_slice %arg7[%dma_start3A_99, %dma_start3A_100, %dma_start3A_101] : memref<2x2x128xi32, #tpu.memory_space<vmem>> -> memref<1x1x128xi32, #tpu.memory_space<vmem>>
          %dma_start3A_103 = tpu.memref_squeeze %dma_start3A_102 : memref<1x1x128xi32, #tpu.memory_space<vmem>> -> memref<128xi32, #tpu.memory_space<vmem>>
          %dma_start3A_104 = arith.constant 0 : i32
          %dma_start3A_105 = arith.constant 0 : i32
          %dma_start3A_106 = tpu.memref_slice %arg4[%dma_start3A_104, %dma_start3A_105] : memref<10240x64xf32, #tpu.memory_space<hbm>> -> memref<10240x64xf32, #tpu.memory_space<hbm>>
          tpu.enqueue_indirect_dma source(%dma_start3A_106 : memref<10240x64xf32, #tpu.memory_space<hbm>>) target(%arg9 : memref<128x64xf32, #tpu.memory_space<vmem>>) offsets(%dma_start3A_103 : memref<128xi32, #tpu.memory_space<vmem>>) semaphore(%arg11 : memref<!tpu.dma_semaphore, #tpu.memory_space<semaphore_mem>>)
        } else {
        }
        %dma_wait3A = arith.constant 0 : i32
        %dma_wait3A_57 = arith.constant 0 : i32
        %dma_wait3A_58 = arith.constant 0 : i32
        %dma_wait3A_59 = tpu.memref_slice %arg7[%dma_wait3A, %dma_wait3A_57, %dma_wait3A_58] : memref<2x2x128xi32, #tpu.memory_space<vmem>> -> memref<1x1x128xi32, #tpu.memory_space<vmem>>
        %dma_wait3A_60 = tpu.memref_squeeze %dma_wait3A_59 : memref<1x1x128xi32, #tpu.memory_space<vmem>> -> memref<128xi32, #tpu.memory_space<vmem>>
        %dma_wait3A_61 = arith.constant 0 : i32
        %dma_wait3A_62 = arith.constant 0 : i32
        %dma_wait3A_63 = tpu.memref_slice %arg4[%dma_wait3A_61, %dma_wait3A_62] : memref<10240x64xf32, #tpu.memory_space<hbm>> -> memref<10240x64xf32, #tpu.memory_space<hbm>>
        tpu.wait_indirect_dma semaphore(%arg10 : memref<!tpu.dma_semaphore, #tpu.memory_space<semaphore_mem>>) src(%dma_wait3A_63 : memref<10240x64xf32, #tpu.memory_space<hbm>>) dst(%arg8 : memref<128x64xf32, #tpu.memory_space<vmem>>)
        %run_scoped3A_64 = arith.constant 0 : i32
        %run_scoped3A_65 = arith.constant 1 : i32
        "tpu.region"() ({
          %run_scoped3A_80 = tpu.sem_alloc : memref<!tpu.dma_semaphore, #tpu.memory_space<semaphore_mem>>
          %dma_start3A_81 = arith.constant 0 : i32
          %dma_start3A_82 = tpu.memref_slice %arg7[%run_scoped3A_64, %run_scoped3A_65, %dma_start3A_81] : memref<2x2x128xi32, #tpu.memory_space<vmem>> -> memref<1x1x128xi32, #tpu.memory_space<vmem>>
          %dma_start3A_83 = tpu.memref_squeeze %dma_start3A_82 : memref<1x1x128xi32, #tpu.memory_space<vmem>> -> memref<128xi32, #tpu.memory_space<vmem>>
          %dma_start3A_84 = arith.constant 0 : i32
          %dma_start3A_85 = arith.constant 0 : i32
          %dma_start3A_86 = tpu.memref_slice %arg6[%dma_start3A_84, %dma_start3A_85] : memref<10240x64xf32, #tpu.memory_space<vmem_shared>> -> memref<10240x64xf32, #tpu.memory_space<vmem_shared>>
          tpu.enqueue_indirect_dma source(%arg8 : memref<128x64xf32, #tpu.memory_space<vmem>>) target(%dma_start3A_86 : memref<10240x64xf32, #tpu.memory_space<vmem_shared>>) offsets(%dma_start3A_83 : memref<128xi32, #tpu.memory_space<vmem>>) semaphore(%run_scoped3A_80 : memref<!tpu.dma_semaphore, #tpu.memory_space<semaphore_mem>>) {add = true}
          %dma_wait3A_87 = arith.constant 0 : i32
          %dma_wait3A_88 = tpu.memref_slice %arg7[%run_scoped3A_64, %run_scoped3A_65, %dma_wait3A_87] : memref<2x2x128xi32, #tpu.memory_space<vmem>> -> memref<1x1x128xi32, #tpu.memory_space<vmem>>
          %dma_wait3A_89 = tpu.memref_squeeze %dma_wait3A_88 : memref<1x1x128xi32, #tpu.memory_space<vmem>> -> memref<128xi32, #tpu.memory_space<vmem>>
          %dma_wait3A_90 = arith.constant 0 : i32
          %dma_wait3A_91 = arith.constant 0 : i32
          %dma_wait3A_92 = tpu.memref_slice %arg6[%dma_wait3A_90, %dma_wait3A_91] : memref<10240x64xf32, #tpu.memory_space<vmem_shared>> -> memref<10240x64xf32, #tpu.memory_space<vmem_shared>>
          tpu.wait_indirect_dma semaphore(%run_scoped3A_80 : memref<!tpu.dma_semaphore, #tpu.memory_space<semaphore_mem>>) src(%arg8 : memref<128x64xf32, #tpu.memory_space<vmem>>) dst(%dma_wait3A_92 : memref<10240x64xf32, #tpu.memory_space<vmem_shared>>)
          tpu.yield
        }) : () -> ()
        %add3A_66 = arith.constant 2 : i32
        %add3A_67 = arith.addi %mul3A_50, %add3A_66 : i32
        %lt3A_68 = arith.constant 157 : i32
        %lt3A_69 = arith.cmpi slt, %add3A_67, %lt3A_68 : i32
        %convert_element_type3A_70 = arith.extui %lt3A_69 : i1 to i32
        %cond3A_71 = arith.constant 0 : i32
        %cond3A_72 = arith.cmpi ne, %convert_element_type3A_70, %cond3A_71 : i32
        scf.if %cond3A_72 {
          %add3A_80 = arith.constant 2 : i32
          %add3A_81 = arith.addi %mul3A_50, %add3A_80 : i32
          %dma_start3A_82 = arith.constant 0 : i32
          %dma_start3A_83 = arith.constant 0 : i32
          %dma_start3A_84 = arith.constant 0 : i32
          %dma_start3A_85 = tpu.memref_slice %arg7[%dma_start3A_82, %dma_start3A_83, %dma_start3A_84] : memref<2x2x128xi32, #tpu.memory_space<vmem>> -> memref<1x2x128xi32, #tpu.memory_space<vmem>>
          %dma_start3A_86 = tpu.memref_squeeze %dma_start3A_85 : memref<1x2x128xi32, #tpu.memory_space<vmem>> -> memref<2x128xi32, #tpu.memory_space<vmem>>
          %dma_start3A_87 = arith.constant 0 : i32
          %dma_start3A_88 = arith.constant 0 : i32
          %dma_start3A_89 = tpu.memref_slice %arg2[%arg1, %add3A_81, %dma_start3A_87, %dma_start3A_88] : memref<16x157x2x128xi32, #tpu.memory_space<hbm>> -> memref<1x1x2x128xi32, #tpu.memory_space<hbm>>
          %dma_start3A_90 = tpu.memref_squeeze %dma_start3A_89 : memref<1x1x2x128xi32, #tpu.memory_space<hbm>> -> memref<2x128xi32, #tpu.memory_space<hbm>>
          %dma_start3A_91 = arith.constant 0 : i32
          %dma_start3A_92 = arith.constant 0 : i32
          %dma_start3A_93 = tpu.memref_slice %arg7[%dma_start3A_82, %dma_start3A_91, %dma_start3A_92] : memref<2x2x128xi32, #tpu.memory_space<vmem>> -> memref<1x2x128xi32, #tpu.memory_space<vmem>>
          %dma_start3A_94 = tpu.memref_squeeze %dma_start3A_93 : memref<1x2x128xi32, #tpu.memory_space<vmem>> -> memref<2x128xi32, #tpu.memory_space<vmem>>
          %dma_start3A_95 = arith.constant 0 : i32
          %dma_start3A_96 = arith.constant 0 : i32
          %dma_start3A_97 = tpu.memref_slice %arg2[%arg1, %add3A_81, %dma_start3A_95, %dma_start3A_96] : memref<16x157x2x128xi32, #tpu.memory_space<hbm>> -> memref<1x1x2x128xi32, #tpu.memory_space<hbm>>
          %dma_start3A_98 = tpu.memref_squeeze %dma_start3A_97 : memref<1x1x2x128xi32, #tpu.memory_space<hbm>> -> memref<2x128xi32, #tpu.memory_space<hbm>>
          tpu.enqueue_dma source(%dma_start3A_98 : memref<2x128xi32, #tpu.memory_space<hbm>>) target(%dma_start3A_94 : memref<2x128xi32, #tpu.memory_space<vmem>>) target_semaphore(%arg12 : memref<!tpu.dma_semaphore, #tpu.memory_space<semaphore_mem>>)
        } else {
        }
        %add3A_73 = arith.constant 1 : i32
        %add3A_74 = arith.addi %mul3A_50, %add3A_73 : i32
        %lt3A_75 = arith.constant 157 : i32
        %lt3A_76 = arith.cmpi slt, %add3A_74, %lt3A_75 : i32
        %convert_element_type3A_77 = arith.extui %lt3A_76 : i1 to i32
        %cond3A_78 = arith.constant 0 : i32
        %cond3A_79 = arith.cmpi ne, %convert_element_type3A_77, %cond3A_78 : i32
        scf.if %cond3A_79 {
          %add3A_80 = arith.constant 1 : i32
          %add3A_81 = arith.addi %mul3A_50, %add3A_80 : i32
          %add3A_82 = arith.constant 1 : i32
          %add3A_83 = arith.addi %add3A_81, %add3A_82 : i32
          %lt3A_84 = arith.constant 157 : i32
          %lt3A_85 = arith.cmpi slt, %add3A_83, %lt3A_84 : i32
          %convert_element_type3A_86 = arith.extui %lt3A_85 : i1 to i32
          %cond3A_87 = arith.constant 0 : i32
          %cond3A_88 = arith.cmpi ne, %convert_element_type3A_86, %cond3A_87 : i32
          scf.if %cond3A_88 {
            %add3A_106 = arith.constant 1 : i32
            %add3A_107 = arith.addi %add3A_81, %add3A_106 : i32
            %dma_wait3A_108 = arith.constant 0 : i32
            %dma_wait3A_109 = arith.constant 0 : i32
            %dma_wait3A_110 = arith.constant 0 : i32
            %dma_wait3A_111 = tpu.memref_slice %arg7[%dma_wait3A_108, %dma_wait3A_109, %dma_wait3A_110] : memref<2x2x128xi32, #tpu.memory_space<vmem>> -> memref<1x2x128xi32, #tpu.memory_space<vmem>>
            %dma_wait3A_112 = tpu.memref_squeeze %dma_wait3A_111 : memref<1x2x128xi32, #tpu.memory_space<vmem>> -> memref<2x128xi32, #tpu.memory_space<vmem>>
            %dma_wait3A_113 = arith.constant 0 : i32
            %dma_wait3A_114 = arith.constant 0 : i32
            %dma_wait3A_115 = tpu.memref_slice %arg2[%arg1, %add3A_107, %dma_wait3A_113, %dma_wait3A_114] : memref<16x157x2x128xi32, #tpu.memory_space<hbm>> -> memref<1x1x2x128xi32, #tpu.memory_space<hbm>>
            %dma_wait3A_116 = tpu.memref_squeeze %dma_wait3A_115 : memref<1x1x2x128xi32, #tpu.memory_space<hbm>> -> memref<2x128xi32, #tpu.memory_space<hbm>>
            %dma_wait3A_117 = arith.constant 0 : i32
            %dma_wait3A_118 = arith.constant 0 : i32
            %dma_wait3A_119 = tpu.memref_slice %arg7[%dma_wait3A_108, %dma_wait3A_117, %dma_wait3A_118] : memref<2x2x128xi32, #tpu.memory_space<vmem>> -> memref<1x2x128xi32, #tpu.memory_space<vmem>>
            %dma_wait3A_120 = tpu.memref_squeeze %dma_wait3A_119 : memref<1x2x128xi32, #tpu.memory_space<vmem>> -> memref<2x128xi32, #tpu.memory_space<vmem>>
            %dma_wait3A_121 = arith.constant 0 : i32
            %dma_wait3A_122 = arith.constant 0 : i32
            %dma_wait3A_123 = tpu.memref_slice %arg2[%arg1, %add3A_107, %dma_wait3A_121, %dma_wait3A_122] : memref<16x157x2x128xi32, #tpu.memory_space<hbm>> -> memref<1x1x2x128xi32, #tpu.memory_space<hbm>>
            %dma_wait3A_124 = tpu.memref_squeeze %dma_wait3A_123 : memref<1x1x2x128xi32, #tpu.memory_space<hbm>> -> memref<2x128xi32, #tpu.memory_space<hbm>>
            tpu.wait_dma2 semaphore(%arg12 : memref<!tpu.dma_semaphore, #tpu.memory_space<semaphore_mem>>) src(%dma_wait3A_124 : memref<2x128xi32, #tpu.memory_space<hbm>>) dst(%dma_wait3A_120 : memref<2x128xi32, #tpu.memory_space<vmem>>)
            %dma_start3A_125 = arith.constant 0 : i32
            %dma_start3A_126 = arith.constant 0 : i32
            %dma_start3A_127 = arith.constant 0 : i32
            %dma_start3A_128 = tpu.memref_slice %arg7[%dma_start3A_125, %dma_start3A_126, %dma_start3A_127] : memref<2x2x128xi32, #tpu.memory_space<vmem>> -> memref<1x1x128xi32, #tpu.memory_space<vmem>>
            %dma_start3A_129 = tpu.memref_squeeze %dma_start3A_128 : memref<1x1x128xi32, #tpu.memory_space<vmem>> -> memref<128xi32, #tpu.memory_space<vmem>>
            %dma_start3A_130 = arith.constant 0 : i32
            %dma_start3A_131 = arith.constant 0 : i32
            %dma_start3A_132 = tpu.memref_slice %arg4[%dma_start3A_130, %dma_start3A_131] : memref<10240x64xf32, #tpu.memory_space<hbm>> -> memref<10240x64xf32, #tpu.memory_space<hbm>>
            tpu.enqueue_indirect_dma source(%dma_start3A_132 : memref<10240x64xf32, #tpu.memory_space<hbm>>) target(%arg8 : memref<128x64xf32, #tpu.memory_space<vmem>>) offsets(%dma_start3A_129 : memref<128xi32, #tpu.memory_space<vmem>>) semaphore(%arg10 : memref<!tpu.dma_semaphore, #tpu.memory_space<semaphore_mem>>)
          } else {
          }
          %dma_wait3A_89 = arith.constant 1 : i32
          %dma_wait3A_90 = arith.constant 0 : i32
          %dma_wait3A_91 = arith.constant 0 : i32
          %dma_wait3A_92 = tpu.memref_slice %arg7[%dma_wait3A_89, %dma_wait3A_90, %dma_wait3A_91] : memref<2x2x128xi32, #tpu.memory_space<vmem>> -> memref<1x1x128xi32, #tpu.memory_space<vmem>>
          %dma_wait3A_93 = tpu.memref_squeeze %dma_wait3A_92 : memref<1x1x128xi32, #tpu.memory_space<vmem>> -> memref<128xi32, #tpu.memory_space<vmem>>
          %dma_wait3A_94 = arith.constant 0 : i32
          %dma_wait3A_95 = arith.constant 0 : i32
          %dma_wait3A_96 = tpu.memref_slice %arg4[%dma_wait3A_94, %dma_wait3A_95] : memref<10240x64xf32, #tpu.memory_space<hbm>> -> memref<10240x64xf32, #tpu.memory_space<hbm>>
          tpu.wait_indirect_dma semaphore(%arg11 : memref<!tpu.dma_semaphore, #tpu.memory_space<semaphore_mem>>) src(%dma_wait3A_96 : memref<10240x64xf32, #tpu.memory_space<hbm>>) dst(%arg9 : memref<128x64xf32, #tpu.memory_space<vmem>>)
          %run_scoped3A_97 = arith.constant 1 : i32
          %run_scoped3A_98 = arith.constant 1 : i32
          "tpu.region"() ({
            %run_scoped3A_106 = tpu.sem_alloc : memref<!tpu.dma_semaphore, #tpu.memory_space<semaphore_mem>>
            %dma_start3A_107 = arith.constant 0 : i32
            %dma_start3A_108 = tpu.memref_slice %arg7[%run_scoped3A_97, %run_scoped3A_98, %dma_start3A_107] : memref<2x2x128xi32, #tpu.memory_space<vmem>> -> memref<1x1x128xi32, #tpu.memory_space<vmem>>
            %dma_start3A_109 = tpu.memref_squeeze %dma_start3A_108 : memref<1x1x128xi32, #tpu.memory_space<vmem>> -> memref<128xi32, #tpu.memory_space<vmem>>
            %dma_start3A_110 = arith.constant 0 : i32
            %dma_start3A_111 = arith.constant 0 : i32
            %dma_start3A_112 = tpu.memref_slice %arg6[%dma_start3A_110, %dma_start3A_111] : memref<10240x64xf32, #tpu.memory_space<vmem_shared>> -> memref<10240x64xf32, #tpu.memory_space<vmem_shared>>
            tpu.enqueue_indirect_dma source(%arg9 : memref<128x64xf32, #tpu.memory_space<vmem>>) target(%dma_start3A_112 : memref<10240x64xf32, #tpu.memory_space<vmem_shared>>) offsets(%dma_start3A_109 : memref<128xi32, #tpu.memory_space<vmem>>) semaphore(%run_scoped3A_106 : memref<!tpu.dma_semaphore, #tpu.memory_space<semaphore_mem>>) {add = true}
            %dma_wait3A_113 = arith.constant 0 : i32
            %dma_wait3A_114 = tpu.memref_slice %arg7[%run_scoped3A_97, %run_scoped3A_98, %dma_wait3A_113] : memref<2x2x128xi32, #tpu.memory_space<vmem>> -> memref<1x1x128xi32, #tpu.memory_space<vmem>>
            %dma_wait3A_115 = tpu.memref_squeeze %dma_wait3A_114 : memref<1x1x128xi32, #tpu.memory_space<vmem>> -> memref<128xi32, #tpu.memory_space<vmem>>
            %dma_wait3A_116 = arith.constant 0 : i32
            %dma_wait3A_117 = arith.constant 0 : i32
            %dma_wait3A_118 = tpu.memref_slice %arg6[%dma_wait3A_116, %dma_wait3A_117] : memref<10240x64xf32, #tpu.memory_space<vmem_shared>> -> memref<10240x64xf32, #tpu.memory_space<vmem_shared>>
            tpu.wait_indirect_dma semaphore(%run_scoped3A_106 : memref<!tpu.dma_semaphore, #tpu.memory_space<semaphore_mem>>) src(%arg9 : memref<128x64xf32, #tpu.memory_space<vmem>>) dst(%dma_wait3A_118 : memref<10240x64xf32, #tpu.memory_space<vmem_shared>>)
            tpu.yield
          }) : () -> ()
          %add3A_99 = arith.constant 2 : i32
          %add3A_100 = arith.addi %add3A_81, %add3A_99 : i32
          %lt3A_101 = arith.constant 157 : i32
          %lt3A_102 = arith.cmpi slt, %add3A_100, %lt3A_101 : i32
          %convert_element_type3A_103 = arith.extui %lt3A_102 : i1 to i32
          %cond3A_104 = arith.constant 0 : i32
          %cond3A_105 = arith.cmpi ne, %convert_element_type3A_103, %cond3A_104 : i32
          scf.if %cond3A_105 {
            %add3A_106 = arith.constant 2 : i32
            %add3A_107 = arith.addi %add3A_81, %add3A_106 : i32
            %dma_start3A_108 = arith.constant 1 : i32
            %dma_start3A_109 = arith.constant 0 : i32
            %dma_start3A_110 = arith.constant 0 : i32
            %dma_start3A_111 = tpu.memref_slice %arg7[%dma_start3A_108, %dma_start3A_109, %dma_start3A_110] : memref<2x2x128xi32, #tpu.memory_space<vmem>> -> memref<1x2x128xi32, #tpu.memory_space<vmem>>
            %dma_start3A_112 = tpu.memref_squeeze %dma_start3A_111 : memref<1x2x128xi32, #tpu.memory_space<vmem>> -> memref<2x128xi32, #tpu.memory_space<vmem>>
            %dma_start3A_113 = arith.constant 0 : i32
            %dma_start3A_114 = arith.constant 0 : i32
            %dma_start3A_115 = tpu.memref_slice %arg2[%arg1, %add3A_107, %dma_start3A_113, %dma_start3A_114] : memref<16x157x2x128xi32, #tpu.memory_space<hbm>> -> memref<1x1x2x128xi32, #tpu.memory_space<hbm>>
            %dma_start3A_116 = tpu.memref_squeeze %dma_start3A_115 : memref<1x1x2x128xi32, #tpu.memory_space<hbm>> -> memref<2x128xi32, #tpu.memory_space<hbm>>
            %dma_start3A_117 = arith.constant 0 : i32
            %dma_start3A_118 = arith.constant 0 : i32
            %dma_start3A_119 = tpu.memref_slice %arg7[%dma_start3A_108, %dma_start3A_117, %dma_start3A_118] : memref<2x2x128xi32, #tpu.memory_space<vmem>> -> memref<1x2x128xi32, #tpu.memory_space<vmem>>
            %dma_start3A_120 = tpu.memref_squeeze %dma_start3A_119 : memref<1x2x128xi32, #tpu.memory_space<vmem>> -> memref<2x128xi32, #tpu.memory_space<vmem>>
            %dma_start3A_121 = arith.constant 0 : i32
            %dma_start3A_122 = arith.constant 0 : i32
            %dma_start3A_123 = tpu.memref_slice %arg2[%arg1, %add3A_107, %dma_start3A_121, %dma_start3A_122] : memref<16x157x2x128xi32, #tpu.memory_space<hbm>> -> memref<1x1x2x128xi32, #tpu.memory_space<hbm>>
            %dma_start3A_124 = tpu.memref_squeeze %dma_start3A_123 : memref<1x1x2x128xi32, #tpu.memory_space<hbm>> -> memref<2x128xi32, #tpu.memory_space<hbm>>
            tpu.enqueue_dma source(%dma_start3A_124 : memref<2x128xi32, #tpu.memory_space<hbm>>) target(%dma_start3A_120 : memref<2x128xi32, #tpu.memory_space<vmem>>) target_semaphore(%arg13 : memref<!tpu.dma_semaphore, #tpu.memory_space<semaphore_mem>>)
          } else {
          }
        } else {
        }
      }
      %scan3A_40 = arith.constant 79 : i32
      %barrier3A_41 = arith.constant 0 : index
      tpu.barrier barrier_id(%barrier3A_41)
      %mul3A_42 = arith.constant 640 : i32
      %mul3A_43 = arith.muli %arg1, %mul3A_42 : i32
      %mul3A_44 = arith.constant 10240 : i32
      %mul3A_45 = arith.muli %arg0, %mul3A_44 : i32
      %mul3A_46 = arith.constant 640 : i32
      %mul3A_47 = arith.muli %arg1, %mul3A_46 : i32
      %add3A = arith.addi %mul3A_45, %mul3A_47 : i32
      "tpu.region"() ({
        %run_scoped3A_48 = tpu.sem_alloc : memref<!tpu.dma_semaphore, #tpu.memory_space<semaphore_mem>>
        %dma_start3A_49 = arith.constant 0 : i32
        %dma_start3A_50 = tpu.memref_slice %arg5[%add3A, %dma_start3A_49] : memref<20480x64xf32, #tpu.memory_space<hbm>> -> memref<640x64xf32, #tpu.memory_space<hbm>>
        %dma_start3A_51 = arith.constant 0 : i32
        %dma_start3A_52 = tpu.memref_slice %arg6[%mul3A_43, %dma_start3A_51] : memref<10240x64xf32, #tpu.memory_space<vmem_shared>> -> memref<640x64xf32, #tpu.memory_space<vmem_shared>>
        tpu.enqueue_dma source(%dma_start3A_52 : memref<640x64xf32, #tpu.memory_space<vmem_shared>>) target(%dma_start3A_50 : memref<640x64xf32, #tpu.memory_space<hbm>>) target_semaphore(%run_scoped3A_48 : memref<!tpu.dma_semaphore, #tpu.memory_space<semaphore_mem>>)
        %dma_wait3A = arith.constant 0 : i32
        %dma_wait3A_53 = tpu.memref_slice %arg5[%add3A, %dma_wait3A] : memref<20480x64xf32, #tpu.memory_space<hbm>> -> memref<640x64xf32, #tpu.memory_space<hbm>>
        %dma_wait3A_54 = arith.constant 0 : i32
        %dma_wait3A_55 = tpu.memref_slice %arg6[%mul3A_43, %dma_wait3A_54] : memref<10240x64xf32, #tpu.memory_space<vmem_shared>> -> memref<640x64xf32, #tpu.memory_space<vmem_shared>>
        tpu.wait_dma2 semaphore(%run_scoped3A_48 : memref<!tpu.dma_semaphore, #tpu.memory_space<semaphore_mem>>) src(%dma_wait3A_55 : memref<640x64xf32, #tpu.memory_space<vmem_shared>>) dst(%dma_wait3A_53 : memref<640x64xf32, #tpu.memory_space<hbm>>)
        tpu.yield
      }) : () -> ()
    } else {
    }
    return
  }
}

module attributes {stable_mosaic.version = 14 : i64} {
  func.func @_prescale_body(%arg0: i32, %arg1: memref<256x16xf32, #tpu.memory_space<vmem>>, %arg2: memref<256x16xf32, #tpu.memory_space<vmem>>, %arg3: memref<256x128xf32, #tpu.memory_space<vmem>>, %arg4: memref<256x128xf32, #tpu.memory_space<vmem>>, %arg5: memref<256x64xf32, #tpu.memory_space<vmem>>, %arg6: memref<256x64xf32, #tpu.memory_space<vmem>>) attributes {dimension_semantics = [#tpu.dimension_semantics<arbitrary>], iteration_bounds = array<i64: 40>, scalar_prefetch = 0 : i64, scratch_operands = 0 : i64, tpu.core_type = #tpu.core_type<tc>, window_params = [{transform_indices = @transform_0, window_bounds = array<i64: 256, 16>}, {transform_indices = @transform_1, window_bounds = array<i64: 256, 16>}, {transform_indices = @transform_2, window_bounds = array<i64: 256, 128>}, {transform_indices = @transform_3, window_bounds = array<i64: 256, 128>}, {transform_indices = @transform_4, window_bounds = array<i64: 256, 64>}, {transform_indices = @transform_5, window_bounds = array<i64: 256, 64>}]} {
    %get3A = arith.constant 0 : index
    %get3A_0 = arith.constant 0 : index
    %get3A_1 = vector.load %arg1[%get3A, %get3A_0] : memref<256x16xf32, #tpu.memory_space<vmem>>, vector<256x1xf32>
    %get3A_2 = arith.constant 0 : index
    %get3A_3 = arith.constant 0 : index
    %get3A_4 = vector.load %arg2[%get3A_2, %get3A_3] : memref<256x16xf32, #tpu.memory_space<vmem>>, vector<256x1xf32>
    %add3A = arith.addf %get3A_1, %get3A_4 : vector<256x1xf32>
    %add3A_5 = arith.constant 1.000000e+00 : f32
    %add3A_6 = vector.broadcast %add3A_5 : f32 to vector<256x1xf32>
    %add3A_7 = arith.addf %add3A, %add3A_6 : vector<256x1xf32>
    %rsqrt3A = math.rsqrt %add3A_7 : vector<256x1xf32>
    %broadcast_in_dim3A = vector.shape_cast %rsqrt3A : vector<256x1xf32> to vector<256x1xf32>
    %broadcast_in_dim3A_8 = vector.broadcast %broadcast_in_dim3A : vector<256x1xf32> to vector<256x128xf32>
    %swap3A = arith.constant 0 : index
    %swap3A_9 = arith.constant 0 : index
    %swap3A_10 = vector.load %arg4[%swap3A, %swap3A_9] : memref<256x128xf32, #tpu.memory_space<vmem>>, vector<256x128xf32>
    tpu.vector_store %arg4[%swap3A, %swap3A_9], %broadcast_in_dim3A_8 {strides = array<i32>} : memref<256x128xf32, #tpu.memory_space<vmem>>, vector<256x128xf32>,
    %get3A_11 = arith.constant 0 : index
    %get3A_12 = arith.constant 0 : index
    %get3A_13 = vector.load %arg3[%get3A_11, %get3A_12] : memref<256x128xf32, #tpu.memory_space<vmem>>, vector<256x64xf32>
    %mul3A = vector.broadcast %rsqrt3A : vector<256x1xf32> to vector<256x64xf32>
    %mul3A_14 = arith.mulf %get3A_13, %mul3A : vector<256x64xf32>
    %swap3A_15 = arith.constant 0 : index
    %swap3A_16 = arith.constant 0 : index
    %swap3A_17 = vector.load %arg5[%swap3A_15, %swap3A_16] : memref<256x64xf32, #tpu.memory_space<vmem>>, vector<256x64xf32>
    tpu.vector_store %arg5[%swap3A_15, %swap3A_16], %mul3A_14 {strides = array<i32>} : memref<256x64xf32, #tpu.memory_space<vmem>>, vector<256x64xf32>,
    %get3A_18 = arith.constant 0 : index
    %get3A_19 = arith.constant 64 : index
    %get3A_20 = vector.load %arg3[%get3A_18, %get3A_19] : memref<256x128xf32, #tpu.memory_space<vmem>>, vector<256x64xf32>
    %mul3A_21 = vector.broadcast %rsqrt3A : vector<256x1xf32> to vector<256x64xf32>
    %mul3A_22 = arith.mulf %get3A_20, %mul3A_21 : vector<256x64xf32>
    %swap3A_23 = arith.constant 0 : index
    %swap3A_24 = arith.constant 0 : index
    %swap3A_25 = vector.load %arg6[%swap3A_23, %swap3A_24] : memref<256x64xf32, #tpu.memory_space<vmem>>, vector<256x64xf32>
    tpu.vector_store %arg6[%swap3A_23, %swap3A_24], %mul3A_22 {strides = array<i32>} : memref<256x64xf32, #tpu.memory_space<vmem>>, vector<256x64xf32>,
    return
  }
  func.func @transform_0(%arg0: i32) -> (i32, i32) {
    %c0_i32 = arith.constant 0 : i32
    %c0_i32_0 = arith.constant 0 : i32
    return %arg0, %c0_i32 : i32, i32
  }
  func.func @transform_1(%arg0: i32) -> (i32, i32) {
    %add3A = arith.constant 40 : i32
    %add3A_0 = arith.addi %arg0, %add3A : i32
    %c0_i32 = arith.constant 0 : i32
    %c0_i32_1 = arith.constant 0 : i32
    return %add3A_0, %c0_i32 : i32, i32
  }
  func.func @transform_2(%arg0: i32) -> (i32, i32) {
    %c0_i32 = arith.constant 0 : i32
    %c0_i32_0 = arith.constant 0 : i32
    return %arg0, %c0_i32 : i32, i32
  }
  func.func @transform_3(%arg0: i32) -> (i32, i32) {
    %c0_i32 = arith.constant 0 : i32
    %c0_i32_0 = arith.constant 0 : i32
    return %arg0, %c0_i32 : i32, i32
  }
  func.func @transform_4(%arg0: i32) -> (i32, i32) {
    %c0_i32 = arith.constant 0 : i32
    %c0_i32_0 = arith.constant 0 : i32
    return %arg0, %c0_i32 : i32, i32
  }
  func.func @transform_5(%arg0: i32) -> (i32, i32) {
    %c0_i32 = arith.constant 0 : i32
    %c0_i32_0 = arith.constant 0 : i32
    return %arg0, %c0_i32 : i32, i32
  }
}

module attributes {stable_mosaic.version = 14 : i64} {
  func.func @_layer0_body(%arg0: i32, %arg1: memref<256x64xf32, #tpu.memory_space<vmem>>, %arg2: memref<256x64xf32, #tpu.memory_space<vmem>>, %arg3: memref<256x128xf32, #tpu.memory_space<vmem>>, %arg4: memref<256x128xi8, #tpu.memory_space<vmem>>, %arg5: memref<4x128x256xf32, #tpu.memory_space<vmem>>, %arg6: memref<8x256xf32, #tpu.memory_space<vmem>>, %arg7: memref<256x128xf32, #tpu.memory_space<vmem>>, %arg8: memref<256x128xf32, #tpu.memory_space<vmem>>) attributes {dimension_semantics = [#tpu.dimension_semantics<arbitrary>], iteration_bounds = array<i64: 40>, scalar_prefetch = 0 : i64, scratch_operands = 0 : i64, tpu.core_type = #tpu.core_type<tc>, window_params = [{transform_indices = @transform_0, window_bounds = array<i64: 256, 64>}, {transform_indices = @transform_1, window_bounds = array<i64: 256, 64>}, {transform_indices = @transform_2, window_bounds = array<i64: 256, 128>}, {transform_indices = @transform_3, window_bounds = array<i64: 256, 128>}, {pipeline_mode = #tpu.pipeline_mode<synchronous>, transform_indices = @transform_4, window_bounds = array<i64: 4, 128, 256>}, {pipeline_mode = #tpu.pipeline_mode<synchronous>, transform_indices = @transform_5, window_bounds = array<i64: 8, 256>}, {transform_indices = @transform_6, window_bounds = array<i64: 256, 128>}, {transform_indices = @transform_7, window_bounds = array<i64: 256, 128>}]} {
    %get3A = arith.constant 0 : index
    %get3A_0 = arith.constant 0 : index
    %get3A_1 = vector.load %arg3[%get3A, %get3A_0] : memref<256x128xf32, #tpu.memory_space<vmem>>, vector<256x1xf32>
    %get3A_2 = arith.constant 0 : index
    %get3A_3 = arith.constant 0 : index
    %get3A_4 = vector.load %arg1[%get3A_2, %get3A_3] : memref<256x64xf32, #tpu.memory_space<vmem>>, vector<256x64xf32>
    %mul3A = vector.broadcast %get3A_1 : vector<256x1xf32> to vector<256x64xf32>
    %mul3A_5 = arith.mulf %get3A_4, %mul3A : vector<256x64xf32>
    %get3A_6 = arith.constant 0 : index
    %get3A_7 = arith.constant 0 : index
    %get3A_8 = vector.load %arg2[%get3A_6, %get3A_7] : memref<256x64xf32, #tpu.memory_space<vmem>>, vector<256x64xf32>
    %mul3A_9 = vector.broadcast %get3A_1 : vector<256x1xf32> to vector<256x64xf32>
    %mul3A_10 = arith.mulf %get3A_8, %mul3A_9 : vector<256x64xf32>
    %get3A_11 = arith.constant 0 : index
    %get3A_12 = arith.constant 0 : index
    %get3A_13 = vector.load %arg4[%get3A_11, %get3A_12] : memref<256x128xi8, #tpu.memory_space<vmem>>, vector<256x1xi8>
    %broadcast_in_dim3A = arith.constant 0.000000e+00 : f32
    %broadcast_in_dim3A_14 = vector.broadcast %broadcast_in_dim3A : f32 to vector<256x256xf32>
    %get3A_15 = arith.constant 0 : index
    %get3A_16 = arith.constant 0 : index
    %get3A_17 = arith.constant 0 : index
    %get3A_18 = vector.load %arg5[%get3A_15, %get3A_16, %get3A_17] : memref<4x128x256xf32, #tpu.memory_space<vmem>>, vector<1x64x256xf32>
    %get3A_19 = vector.shape_cast %get3A_18 : vector<1x64x256xf32> to vector<64x256xf32>
    %dot_general3A = arith.constant dense<0.000000e+00> : vector<256x256xf32>
    %dot_general3A_20 = tpu.matmul %mul3A_5, %get3A_19, %dot_general3A {dimension_numbers = #tpu.dot_dimension_numbers<[1], [0], [0], [1], [0, 0, 1, 1], [], []>, transpose_lhs_hint = false} : vector<256x64xf32>, vector<64x256xf32>, vector<256x256xf32> -> vector<256x256xf32>
    %get3A_21 = arith.constant 0 : index
    %get3A_22 = arith.constant 64 : index
    %get3A_23 = arith.constant 0 : index
    %get3A_24 = vector.load %arg5[%get3A_21, %get3A_22, %get3A_23] : memref<4x128x256xf32, #tpu.memory_space<vmem>>, vector<1x64x256xf32>
    %get3A_25 = vector.shape_cast %get3A_24 : vector<1x64x256xf32> to vector<64x256xf32>
    %dot_general3A_26 = arith.constant dense<0.000000e+00> : vector<256x256xf32>
    %dot_general3A_27 = tpu.matmul %mul3A_10, %get3A_25, %dot_general3A_26 {dimension_numbers = #tpu.dot_dimension_numbers<[1], [0], [0], [1], [0, 0, 1, 1], [], []>, transpose_lhs_hint = false} : vector<256x64xf32>, vector<64x256xf32>, vector<256x256xf32> -> vector<256x256xf32>
    %add3A = arith.addf %dot_general3A_20, %dot_general3A_27 : vector<256x256xf32>
    %get3A_28 = arith.constant 0 : index
    %get3A_29 = arith.constant 0 : index
    %get3A_30 = vector.load %arg6[%get3A_28, %get3A_29] : memref<8x256xf32, #tpu.memory_space<vmem>>, vector<1x256xf32>
    %get3A_31 = vector.shape_cast %get3A_30 : vector<1x256xf32> to vector<256xf32>
    %broadcast_in_dim3A_32 = vector.shape_cast %get3A_31 : vector<256xf32> to vector<1x256xf32>
    %add3A_33 = vector.broadcast %broadcast_in_dim3A_32 : vector<1x256xf32> to vector<256x256xf32>
    %add3A_34 = arith.addf %add3A, %add3A_33 : vector<256x256xf32>
    %eq3A = arith.constant 0 : i8
    %eq3A_35 = vector.broadcast %eq3A : i8 to vector<256x1xi8>
    %eq3A_36 = arith.cmpi eq, %get3A_13, %eq3A_35 : vector<256x1xi8>
    %broadcast_in_dim3A_37 = vector.shape_cast %eq3A_36 : vector<256x1xi1> to vector<256x1xi1>
    %broadcast_in_dim3A_38 = vector.broadcast %broadcast_in_dim3A_37 : vector<256x1xi1> to vector<256x256xi1>
    %select_n3A = arith.select %broadcast_in_dim3A_38, %add3A_34, %broadcast_in_dim3A_14 : vector<256x256xi1>, vector<256x256xf32>
    %get3A_39 = arith.constant 1 : index
    %get3A_40 = arith.constant 0 : index
    %get3A_41 = arith.constant 0 : index
    %get3A_42 = vector.load %arg5[%get3A_39, %get3A_40, %get3A_41] : memref<4x128x256xf32, #tpu.memory_space<vmem>>, vector<1x64x256xf32>
    %get3A_43 = vector.shape_cast %get3A_42 : vector<1x64x256xf32> to vector<64x256xf32>
    %dot_general3A_44 = arith.constant dense<0.000000e+00> : vector<256x256xf32>
    %dot_general3A_45 = tpu.matmul %mul3A_5, %get3A_43, %dot_general3A_44 {dimension_numbers = #tpu.dot_dimension_numbers<[1], [0], [0], [1], [0, 0, 1, 1], [], []>, transpose_lhs_hint = false} : vector<256x64xf32>, vector<64x256xf32>, vector<256x256xf32> -> vector<256x256xf32>
    %get3A_46 = arith.constant 1 : index
    %get3A_47 = arith.constant 64 : index
    %get3A_48 = arith.constant 0 : index
    %get3A_49 = vector.load %arg5[%get3A_46, %get3A_47, %get3A_48] : memref<4x128x256xf32, #tpu.memory_space<vmem>>, vector<1x64x256xf32>
    %get3A_50 = vector.shape_cast %get3A_49 : vector<1x64x256xf32> to vector<64x256xf32>
    %dot_general3A_51 = arith.constant dense<0.000000e+00> : vector<256x256xf32>
    %dot_general3A_52 = tpu.matmul %mul3A_10, %get3A_50, %dot_general3A_51 {dimension_numbers = #tpu.dot_dimension_numbers<[1], [0], [0], [1], [0, 0, 1, 1], [], []>, transpose_lhs_hint = false} : vector<256x64xf32>, vector<64x256xf32>, vector<256x256xf32> -> vector<256x256xf32>
    %add3A_53 = arith.addf %dot_general3A_45, %dot_general3A_52 : vector<256x256xf32>
    %get3A_54 = arith.constant 1 : index
    %get3A_55 = arith.constant 0 : index
    %get3A_56 = vector.load %arg6[%get3A_54, %get3A_55] : memref<8x256xf32, #tpu.memory_space<vmem>>, vector<1x256xf32>
    %get3A_57 = vector.shape_cast %get3A_56 : vector<1x256xf32> to vector<256xf32>
    %broadcast_in_dim3A_58 = vector.shape_cast %get3A_57 : vector<256xf32> to vector<1x256xf32>
    %add3A_59 = vector.broadcast %broadcast_in_dim3A_58 : vector<1x256xf32> to vector<256x256xf32>
    %add3A_60 = arith.addf %add3A_53, %add3A_59 : vector<256x256xf32>
    %eq3A_61 = arith.constant 1 : i8
    %eq3A_62 = vector.broadcast %eq3A_61 : i8 to vector<256x1xi8>
    %eq3A_63 = arith.cmpi eq, %get3A_13, %eq3A_62 : vector<256x1xi8>
    %broadcast_in_dim3A_64 = vector.shape_cast %eq3A_63 : vector<256x1xi1> to vector<256x1xi1>
    %broadcast_in_dim3A_65 = vector.broadcast %broadcast_in_dim3A_64 : vector<256x1xi1> to vector<256x256xi1>
    %select_n3A_66 = arith.select %broadcast_in_dim3A_65, %add3A_60, %select_n3A : vector<256x256xi1>, vector<256x256xf32>
    %get3A_67 = arith.constant 2 : index
    %get3A_68 = arith.constant 0 : index
    %get3A_69 = arith.constant 0 : index
    %get3A_70 = vector.load %arg5[%get3A_67, %get3A_68, %get3A_69] : memref<4x128x256xf32, #tpu.memory_space<vmem>>, vector<1x64x256xf32>
    %get3A_71 = vector.shape_cast %get3A_70 : vector<1x64x256xf32> to vector<64x256xf32>
    %dot_general3A_72 = arith.constant dense<0.000000e+00> : vector<256x256xf32>
    %dot_general3A_73 = tpu.matmul %mul3A_5, %get3A_71, %dot_general3A_72 {dimension_numbers = #tpu.dot_dimension_numbers<[1], [0], [0], [1], [0, 0, 1, 1], [], []>, transpose_lhs_hint = false} : vector<256x64xf32>, vector<64x256xf32>, vector<256x256xf32> -> vector<256x256xf32>
    %get3A_74 = arith.constant 2 : index
    %get3A_75 = arith.constant 64 : index
    %get3A_76 = arith.constant 0 : index
    %get3A_77 = vector.load %arg5[%get3A_74, %get3A_75, %get3A_76] : memref<4x128x256xf32, #tpu.memory_space<vmem>>, vector<1x64x256xf32>
    %get3A_78 = vector.shape_cast %get3A_77 : vector<1x64x256xf32> to vector<64x256xf32>
    %dot_general3A_79 = arith.constant dense<0.000000e+00> : vector<256x256xf32>
    %dot_general3A_80 = tpu.matmul %mul3A_10, %get3A_78, %dot_general3A_79 {dimension_numbers = #tpu.dot_dimension_numbers<[1], [0], [0], [1], [0, 0, 1, 1], [], []>, transpose_lhs_hint = false} : vector<256x64xf32>, vector<64x256xf32>, vector<256x256xf32> -> vector<256x256xf32>
    %add3A_81 = arith.addf %dot_general3A_73, %dot_general3A_80 : vector<256x256xf32>
    %get3A_82 = arith.constant 2 : index
    %get3A_83 = arith.constant 0 : index
    %get3A_84 = vector.load %arg6[%get3A_82, %get3A_83] : memref<8x256xf32, #tpu.memory_space<vmem>>, vector<1x256xf32>
    %get3A_85 = vector.shape_cast %get3A_84 : vector<1x256xf32> to vector<256xf32>
    %broadcast_in_dim3A_86 = vector.shape_cast %get3A_85 : vector<256xf32> to vector<1x256xf32>
    %add3A_87 = vector.broadcast %broadcast_in_dim3A_86 : vector<1x256xf32> to vector<256x256xf32>
    %add3A_88 = arith.addf %add3A_81, %add3A_87 : vector<256x256xf32>
    %eq3A_89 = arith.constant 2 : i8
    %eq3A_90 = vector.broadcast %eq3A_89 : i8 to vector<256x1xi8>
    %eq3A_91 = arith.cmpi eq, %get3A_13, %eq3A_90 : vector<256x1xi8>
    %broadcast_in_dim3A_92 = vector.shape_cast %eq3A_91 : vector<256x1xi1> to vector<256x1xi1>
    %broadcast_in_dim3A_93 = vector.broadcast %broadcast_in_dim3A_92 : vector<256x1xi1> to vector<256x256xi1>
    %select_n3A_94 = arith.select %broadcast_in_dim3A_93, %add3A_88, %select_n3A_66 : vector<256x256xi1>, vector<256x256xf32>
    %get3A_95 = arith.constant 3 : index
    %get3A_96 = arith.constant 0 : index
    %get3A_97 = arith.constant 0 : index
    %get3A_98 = vector.load %arg5[%get3A_95, %get3A_96, %get3A_97] : memref<4x128x256xf32, #tpu.memory_space<vmem>>, vector<1x64x256xf32>
    %get3A_99 = vector.shape_cast %get3A_98 : vector<1x64x256xf32> to vector<64x256xf32>
    %dot_general3A_100 = arith.constant dense<0.000000e+00> : vector<256x256xf32>
    %dot_general3A_101 = tpu.matmul %mul3A_5, %get3A_99, %dot_general3A_100 {dimension_numbers = #tpu.dot_dimension_numbers<[1], [0], [0], [1], [0, 0, 1, 1], [], []>, transpose_lhs_hint = false} : vector<256x64xf32>, vector<64x256xf32>, vector<256x256xf32> -> vector<256x256xf32>
    %get3A_102 = arith.constant 3 : index
    %get3A_103 = arith.constant 64 : index
    %get3A_104 = arith.constant 0 : index
    %get3A_105 = vector.load %arg5[%get3A_102, %get3A_103, %get3A_104] : memref<4x128x256xf32, #tpu.memory_space<vmem>>, vector<1x64x256xf32>
    %get3A_106 = vector.shape_cast %get3A_105 : vector<1x64x256xf32> to vector<64x256xf32>
    %dot_general3A_107 = arith.constant dense<0.000000e+00> : vector<256x256xf32>
    %dot_general3A_108 = tpu.matmul %mul3A_10, %get3A_106, %dot_general3A_107 {dimension_numbers = #tpu.dot_dimension_numbers<[1], [0], [0], [1], [0, 0, 1, 1], [], []>, transpose_lhs_hint = false} : vector<256x64xf32>, vector<64x256xf32>, vector<256x256xf32> -> vector<256x256xf32>
    %add3A_109 = arith.addf %dot_general3A_101, %dot_general3A_108 : vector<256x256xf32>
    %get3A_110 = arith.constant 3 : index
    %get3A_111 = arith.constant 0 : index
    %get3A_112 = vector.load %arg6[%get3A_110, %get3A_111] : memref<8x256xf32, #tpu.memory_space<vmem>>, vector<1x256xf32>
    %get3A_113 = vector.shape_cast %get3A_112 : vector<1x256xf32> to vector<256xf32>
    %broadcast_in_dim3A_114 = vector.shape_cast %get3A_113 : vector<256xf32> to vector<1x256xf32>
    %add3A_115 = vector.broadcast %broadcast_in_dim3A_114 : vector<1x256xf32> to vector<256x256xf32>
    %add3A_116 = arith.addf %add3A_109, %add3A_115 : vector<256x256xf32>
    %eq3A_117 = arith.constant 3 : i8
    %eq3A_118 = vector.broadcast %eq3A_117 : i8 to vector<256x1xi8>
    %eq3A_119 = arith.cmpi eq, %get3A_13, %eq3A_118 : vector<256x1xi8>
    %broadcast_in_dim3A_120 = vector.shape_cast %eq3A_119 : vector<256x1xi1> to vector<256x1xi1>
    %broadcast_in_dim3A_121 = vector.broadcast %broadcast_in_dim3A_120 : vector<256x1xi1> to vector<256x256xi1>
    %select_n3A_122 = arith.select %broadcast_in_dim3A_121, %add3A_116, %select_n3A_94 : vector<256x256xi1>, vector<256x256xf32>
    %slice3A = vector.extract_strided_slice %select_n3A_122 {offsets = [0, 0], sizes = [256, 128], strides = [1, 1]} : vector<256x256xf32> to vector<256x128xf32>
    %mul3A_123 = vector.broadcast %get3A_1 : vector<256x1xf32> to vector<256x128xf32>
    %mul3A_124 = arith.mulf %slice3A, %mul3A_123 : vector<256x128xf32>
    %swap3A = arith.constant 0 : index
    %swap3A_125 = arith.constant 0 : index
    %swap3A_126 = vector.load %arg7[%swap3A, %swap3A_125] : memref<256x128xf32, #tpu.memory_space<vmem>>, vector<256x128xf32>
    tpu.vector_store %arg7[%swap3A, %swap3A_125], %mul3A_124 {strides = array<i32>} : memref<256x128xf32, #tpu.memory_space<vmem>>, vector<256x128xf32>,
    %slice3A_127 = vector.extract_strided_slice %select_n3A_122 {offsets = [0, 128], sizes = [256, 128], strides = [1, 1]} : vector<256x256xf32> to vector<256x128xf32>
    %mul3A_128 = vector.broadcast %get3A_1 : vector<256x1xf32> to vector<256x128xf32>
    %mul3A_129 = arith.mulf %slice3A_127, %mul3A_128 : vector<256x128xf32>
    %swap3A_130 = arith.constant 0 : index
    %swap3A_131 = arith.constant 0 : index
    %swap3A_132 = vector.load %arg8[%swap3A_130, %swap3A_131] : memref<256x128xf32, #tpu.memory_space<vmem>>, vector<256x128xf32>
    tpu.vector_store %arg8[%swap3A_130, %swap3A_131], %mul3A_129 {strides = array<i32>} : memref<256x128xf32, #tpu.memory_space<vmem>>, vector<256x128xf32>,
    return
  }
  func.func @transform_0(%arg0: i32) -> (i32, i32) {
    %c0_i32 = arith.constant 0 : i32
    %c0_i32_0 = arith.constant 0 : i32
    return %arg0, %c0_i32 : i32, i32
  }
  func.func @transform_1(%arg0: i32) -> (i32, i32) {
    %add3A = arith.constant 40 : i32
    %add3A_0 = arith.addi %arg0, %add3A : i32
    %c0_i32 = arith.constant 0 : i32
    %c0_i32_1 = arith.constant 0 : i32
    return %add3A_0, %c0_i32 : i32, i32
  }
  func.func @transform_2(%arg0: i32) -> (i32, i32) {
    %c0_i32 = arith.constant 0 : i32
    %c0_i32_0 = arith.constant 0 : i32
    return %arg0, %c0_i32 : i32, i32
  }
  func.func @transform_3(%arg0: i32) -> (i32, i32) {
    %c0_i32 = arith.constant 0 : i32
    %c0_i32_0 = arith.constant 0 : i32
    return %arg0, %c0_i32 : i32, i32
  }
  func.func @transform_4(%arg0: i32) -> (i32, i32, i32) {
    %c0_i32 = arith.constant 0 : i32
    %c0_i32_0 = arith.constant 0 : i32
    %c0_i32_1 = arith.constant 0 : i32
    %c0_i32_2 = arith.constant 0 : i32
    return %c0_i32, %c0_i32_0, %c0_i32_1 : i32, i32, i32
  }
  func.func @transform_5(%arg0: i32) -> (i32, i32) {
    %c0_i32 = arith.constant 0 : i32
    %c0_i32_0 = arith.constant 0 : i32
    %c0_i32_1 = arith.constant 0 : i32
    return %c0_i32, %c0_i32_0 : i32, i32
  }
  func.func @transform_6(%arg0: i32) -> (i32, i32) {
    %c0_i32 = arith.constant 0 : i32
    %c0_i32_0 = arith.constant 0 : i32
    return %arg0, %c0_i32 : i32, i32
  }
  func.func @transform_7(%arg0: i32) -> (i32, i32) {
    %c0_i32 = arith.constant 0 : i32
    %c0_i32_0 = arith.constant 0 : i32
    return %arg0, %c0_i32 : i32, i32
  }
}

module attributes {stable_mosaic.version = 14 : i64} {
  func.func @_layer1_body(%arg0: i32, %arg1: memref<256x128xf32, #tpu.memory_space<vmem>>, %arg2: memref<256x128xf32, #tpu.memory_space<vmem>>, %arg3: memref<256x128xf32, #tpu.memory_space<vmem>>, %arg4: memref<256x128xi8, #tpu.memory_space<vmem>>, %arg5: memref<1x1x256xi32, #tpu.memory_space<vmem>>, %arg6: memref<4x256x256xf32, #tpu.memory_space<vmem>>, %arg7: memref<8x256xf32, #tpu.memory_space<vmem>>, %arg8: memref<256x256xf32, #tpu.memory_space<vmem>>, %arg9: memref<8x256xf32, #tpu.memory_space<vmem>>, %arg10: memref<256x128xf32, #tpu.memory_space<vmem>>, %arg11: memref<64x128xf32, #tpu.memory_space<vmem>>, %arg12: memref<64x256xf32, #tpu.memory_space<vmem>>) attributes {dimension_semantics = [#tpu.dimension_semantics<arbitrary>], iteration_bounds = array<i64: 40>, scalar_prefetch = 0 : i64, scratch_operands = 1 : i64, tpu.core_type = #tpu.core_type<tc>, window_params = [{transform_indices = @transform_0, window_bounds = array<i64: 256, 128>}, {transform_indices = @transform_1, window_bounds = array<i64: 256, 128>}, {transform_indices = @transform_2, window_bounds = array<i64: 256, 128>}, {transform_indices = @transform_3, window_bounds = array<i64: 256, 128>}, {transform_indices = @transform_4, window_bounds = array<i64: 1, 1, 256>}, {pipeline_mode = #tpu.pipeline_mode<synchronous>, transform_indices = @transform_5, window_bounds = array<i64: 4, 256, 256>}, {pipeline_mode = #tpu.pipeline_mode<synchronous>, transform_indices = @transform_6, window_bounds = array<i64: 8, 256>}, {pipeline_mode = #tpu.pipeline_mode<synchronous>, transform_indices = @transform_7, window_bounds = array<i64: 256, 256>}, {pipeline_mode = #tpu.pipeline_mode<synchronous>, transform_indices = @transform_8, window_bounds = array<i64: 8, 256>}, {pipeline_mode = #tpu.pipeline_mode<synchronous>, transform_indices = @transform_9, window_bounds = array<i64: 256, 128>}, {pipeline_mode = #tpu.pipeline_mode<synchronous>, transform_indices = @transform_10, window_bounds = array<i64: 64, 128>}]} {
    %get3A = arith.constant 0 : index
    %get3A_0 = arith.constant 0 : index
    %get3A_1 = vector.load %arg3[%get3A, %get3A_0] : memref<256x128xf32, #tpu.memory_space<vmem>>, vector<256x1xf32>
    %get3A_2 = arith.constant 0 : index
    %get3A_3 = arith.constant 0 : index
    %get3A_4 = vector.load %arg1[%get3A_2, %get3A_3] : memref<256x128xf32, #tpu.memory_space<vmem>>, vector<256x128xf32>
    %mul3A = vector.broadcast %get3A_1 : vector<256x1xf32> to vector<256x128xf32>
    %mul3A_5 = arith.mulf %get3A_4, %mul3A : vector<256x128xf32>
    %get3A_6 = arith.constant 0 : index
    %get3A_7 = arith.constant 0 : index
    %get3A_8 = vector.load %arg2[%get3A_6, %get3A_7] : memref<256x128xf32, #tpu.memory_space<vmem>>, vector<256x128xf32>
    %mul3A_9 = vector.broadcast %get3A_1 : vector<256x1xf32> to vector<256x128xf32>
    %mul3A_10 = arith.mulf %get3A_8, %mul3A_9 : vector<256x128xf32>
    %concatenate3A = tpu.concatenate %mul3A_5, %mul3A_10 in 1 : vector<256x128xf32>, vector<256x128xf32> -> vector<256x256xf32>
    %get3A_11 = arith.constant 0 : index
    %get3A_12 = arith.constant 0 : index
    %get3A_13 = vector.load %arg4[%get3A_11, %get3A_12] : memref<256x128xi8, #tpu.memory_space<vmem>>, vector<256x1xi8>
    %broadcast_in_dim3A = arith.constant 0.000000e+00 : f32
    %broadcast_in_dim3A_14 = vector.broadcast %broadcast_in_dim3A : f32 to vector<256x256xf32>
    %get3A_15 = arith.constant 0 : index
    %get3A_16 = arith.constant 0 : index
    %get3A_17 = arith.constant 0 : index
    %get3A_18 = vector.load %arg6[%get3A_15, %get3A_16, %get3A_17] : memref<4x256x256xf32, #tpu.memory_space<vmem>>, vector<1x256x256xf32>
    %get3A_19 = vector.shape_cast %get3A_18 : vector<1x256x256xf32> to vector<256x256xf32>
    %dot_general3A = arith.constant dense<0.000000e+00> : vector<256x256xf32>
    %dot_general3A_20 = tpu.matmul %concatenate3A, %get3A_19, %dot_general3A {dimension_numbers = #tpu.dot_dimension_numbers<[1], [0], [0], [1], [0, 0, 1, 1], [], []>, transpose_lhs_hint = false} : vector<256x256xf32>, vector<256x256xf32>, vector<256x256xf32> -> vector<256x256xf32>
    %get3A_21 = arith.constant 0 : index
    %get3A_22 = arith.constant 0 : index
    %get3A_23 = vector.load %arg7[%get3A_21, %get3A_22] : memref<8x256xf32, #tpu.memory_space<vmem>>, vector<1x256xf32>
    %get3A_24 = vector.shape_cast %get3A_23 : vector<1x256xf32> to vector<256xf32>
    %broadcast_in_dim3A_25 = vector.shape_cast %get3A_24 : vector<256xf32> to vector<1x256xf32>
    %add3A = vector.broadcast %broadcast_in_dim3A_25 : vector<1x256xf32> to vector<256x256xf32>
    %add3A_26 = arith.addf %dot_general3A_20, %add3A : vector<256x256xf32>
    %eq3A = arith.constant 0 : i8
    %eq3A_27 = vector.broadcast %eq3A : i8 to vector<256x1xi8>
    %eq3A_28 = arith.cmpi eq, %get3A_13, %eq3A_27 : vector<256x1xi8>
    %broadcast_in_dim3A_29 = vector.shape_cast %eq3A_28 : vector<256x1xi1> to vector<256x1xi1>
    %broadcast_in_dim3A_30 = vector.broadcast %broadcast_in_dim3A_29 : vector<256x1xi1> to vector<256x256xi1>
    %select_n3A = arith.select %broadcast_in_dim3A_30, %add3A_26, %broadcast_in_dim3A_14 : vector<256x256xi1>, vector<256x256xf32>
    %get3A_31 = arith.constant 1 : index
    %get3A_32 = arith.constant 0 : index
    %get3A_33 = arith.constant 0 : index
    %get3A_34 = vector.load %arg6[%get3A_31, %get3A_32, %get3A_33] : memref<4x256x256xf32, #tpu.memory_space<vmem>>, vector<1x256x256xf32>
    %get3A_35 = vector.shape_cast %get3A_34 : vector<1x256x256xf32> to vector<256x256xf32>
    %dot_general3A_36 = arith.constant dense<0.000000e+00> : vector<256x256xf32>
    %dot_general3A_37 = tpu.matmul %concatenate3A, %get3A_35, %dot_general3A_36 {dimension_numbers = #tpu.dot_dimension_numbers<[1], [0], [0], [1], [0, 0, 1, 1], [], []>, transpose_lhs_hint = false} : vector<256x256xf32>, vector<256x256xf32>, vector<256x256xf32> -> vector<256x256xf32>
    %get3A_38 = arith.constant 1 : index
    %get3A_39 = arith.constant 0 : index
    %get3A_40 = vector.load %arg7[%get3A_38, %get3A_39] : memref<8x256xf32, #tpu.memory_space<vmem>>, vector<1x256xf32>
    %get3A_41 = vector.shape_cast %get3A_40 : vector<1x256xf32> to vector<256xf32>
    %broadcast_in_dim3A_42 = vector.shape_cast %get3A_41 : vector<256xf32> to vector<1x256xf32>
    %add3A_43 = vector.broadcast %broadcast_in_dim3A_42 : vector<1x256xf32> to vector<256x256xf32>
    %add3A_44 = arith.addf %dot_general3A_37, %add3A_43 : vector<256x256xf32>
    %eq3A_45 = arith.constant 1 : i8
    %eq3A_46 = vector.broadcast %eq3A_45 : i8 to vector<256x1xi8>
    %eq3A_47 = arith.cmpi eq, %get3A_13, %eq3A_46 : vector<256x1xi8>
    %broadcast_in_dim3A_48 = vector.shape_cast %eq3A_47 : vector<256x1xi1> to vector<256x1xi1>
    %broadcast_in_dim3A_49 = vector.broadcast %broadcast_in_dim3A_48 : vector<256x1xi1> to vector<256x256xi1>
    %select_n3A_50 = arith.select %broadcast_in_dim3A_49, %add3A_44, %select_n3A : vector<256x256xi1>, vector<256x256xf32>
    %get3A_51 = arith.constant 2 : index
    %get3A_52 = arith.constant 0 : index
    %get3A_53 = arith.constant 0 : index
    %get3A_54 = vector.load %arg6[%get3A_51, %get3A_52, %get3A_53] : memref<4x256x256xf32, #tpu.memory_space<vmem>>, vector<1x256x256xf32>
    %get3A_55 = vector.shape_cast %get3A_54 : vector<1x256x256xf32> to vector<256x256xf32>
    %dot_general3A_56 = arith.constant dense<0.000000e+00> : vector<256x256xf32>
    %dot_general3A_57 = tpu.matmul %concatenate3A, %get3A_55, %dot_general3A_56 {dimension_numbers = #tpu.dot_dimension_numbers<[1], [0], [0], [1], [0, 0, 1, 1], [], []>, transpose_lhs_hint = false} : vector<256x256xf32>, vector<256x256xf32>, vector<256x256xf32> -> vector<256x256xf32>
    %get3A_58 = arith.constant 2 : index
    %get3A_59 = arith.constant 0 : index
    %get3A_60 = vector.load %arg7[%get3A_58, %get3A_59] : memref<8x256xf32, #tpu.memory_space<vmem>>, vector<1x256xf32>
    %get3A_61 = vector.shape_cast %get3A_60 : vector<1x256xf32> to vector<256xf32>
    %broadcast_in_dim3A_62 = vector.shape_cast %get3A_61 : vector<256xf32> to vector<1x256xf32>
    %add3A_63 = vector.broadcast %broadcast_in_dim3A_62 : vector<1x256xf32> to vector<256x256xf32>
    %add3A_64 = arith.addf %dot_general3A_57, %add3A_63 : vector<256x256xf32>
    %eq3A_65 = arith.constant 2 : i8
    %eq3A_66 = vector.broadcast %eq3A_65 : i8 to vector<256x1xi8>
    %eq3A_67 = arith.cmpi eq, %get3A_13, %eq3A_66 : vector<256x1xi8>
    %broadcast_in_dim3A_68 = vector.shape_cast %eq3A_67 : vector<256x1xi1> to vector<256x1xi1>
    %broadcast_in_dim3A_69 = vector.broadcast %broadcast_in_dim3A_68 : vector<256x1xi1> to vector<256x256xi1>
    %select_n3A_70 = arith.select %broadcast_in_dim3A_69, %add3A_64, %select_n3A_50 : vector<256x256xi1>, vector<256x256xf32>
    %get3A_71 = arith.constant 3 : index
    %get3A_72 = arith.constant 0 : index
    %get3A_73 = arith.constant 0 : index
    %get3A_74 = vector.load %arg6[%get3A_71, %get3A_72, %get3A_73] : memref<4x256x256xf32, #tpu.memory_space<vmem>>, vector<1x256x256xf32>
    %get3A_75 = vector.shape_cast %get3A_74 : vector<1x256x256xf32> to vector<256x256xf32>
    %dot_general3A_76 = arith.constant dense<0.000000e+00> : vector<256x256xf32>
    %dot_general3A_77 = tpu.matmul %concatenate3A, %get3A_75, %dot_general3A_76 {dimension_numbers = #tpu.dot_dimension_numbers<[1], [0], [0], [1], [0, 0, 1, 1], [], []>, transpose_lhs_hint = false} : vector<256x256xf32>, vector<256x256xf32>, vector<256x256xf32> -> vector<256x256xf32>
    %get3A_78 = arith.constant 3 : index
    %get3A_79 = arith.constant 0 : index
    %get3A_80 = vector.load %arg7[%get3A_78, %get3A_79] : memref<8x256xf32, #tpu.memory_space<vmem>>, vector<1x256xf32>
    %get3A_81 = vector.shape_cast %get3A_80 : vector<1x256xf32> to vector<256xf32>
    %broadcast_in_dim3A_82 = vector.shape_cast %get3A_81 : vector<256xf32> to vector<1x256xf32>
    %add3A_83 = vector.broadcast %broadcast_in_dim3A_82 : vector<1x256xf32> to vector<256x256xf32>
    %add3A_84 = arith.addf %dot_general3A_77, %add3A_83 : vector<256x256xf32>
    %eq3A_85 = arith.constant 3 : i8
    %eq3A_86 = vector.broadcast %eq3A_85 : i8 to vector<256x1xi8>
    %eq3A_87 = arith.cmpi eq, %get3A_13, %eq3A_86 : vector<256x1xi8>
    %broadcast_in_dim3A_88 = vector.shape_cast %eq3A_87 : vector<256x1xi1> to vector<256x1xi1>
    %broadcast_in_dim3A_89 = vector.broadcast %broadcast_in_dim3A_88 : vector<256x1xi1> to vector<256x256xi1>
    %select_n3A_90 = arith.select %broadcast_in_dim3A_89, %add3A_84, %select_n3A_70 : vector<256x256xi1>, vector<256x256xf32>
    %get3A_91 = arith.constant 0 : index
    %get3A_92 = arith.constant 0 : index
    %get3A_93 = arith.constant 0 : index
    %get3A_94 = vector.load %arg5[%get3A_91, %get3A_92, %get3A_93] : memref<1x1x256xi32, #tpu.memory_space<vmem>>, vector<1x1x256xi32>
    %reshape3A = vector.shape_cast %get3A_94 : vector<1x1x256xi32> to vector<1x256xi32>
    %iota3A = tpu.iota {dimensions = array<i32: 0>} : vector<64x256xi32>
    %eq3A_95 = vector.broadcast %reshape3A : vector<1x256xi32> to vector<64x256xi32>
    %eq3A_96 = arith.cmpi eq, %iota3A, %eq3A_95 : vector<64x256xi32>
    %convert_element_type3A = arith.extui %eq3A_96 : vector<64x256xi1> to vector<64x256xi32>
    %convert_element_type3A_97 = arith.sitofp %convert_element_type3A : vector<64x256xi32> to vector<64x256xf32>
    %dot_general3A_98 = arith.constant dense<0.000000e+00> : vector<64x256xf32>
    %dot_general3A_99 = tpu.matmul %convert_element_type3A_97, %select_n3A_90, %dot_general3A_98 {dimension_numbers = #tpu.dot_dimension_numbers<[1], [0], [0], [1], [0, 0, 1, 1], [], []>, transpose_lhs_hint = false} : vector<64x256xf32>, vector<256x256xf32>, vector<64x256xf32> -> vector<64x256xf32>
    %eq3A_100 = arith.constant 0 : i32
    %eq3A_101 = arith.cmpi eq, %arg0, %eq3A_100 : i32
    %convert_element_type3A_102 = arith.extui %eq3A_101 : i1 to i32
    %cond3A = arith.constant 0 : i32
    %cond3A_103 = arith.cmpi ne, %convert_element_type3A_102, %cond3A : i32
    scf.if %cond3A_103 {
      %swap3A = arith.constant 0 : index
      %swap3A_113 = arith.constant 0 : index
      %swap3A_114 = vector.load %arg12[%swap3A, %swap3A_113] : memref<64x256xf32, #tpu.memory_space<vmem>>, vector<64x256xf32>
      tpu.vector_store %arg12[%swap3A, %swap3A_113], %dot_general3A_99 {strides = array<i32>} : memref<64x256xf32, #tpu.memory_space<vmem>>, vector<64x256xf32>,
    } else {
    }
    %gt3A = arith.constant 0 : i32
    %gt3A_104 = arith.cmpi sgt, %arg0, %gt3A : i32
    %convert_element_type3A_105 = arith.extui %gt3A_104 : i1 to i32
    %cond3A_106 = arith.constant 0 : i32
    %cond3A_107 = arith.cmpi ne, %convert_element_type3A_105, %cond3A_106 : i32
    scf.if %cond3A_107 {
      %get3A_113 = arith.constant 0 : index
      %get3A_114 = arith.constant 0 : index
      %get3A_115 = vector.load %arg12[%get3A_113, %get3A_114] : memref<64x256xf32, #tpu.memory_space<vmem>>, vector<64x256xf32>
      %add3A_116 = arith.addf %get3A_115, %dot_general3A_99 : vector<64x256xf32>
      %swap3A = arith.constant 0 : index
      %swap3A_117 = arith.constant 0 : index
      %swap3A_118 = vector.load %arg12[%swap3A, %swap3A_117] : memref<64x256xf32, #tpu.memory_space<vmem>>, vector<64x256xf32>
      tpu.vector_store %arg12[%swap3A, %swap3A_117], %add3A_116 {strides = array<i32>} : memref<64x256xf32, #tpu.memory_space<vmem>>, vector<64x256xf32>,
    } else {
    }
    %eq3A_108 = arith.constant 39 : i32
    %eq3A_109 = arith.cmpi eq, %arg0, %eq3A_108 : i32
    %convert_element_type3A_110 = arith.extui %eq3A_109 : i1 to i32
    %cond3A_111 = arith.constant 0 : i32
    %cond3A_112 = arith.cmpi ne, %convert_element_type3A_110, %cond3A_111 : i32
    scf.if %cond3A_112 {
      %get3A_113 = arith.constant 0 : index
      %get3A_114 = arith.constant 0 : index
      %get3A_115 = vector.load %arg12[%get3A_113, %get3A_114] : memref<64x256xf32, #tpu.memory_space<vmem>>, vector<64x256xf32>
      %get3A_116 = arith.constant 0 : index
      %get3A_117 = arith.constant 0 : index
      %get3A_118 = vector.load %arg8[%get3A_116, %get3A_117] : memref<256x256xf32, #tpu.memory_space<vmem>>, vector<256x256xf32>
      %dot_general3A_119 = arith.constant dense<0.000000e+00> : vector<64x256xf32>
      %dot_general3A_120 = tpu.matmul %get3A_115, %get3A_118, %dot_general3A_119 {dimension_numbers = #tpu.dot_dimension_numbers<[1], [0], [0], [1], [0, 0, 1, 1], [], []>, transpose_lhs_hint = false} : vector<64x256xf32>, vector<256x256xf32>, vector<64x256xf32> -> vector<64x256xf32>
      %get3A_121 = arith.constant 0 : index
      %get3A_122 = arith.constant 0 : index
      %get3A_123 = vector.load %arg9[%get3A_121, %get3A_122] : memref<8x256xf32, #tpu.memory_space<vmem>>, vector<1x256xf32>
      %get3A_124 = vector.shape_cast %get3A_123 : vector<1x256xf32> to vector<256xf32>
      %broadcast_in_dim3A_125 = vector.shape_cast %get3A_124 : vector<256xf32> to vector<1x256xf32>
      %add3A_126 = vector.broadcast %broadcast_in_dim3A_125 : vector<1x256xf32> to vector<64x256xf32>
      %add3A_127 = arith.addf %dot_general3A_120, %add3A_126 : vector<64x256xf32>
      %reduce_sum3A = arith.constant dense<0.000000e+00> : vector<256xf32>
      %reduce_sum3A_128 = vector.multi_reduction <add>, %add3A_127, %reduce_sum3A [0] : vector<64x256xf32> to vector<256xf32>
      %broadcast_in_dim3A_129 = vector.shape_cast %reduce_sum3A_128 : vector<256xf32> to vector<1x256xf32>
      %div3A = arith.constant 6.400000e+01 : f32
      %div3A_130 = vector.broadcast %div3A : f32 to vector<1x256xf32>
      %div3A_131 = arith.divf %broadcast_in_dim3A_129, %div3A_130 : vector<1x256xf32>
      %sub3A = vector.broadcast %div3A_131 : vector<1x256xf32> to vector<64x256xf32>
      %sub3A_132 = arith.subf %add3A_127, %sub3A : vector<64x256xf32>
      %sub3A_133 = vector.broadcast %div3A_131 : vector<1x256xf32> to vector<64x256xf32>
      %sub3A_134 = arith.subf %add3A_127, %sub3A_133 : vector<64x256xf32>
      %mul3A_135 = arith.mulf %sub3A_132, %sub3A_134 : vector<64x256xf32>
      %reduce_sum3A_136 = arith.constant dense<0.000000e+00> : vector<256xf32>
      %reduce_sum3A_137 = vector.multi_reduction <add>, %mul3A_135, %reduce_sum3A_136 [0] : vector<64x256xf32> to vector<256xf32>
      %broadcast_in_dim3A_138 = vector.shape_cast %reduce_sum3A_137 : vector<256xf32> to vector<1x256xf32>
      %div3A_139 = arith.constant 6.400000e+01 : f32
      %div3A_140 = vector.broadcast %div3A_139 : f32 to vector<1x256xf32>
      %div3A_141 = arith.divf %broadcast_in_dim3A_138, %div3A_140 : vector<1x256xf32>
      %sub3A_142 = vector.broadcast %div3A_131 : vector<1x256xf32> to vector<64x256xf32>
      %sub3A_143 = arith.subf %add3A_127, %sub3A_142 : vector<64x256xf32>
      %add3A_144 = arith.constant 9.99999974E-6 : f32
      %add3A_145 = vector.broadcast %add3A_144 : f32 to vector<1x256xf32>
      %add3A_146 = arith.addf %div3A_141, %add3A_145 : vector<1x256xf32>
      %rsqrt3A = math.rsqrt %add3A_146 : vector<1x256xf32>
      %mul3A_147 = vector.broadcast %rsqrt3A : vector<1x256xf32> to vector<64x256xf32>
      %mul3A_148 = arith.mulf %sub3A_143, %mul3A_147 : vector<64x256xf32>
      %get3A_149 = arith.constant 1 : index
      %get3A_150 = arith.constant 0 : index
      %get3A_151 = vector.load %arg9[%get3A_149, %get3A_150] : memref<8x256xf32, #tpu.memory_space<vmem>>, vector<1x256xf32>
      %get3A_152 = vector.shape_cast %get3A_151 : vector<1x256xf32> to vector<256xf32>
      %broadcast_in_dim3A_153 = vector.shape_cast %get3A_152 : vector<256xf32> to vector<1x256xf32>
      %mul3A_154 = vector.broadcast %broadcast_in_dim3A_153 : vector<1x256xf32> to vector<64x256xf32>
      %mul3A_155 = arith.mulf %mul3A_148, %mul3A_154 : vector<64x256xf32>
      %get3A_156 = arith.constant 2 : index
      %get3A_157 = arith.constant 0 : index
      %get3A_158 = vector.load %arg9[%get3A_156, %get3A_157] : memref<8x256xf32, #tpu.memory_space<vmem>>, vector<1x256xf32>
      %get3A_159 = vector.shape_cast %get3A_158 : vector<1x256xf32> to vector<256xf32>
      %broadcast_in_dim3A_160 = vector.shape_cast %get3A_159 : vector<256xf32> to vector<1x256xf32>
      %add3A_161 = vector.broadcast %broadcast_in_dim3A_160 : vector<1x256xf32> to vector<64x256xf32>
      %add3A_162 = arith.addf %mul3A_155, %add3A_161 : vector<64x256xf32>
      %max3A = arith.constant 0.000000e+00 : f32
      %max3A_163 = vector.broadcast %max3A : f32 to vector<64x256xf32>
      %max3A_164 = arith.maximumf %add3A_162, %max3A_163 : vector<64x256xf32>
      %get3A_165 = arith.constant 0 : index
      %get3A_166 = arith.constant 0 : index
      %get3A_167 = vector.load %arg10[%get3A_165, %get3A_166] : memref<256x128xf32, #tpu.memory_space<vmem>>, vector<256x128xf32>
      %dot_general3A_168 = arith.constant dense<0.000000e+00> : vector<64x128xf32>
      %dot_general3A_169 = tpu.matmul %max3A_164, %get3A_167, %dot_general3A_168 {dimension_numbers = #tpu.dot_dimension_numbers<[1], [0], [0], [1], [0, 0, 1, 1], [], []>, transpose_lhs_hint = false} : vector<64x256xf32>, vector<256x128xf32>, vector<64x128xf32> -> vector<64x128xf32>
      %get3A_170 = arith.constant 3 : index
      %get3A_171 = arith.constant 0 : index
      %get3A_172 = vector.load %arg9[%get3A_170, %get3A_171] : memref<8x256xf32, #tpu.memory_space<vmem>>, vector<1x128xf32>
      %get3A_173 = vector.shape_cast %get3A_172 : vector<1x128xf32> to vector<128xf32>
      %broadcast_in_dim3A_174 = vector.shape_cast %get3A_173 : vector<128xf32> to vector<1x128xf32>
      %add3A_175 = vector.broadcast %broadcast_in_dim3A_174 : vector<1x128xf32> to vector<64x128xf32>
      %add3A_176 = arith.addf %dot_general3A_169, %add3A_175 : vector<64x128xf32>
      %swap3A = arith.constant 0 : index
      %swap3A_177 = arith.constant 0 : index
      %swap3A_178 = vector.load %arg11[%swap3A, %swap3A_177] : memref<64x128xf32, #tpu.memory_space<vmem>>, vector<64x128xf32>
      tpu.vector_store %arg11[%swap3A, %swap3A_177], %add3A_176 {strides = array<i32>} : memref<64x128xf32, #tpu.memory_space<vmem>>, vector<64x128xf32>,
    } else {
    }
    return
  }
  func.func @transform_0(%arg0: i32) -> (i32, i32) {
    %c0_i32 = arith.constant 0 : i32
    %c0_i32_0 = arith.constant 0 : i32
    return %arg0, %c0_i32 : i32, i32
  }
  func.func @transform_1(%arg0: i32) -> (i32, i32) {
    %add3A = arith.constant 40 : i32
    %add3A_0 = arith.addi %arg0, %add3A : i32
    %c0_i32 = arith.constant 0 : i32
    %c0_i32_1 = arith.constant 0 : i32
    return %add3A_0, %c0_i32 : i32, i32
  }
  func.func @transform_2(%arg0: i32) -> (i32, i32) {
    %c0_i32 = arith.constant 0 : i32
    %c0_i32_0 = arith.constant 0 : i32
    return %arg0, %c0_i32 : i32, i32
  }
  func.func @transform_3(%arg0: i32) -> (i32, i32) {
    %c0_i32 = arith.constant 0 : i32
    %c0_i32_0 = arith.constant 0 : i32
    return %arg0, %c0_i32 : i32, i32
  }
  func.func @transform_4(%arg0: i32) -> (i32, i32, i32) {
    %c0_i32 = arith.constant 0 : i32
    %c0_i32_0 = arith.constant 0 : i32
    %c0_i32_1 = arith.constant 0 : i32
    return %arg0, %c0_i32, %c0_i32_0 : i32, i32, i32
  }
  func.func @transform_5(%arg0: i32) -> (i32, i32, i32) {
    %c0_i32 = arith.constant 0 : i32
    %c0_i32_0 = arith.constant 0 : i32
    %c0_i32_1 = arith.constant 0 : i32
    %c0_i32_2 = arith.constant 0 : i32
    return %c0_i32, %c0_i32_0, %c0_i32_1 : i32, i32, i32
  }
  func.func @transform_6(%arg0: i32) -> (i32, i32) {
    %c0_i32 = arith.constant 0 : i32
    %c0_i32_0 = arith.constant 0 : i32
    %c0_i32_1 = arith.constant 0 : i32
    return %c0_i32, %c0_i32_0 : i32, i32
  }
  func.func @transform_7(%arg0: i32) -> (i32, i32) {
    %c0_i32 = arith.constant 0 : i32
    %c0_i32_0 = arith.constant 0 : i32
    %c0_i32_1 = arith.constant 0 : i32
    return %c0_i32, %c0_i32_0 : i32, i32
  }
  func.func @transform_8(%arg0: i32) -> (i32, i32) {
    %c0_i32 = arith.constant 0 : i32
    %c0_i32_0 = arith.constant 0 : i32
    %c0_i32_1 = arith.constant 0 : i32
    return %c0_i32, %c0_i32_0 : i32, i32
  }
  func.func @transform_9(%arg0: i32) -> (i32, i32) {
    %c0_i32 = arith.constant 0 : i32
    %c0_i32_0 = arith.constant 0 : i32
    %c0_i32_1 = arith.constant 0 : i32
    return %c0_i32, %c0_i32_0 : i32, i32
  }
  func.func @transform_10(%arg0: i32) -> (i32, i32) {
    %c0_i32 = arith.constant 0 : i32
    %c0_i32_0 = arith.constant 0 : i32
    %c0_i32_1 = arith.constant 0 : i32
    return %c0_i32, %c0_i32_0 : i32, i32
  }
}

</mosaic_0001>

<sc_bundles>
// kernel: kernel.11.cloned.1.call-start
scs
__scs_entry_jumppad:
0x0: {  	(pc) =	sbr.rel $0x88, $3  }
0x1: {  	(tag) =	ssettag $0x0;
	lr =	simm.s32 $0x1  }
0x2: {  	[smem:$0x3F93] =	sst lr;
	_ =	strace $0xD0000000  }
0x3: {  	_ = 	snop  }
0x4: {  	_ = 	snop  }
0x5: {  	_ = 	snop  }
0x6: {  	_ = 	snop  }
0x7: {  	_ = 	snop  }
__scs_overlays_trampoline_lowered:
0x8: {  	[smem:$0x3FA2] =	sst s0  }
0x9: {  	[smem:$0x3FA3] =	sst s1  }
0xa: {  	[smem:$0x3FA4] =	sst s2  }
0xb: {  	[smem:$0x3FA5] =	sst s3  }
0xc: {  	[smem:$0x3FA6] =	sst s4  }
0xd: {  	[smem:$0x3FA7] =	sst s5  }
0xe: {  	[smem:$0x3FA8] =	sst s6  }
0xf: {  	[smem:$0x3FA9] =	sst s7  }
0x10: {  	[smem:$0x3FAA] =	sst s8  }
0x11: {  	[smem:$0x3FAB] =	sst s9;
	s0 =	simm.s32 @!p0 $0x0  }
0x12: {  	s1 =	sld [smem:$0x3F91];
	s0 =	simm.s32 @p0 $0x1  }
0x13: {  	[smem:$0x3FAC] =	sst s0;
	s0 =	simm.s32 @!p1 $0x0  }
0x14: {  	s2 =	sld [smem:$0x3F90];
	s0 =	simm.s32 @p1 $0x1  }
0x15: {  	[smem:$0x3FAD] =	sst s0;
	s0 =	simm.s32 @!p2 $0x0  }
0x16: {  	s3 =	sld [smem:$0x3FDB];
	s0 =	simm.s32 @p2 $0x1  }
0x17: {  	s4 =	simm.s32 $0x1BF5;
	[smem:$0x3FAF] =	sst s0  }
0x18: {  	s0 =	sld [smem:$0x3F92];
	_ =	swait.ge [sflag:s4], $0x0  }
0x19: {  	s7 =	sld [smem:$0x3F93]  }
0x1a: {  	s8 =	sadd.s32 $0xFFFFE003, lr  }
0x1b: {  	s9 =	sadd.s32 $0xFFFFFEF7, lr;
	s5 =	simm.s32 $0xFFFFFFFF;
	p2 =	slt.u32 s8, $0xFFFFF086  }
0x1c: {  	p1 =	slt.u32 s9, $0xF7A;
	s5 =	simm.s32 @!p2 $0x0  }
0x1d: {  	s5 =	simm.s32 @p1 $0x1;
	p0 =	seq.s32 s7, s2  }
0x1e: {  	s7 =	smul.u32 @!p0 $0xF7A, s2;
	p2 =	seq.s32 @!p0 s5, $0x0  }
0x1f: {  	s9 =	smul.u32 $0xF7A, s1;
	s8 =	simm.s32 @!p0 $0x1BF5;
	p2 =	por !p2, p0  }
0x20: {  	[sflag:s8] =	ssyncset.s32 @!p0 $0xFFFFF086;
	s6 =	sadd.s32 @!p0 s3, s7;
	s7 =	simm.s32 @!p0 $0x108  }
0x21: {  	s3 =	sadd.s32 s3, s9;
	s6 =	sadd.s32 @!p0 $0x88, s6;
	s7 =	simm.s32 @p2 $0x1082  }
0x22: {  	[simem:s7], [sflag:s8] =	dma.local @!p0 [hbm:s6], $0xF7A  }
0x23: {  	s9 =	sor.u32 $0xD0000000, s2;
	s6 =	simm.s32 $0x108;
	_ =	swait.ge @!p0 [sflag:s8], $0x0  }
0x24: {  	s3 =	sadd.s32 $0x88, s3;
	s6 =	simm.s32 @!p1 $0x1082;
	[sflag:s4] =	ssyncset.s32 $0xFFFFF086  }
0x25: {  	[simem:s6], [sflag:s4] =	dma.local [hbm:s3], $0xF7A  }
0x26: {  	[smem:$0x3F93] =	sst s1;
	(tag) =	ssettag s2;
	_ =	strace s9  }
0x27: {  	s1 =	sld [smem:$0x3FA3]  }
0x28: {  	s2 =	sld [smem:$0x3FA4]  }
0x29: {  	s4 =	sld [smem:$0x3FA6]  }
0x2a: {  	p0 =	seq.s32 s5, $0x0;
	s5 =	sld [smem:$0x3FA7]  }
0x2b: {  	s6 =	sld [smem:$0x3FA8]  }
0x2c: {  	s7 =	sld [smem:$0x3FA9]  }
0x2d: {  	s3 =	simm.s32 $0x108;
	s8 =	sld [smem:$0x3FAA]  }
0x2e: {  	s3 =	simm.s32 @!p0 $0x1082;
	s9 =	sld [smem:$0x3FAB]  }
0x2f: {  	lr =	sadd.s32 s0, s3;
	s0 =	sld [smem:$0x3FA2]  }
0x30: {  	s3 =	sld [smem:$0x3FA5]  }
0x31: {  	[smem:$0x3FAE] =	sst s10  }
0x32: {  	s10 =	sld [smem:$0x3FAC];
	_ =	sdelay $0x3  }
0x33: {  	p0 =	seq.s32 s10, $0x1;
	s10 =	sld [smem:$0x3FAE];
	_ =	sdelay $0x3  }
0x34: {  	[smem:$0x3FAE] =	sst s10  }
0x35: {  	s10 =	sld [smem:$0x3FAD];
	_ =	sdelay $0x3  }
0x36: {  	p1 =	seq.s32 s10, $0x1;
	s10 =	sld [smem:$0x3FAE];
	_ =	sdelay $0x3  }
0x37: {  	[smem:$0x3FAE] =	sst s10  }
0x38: {  	s10 =	sld [smem:$0x3FAF]  }
0x39: {  	_ = 	snop;
	(pc) =	sbr.ind lr, $3  }
0x3a: {  	_ = 	snop  }
0x3b: {  	_ = 	snop  }
0x3c: {  	p2 =	seq.s32 s10, $0x1;
	s10 =	sld [smem:$0x3FAE]  }
0x3d: {  	_ =	shalt  }
0x3e: {  	_ =	shalt  }
0x3f: {  	_ =	shalt  }
0x40: {  	_ =	shalt  }
0x41: {  	_ =	shalt  }
0x42: {  	_ =	shalt  }
0x43: {  	_ =	shalt  }
0x44: {  	_ =	shalt  }
0x45: {  	_ =	shalt  }
0x46: {  	_ =	shalt  }
0x47: {  	_ =	shalt  }
0x48: {  	_ =	shalt  }
0x49: {  	_ =	shalt  }
0x4a: {  	_ =	shalt  }
0x4b: {  	_ =	shalt  }
0x4c: {  	_ =	shalt  }
0x4d: {  	_ =	shalt  }
0x4e: {  	_ =	shalt  }
0x4f: {  	_ =	shalt  }
0x50: {  	_ =	shalt  }
0x51: {  	_ =	shalt  }
0x52: {  	_ =	shalt  }
0x53: {  	_ =	shalt  }
0x54: {  	_ =	shalt  }
0x55: {  	_ =	shalt  }
0x56: {  	_ =	shalt  }
0x57: {  	_ =	shalt  }
0x58: {  	_ =	shalt  }
0x59: {  	_ =	shalt  }
0x5a: {  	_ =	shalt  }
0x5b: {  	_ =	shalt  }
0x5c: {  	_ =	shalt  }
0x5d: {  	_ =	shalt  }
0x5e: {  	_ =	shalt  }
0x5f: {  	_ =	shalt  }
0x60: {  	_ =	shalt  }
0x61: {  	_ =	shalt  }
0x62: {  	_ =	shalt  }
0x63: {  	_ =	shalt  }
0x64: {  	_ =	shalt  }
0x65: {  	_ =	shalt  }
0x66: {  	_ =	shalt  }
0x67: {  	_ =	shalt  }
0x68: {  	_ =	shalt  }
0x69: {  	_ =	shalt  }
0x6a: {  	_ =	shalt  }
0x6b: {  	_ =	shalt  }
0x6c: {  	_ =	shalt  }
0x6d: {  	_ =	shalt  }
0x6e: {  	_ =	shalt  }
0x6f: {  	_ =	shalt  }
0x70: {  	_ =	shalt  }
0x71: {  	_ =	shalt  }
0x72: {  	_ =	shalt  }
0x73: {  	_ =	shalt  }
0x74: {  	_ =	shalt  }
0x75: {  	_ =	shalt  }
0x76: {  	_ =	shalt  }
0x77: {  	_ =	shalt  }
0x78: {  	_ =	shalt  }
0x79: {  	_ =	shalt  }
0x7a: {  	_ =	shalt  }
0x7b: {  	_ =	shalt  }
0x7c: {  	_ =	shalt  }
0x7d: {  	_ =	shalt  }
0x7e: {  	_ =	shalt  }
0x7f: {  	_ =	shalt  }
0x80: {  	_ =	shalt  }
0x81: {  	_ =	shalt  }
0x82: {  	_ =	shalt  }
0x83: {  	_ =	shalt  }
0x84: {  	_ =	shalt  }
0x85: {  	_ =	shalt  }
0x86: {  	_ =	shalt  }
0x87: {  	_ =	shalt  }
.Lfunc_end0:
.L_simem_size_0:
called_computation.1_lowered:
.L_overlay_start_0:
0x88: {  	s2 =	sld [smem:$0x3FD9]  }
0x89: {  	s3 =	sld [smem:$0x3FFE];
	_ =	sdelay $0x1  }
0x8a: {  	s1 =	srdreg.scid  }
0x8b: {  	s0 =	sand.u32 $0x1, s1  }
0x8c: {  	s16 =	sshll.u32 s0, $0xA;
	s2 =	sadd.s32 s3, s2  }
0x8d: {  	s2 =	sadd.s32 s2, s16  }
0x8e: {  	[smem:$0x3FBA] =	sst s2  }
0x8f: {  	_ = 	snop  }
0x90: {  	(tm) =	ssettm $0x1  }
0x91: {  	s17 =	sld [smem:$0x3FFB];
	_ =	sdelay $0x3  }
0x92: {  	_ =	strace s17  }
0x93: {  	s2 =	sld [smem:$0x3FFC];
	_ =	sdelay $0x3  }
0x94: {  	_ =	strace s2  }
0x95: {  	s2 =	sld [smem:$0x3FFD];
	_ =	sdelay $0x3  }
0x96: {  	_ =	strace s2  }
0x97: {  	_ =	strace $0x8FFFFFFF  }
0x98: {  	s18 =	sld [smem:$0x3FDB];
	_ =	sdelay $0x1  }
0x99: {  	s19 =	simm.s32 $_scs_section_size  }
0x9a: {  	s4 =	simm.s32 $_size__tile_overlayer_lowered;
	s5 =	simm.s32 $_tile_overlayer_lowered  }
0x9b: {  	s22 =	simm.s32 $0x1BFF;
	s21 =	sshll.u32 s5, $0x1;
	s2 =	sadd.s32 s19, s18  }
0x9c: {  	s6 =	simm.s32 $0x0;
	s20 =	sshll.u32 s4, $0x1;
	s4 =	sadd.s32 s21, s2  }
0x9d: {  	[timem:s6], [sflag:s22] =	dma.local [hbm:s4], s20  }
0x9e: {  	_ =	swait.ge [sflag:s22], s20  }
0x9f: {  	s3 =	ssub.s32 $0x0, s20;
	[sflag:s22] =	ssyncset.done $0x0  }
0xa0: {  	[sflag:s22] =	ssyncadd.s32 s3;
	_ =	sdelay $0x1  }
0xa1: {  	s23 =	simm.s32 $0x1B8B  }
0xa2: {  	_ =	swait.ge [sflag:s23], $0x1  }
0xa3: {  	[sflag:s23] =	ssyncset.done $0x0  }
0xa4: {  	s25 =	simm.s32 $0x1B8E;
	s24 =	sld [smem:$0x3FFE];
	[sflag:s23] =	ssyncadd.s32 $0xFFFFFFFF  }
0xa5: {  	s26 =	simm.s32 $execute0_lowered;
	[smem:$0x3FD2] =	sst s25  }
0xa6: {  	s4 =	sshll.u32 s26, $0x1;
	_ =	strace $0x80000049;
	[dreg:$0x1] =	wrdreg $0xFFFFFFFF  }
0xa7: {  	s28 =	simm.s32 $_size_execute0_lowered;
	s2 =	sadd.s32 s2, s4;
	[dreg:$0x0] =	wrdreg $0x0  }
0xa8: {  	s4 =	sshll.u32 s28, $0x1;
	[dreg:$0x2] =	wrdreg s2  }
0xa9: {  	[dreg:$0x3] =	wrdreg s4  }
0xaa: {  	[dreg:$0x4] =	wrdreg $0xC0  }
0xab: {  	_ =	task [dreg:s6], $0x5FFFF  }
0xac: {  	[dreg:$0x1] =	wrdreg $0xFFFFFFFF  }
0xad: {  	[dreg:$0x0] =	wrdreg $0x60  }
0xae: {  	[dreg:$0x2] =	wrdreg s24  }
0xaf: {  	[dreg:$0x3] =	wrdreg $0x0  }
0xb0: {  	[dreg:$0x4] =	wrdreg $0x9  }
0xb1: {  	_ =	task.clear_ibuf [dreg:s6], $0x5FFFF;
	_ =	strace $0x90000049  }
0xb2: {  	s29 =	simm.s32 $0x9;
	_ =	strace $0x8000004B  }
0xb3: {  	_ =	swait.ge [sflag:s29], $0x1  }
0xb4: {  	[sflag:s29] =	ssyncadd.s32 $0xFFFFFFFF  }
0xb5: {  	_ =	strace $0x9000004B  }
0xb6: {  	_ =	sfence  }
0xb7: {  	s30 =	sld [smem:$0x0];
	_ =	sdelay $0x2  }
0xb8: {  	s31 =	sshll.u32 s1, $0xD;
	s1 =	sshrl.u32 s1, $0x2  }
0xb9: {  	s3 =	sand.u32 $0x4000, s31;
	s1 =	sadd.s32 s1, s30  }
0xba: {  	s0 =	sor.u32 s3, s0;
	s1 =	sshll.u32 s1, $0x11  }
0xbb: {  	s0 =	sor.u32 s1, s0  }
0xbc: {  	s0 =	sadd.s32 $0x8F2B, s0  }
0xbd: {  	[sflag:s0] =	ssyncadd.remote.s32 $0x1  }
0xbe: {  	_ =	sfence.sel $0xFFFF  }
0xbf: {  	[dreg:$0x0] =	wrdreg $0xFFFFFFFF;
	(pc) =	sbr.abs _section_cstart, $3  }
0xc0: {  	[dreg:$0x1] =	wrdreg $0xFFFFFFFF  }
0xc1: {  	_ =	task.clear_ibuf [dreg:s6], $0x2FFFF;
	_ =	strace $0x9FFFFFFF  }
0xc2: {  	(tm) =	ssettm $0x7FFFFFFF  }
0xc3: {  	_ =	shalt  }
tec
execute0_lowered:
.L_overlay_start_1:
0x0: {  	(tag) =	ssettag $0x1  }
0x1: {  	s0 =	rddreg [dreg:$0x0]  }
0x2: {  	s1 =	rddreg [dreg:$0x1];
	s3 =	simm.s32 $0x0;
	s14 =	stileid.u32  }
0x3: {  	s5 =	srdreg.scid;
	s17 =	simm.s32 $0x5;
	s18 =	simm.s32 $0xA000  }
0x4: {  	s19 =	simm.s32 $0x80;
	s20 =	simm.s32 $0xA200;
	s21 =	simm.s32 $0xA100  }
0x5: {  	s22 =	simm.s32 $0x4;
	s23 =	simm.s32 $0xC200;
	s24 =	simm.s32 $0x1  }
0x6: {  	s28 =	simm.s32 $0x2;
	s29 =	simm.s32 $0xA180;
	s6 =	smul.u32 $0x1400, s14  }
0x7: {  	s30 =	simm.s32 $0x0;
	[smem:$0x7FF] =	sst s3;
	s9 =	smul.u32 $0x9D00, s14  }
0x8: {  	s2 =	sadd.s32 $0x17200, s0;
	s4 =	sadd.s32 $0x2AC00, s0;
	s10 =	smul.u32 $0xA000, s14  }
0x9: {  	s7 =	sand.u32 $0x1, s5;
	s5 =	sadd.s32 $0x2E00, s0;
	s13 =	smul.u32 $0x13A0, s14  }
0xa: {  	s14 =	sshll.u32 s14, $0x6;
	_ =	strace $0x8000004A;
	s8 =	ssub.s32 $0x2, s7  }
0xb: {  	p0 =	seq.s32 s7, $0x1;
	s15 =	sor.u32 $0x1C05, s14;
	s0 =	sadd.s32 s6, s0  }
0xc: {  	s25 =	sshrl.u32 s8, $0x1;
	s26 =	sshrl.u32 s9, $0x3;
	s16 =	sadd.s32 s10, s1  }
.Ltmp0:
0xd: {  	s10 =	sshrl.u32 s10, $0x3;
	s13 =	sadd.s32 s13, s2;
	(pc) =	sbr.rel .LBB2_1-.Ltmp0, $4  }
0xe: {  	s12 =	ssub.s32 s8, s25;
	s6 =	sadd.s32 s2, s26;
	s31 =	sadd.s32 s4, s10  }
0xf: {  	s9 =	sadd.s32 $0x3EC00, s0;
	s10 =	sadd.s32 s5, s10;
	s11 =	sadd.s32 $0x52C00, s0  }
0x10: {  	s16 =	sshrl.u32 s16, $0x3;
	s25 =	simm.s32 $0xA080;
	s26 =	simm.s32 $0x3  }
0x11: {  	[dreg:$0x3] =	wrdreg s31;
	s8 =	sadd.s32 $0x20, s6;
	s12 =	smax.u32 s12, $0x1  }
.LBB2_8:
0x12: {  	s0 =	smov.u32 s11;
	s31 =	smov.u32 s15  }
.LBB2_9:
0x13: {  	_ =	swait.ge [sflag:s24], $0x2000  }
0x14: {  	[sflag:s24] =	ssyncset.done $0x0  }
0x15: {  	[sflag:s24] =	ssyncadd.s32 $0xFFFFE000  }
0x16: {  	[spmem:s1] =	stream.indirect.scatter.add.f32 [tilespmem:s20], [sflag:$0x5], $0x40, s25, s19, $0xb8;
	[tilespmem:$0xE200] =	vst v63  }
0x17: {  	_ =	swait.ge [sflag:s17], $0x2000  }
0x18: {  	s30 =	sadd.s32 $0x1, s30;
	[sflag:s17] =	ssyncset.done $0x0  }
0x19: {  	p1 =	sne.s32 s30, s12;
	[sflag:s17] =	ssyncadd.s32 $0xFFFFE000  }
.Ltmp1:
0x1a: {  	[bflag:$0x0] =	sbarrier.arrive $0xFFFF;
	(pc) =	sbr.rel @!p1 .LBB2_10-.Ltmp1, $4  }
0x1b: {  	[hbm:s0], [sflag:s31] =	dma.local [spmem:s16], $0x1400  }
0x1c: {  	_ =	swait.ge [sflag:s17], $0x1400  }
0x1d: {  	[sflag:s17] =	ssyncset.done $0x0  }
0x1e: {  	[sflag:s17] =	ssyncadd.s32 $0xFFFFEC00  }
.LBB2_1:
.Ltmp2:
0x1f: {  	(pc) =	sbr.rel @!p0 .LBB2_2-.Ltmp2, $1  }
0x20: {  	_ =	sdelay $0x3  }
0x21: {  	[spmem:s16], [sflag:s15] =	dma.local [hbm:s10], $0x1400  }
0x22: {  	_ =	swait.ge [sflag:s17], $0x1400  }
0x23: {  	[sflag:s17] =	ssyncset.done $0x0  }
0x24: {  	[sflag:s17] =	ssyncadd.s32 $0xFFFFEC00  }
0x25: {  	[bflag:$0x0] =	sbarrier.arrive $0xFFFF  }
0x26: {  	[tilespmem:s18], [sflag:$0x5] =	stream.linear.gather [hbm4b:s6+s3], $0x100, $0x38;
	[tilespmem:$0xE200] =	vst v63  }
0x27: {  	_ =	swait.ge [sflag:s17], $0x100  }
0x28: {  	[sflag:s17] =	ssyncset.done $0x0  }
0x29: {  	[sflag:s17] =	ssyncadd.s32 $0xFFFFFF00  }
0x2a: {  	[tilespmem:s20], [sflag:$0x1] =	stream.indirect.gather [hbm4b:s5+s19], $0x40, s18, s19, $0xb8;
	[tilespmem:$0xE200] =	vst v63  }
0x2b: {  	s0 =	simm.s32 $0xFFFFECC0  }
0x2c: {  	[tilespmem:s21], [sflag:$0x4] =	stream.linear.gather [hbm4b:s8+s3], $0x100, $0x38;
	[tilespmem:$0xE200] =	vst v63  }
.LBB2_7:
0x2d: {  	_ =	swait.ge [sflag:s22], $0x100  }
0x2e: {  	[sflag:s22] =	ssyncset.done $0x0  }
0x2f: {  	[sflag:s22] =	ssyncadd.s32 $0xFFFFFF00  }
0x30: {  	[tilespmem:s23], [sflag:$0x2] =	stream.indirect.gather [hbm4b:s5+s19], $0x40, s21, s19, $0xb8;
	[tilespmem:$0xE200] =	vst v63  }
0x31: {  	_ =	swait.ge [sflag:s24], $0x2000  }
0x32: {  	[sflag:s24] =	ssyncset.done $0x0  }
0x33: {  	[sflag:s24] =	ssyncadd.s32 $0xFFFFE000  }
0x34: {  	[spmem:s1] =	stream.indirect.scatter.add.f32 [tilespmem:s20], [sflag:$0x5], $0x40, s25, s19, $0xb8;
	[tilespmem:$0xE200] =	vst v63  }
0x35: {  	_ =	swait.ge [sflag:s17], $0x2000  }
0x36: {  	s2 =	sadd.s32 s0, s13;
	[sflag:s17] =	ssyncset.done $0x0  }
0x37: {  	s7 =	sadd.s32 $0x1380, s2;
	[sflag:s17] =	ssyncadd.s32 $0xFFFFE000  }
0x38: {  	[tilespmem:s18], [sflag:$0x3] =	stream.linear.gather [hbm4b:s7+s3], $0x100, $0x38;
	[tilespmem:$0xE200] =	vst v63  }
0x39: {  	_ =	swait.ge [sflag:s26], $0x100  }
0x3a: {  	[sflag:s26] =	ssyncset.done $0x0  }
0x3b: {  	[sflag:s26] =	ssyncadd.s32 $0xFFFFFF00  }
0x3c: {  	[tilespmem:s20], [sflag:$0x1] =	stream.indirect.gather [hbm4b:s5+s19], $0x40, s18, s19, $0xb8;
	[tilespmem:$0xE200] =	vst v63  }
0x3d: {  	_ =	swait.ge [sflag:s28], $0x2000  }
0x3e: {  	p1 =	seq.s32 s0, $0x0;
	[sflag:s28] =	ssyncset.done $0x0  }
.Ltmp3:
0x3f: {  	[sflag:s28] =	ssyncadd.s32 $0xFFFFE000;
	(pc) =	sbr.rel @p1 .LBB2_8-.Ltmp3, $4  }
0x40: {  	[spmem:s1] =	stream.indirect.scatter.add.f32 [tilespmem:s23], [sflag:$0x5], $0x40, s29, s19, $0xb8;
	[tilespmem:$0xE200] =	vst v63  }
0x41: {  	_ =	swait.ge [sflag:s17], $0x2000  }
0x42: {  	[sflag:s17] =	ssyncset.done $0x0  }
0x43: {  	[sflag:s17] =	ssyncadd.s32 $0xFFFFE000  }
.Ltmp4:
0x44: {  	(pc) =	sbr.rel .LBB2_7-.Ltmp4, $3  }
0x45: {  	_ =	sdelay $0x1  }
0x46: {  	s2 =	sadd.s32 $0x13A0, s2;
	s0 =	sadd.s32 $0x40, s0  }
0x47: {  	[tilespmem:s21], [sflag:$0x4] =	stream.linear.gather [hbm4b:s2+s3], $0x100, $0x38;
	[tilespmem:$0xE200] =	vst v63  }
.LBB2_2:
0x48: {  	s31 =	sor.u32 $0x1C05, s14;
	s0 =	rddreg [dreg:$0x3]  }
0x49: {  	[spmem:s16], [sflag:s31] =	dma.local [hbm:s0], $0x1400  }
0x4a: {  	_ =	swait.ge [sflag:s17], $0x1400  }
0x4b: {  	[sflag:s17] =	ssyncset.done $0x0  }
0x4c: {  	[sflag:s17] =	ssyncadd.s32 $0xFFFFEC00  }
0x4d: {  	[bflag:$0x0] =	sbarrier.arrive $0xFFFF  }
0x4e: {  	[tilespmem:s18], [sflag:$0x5] =	stream.linear.gather [hbm4b:s6+s3], $0x100, $0x38;
	[tilespmem:$0xE200] =	vst v63  }
0x4f: {  	_ =	swait.ge [sflag:s17], $0x100  }
0x50: {  	[sflag:s17] =	ssyncset.done $0x0  }
0x51: {  	[sflag:s17] =	ssyncadd.s32 $0xFFFFFF00  }
0x52: {  	[tilespmem:s20], [sflag:$0x1] =	stream.indirect.gather [hbm4b:s4+s19], $0x40, s18, s19, $0xb8;
	[tilespmem:$0xE200] =	vst v63  }
0x53: {  	s0 =	simm.s32 $0xFFFFECC0  }
0x54: {  	[tilespmem:s21], [sflag:$0x4] =	stream.linear.gather [hbm4b:s8+s3], $0x100, $0x38;
	[tilespmem:$0xE200] =	vst v63  }
.LBB2_3:
0x55: {  	_ =	swait.ge [sflag:s22], $0x100  }
0x56: {  	[sflag:s22] =	ssyncset.done $0x0  }
0x57: {  	[sflag:s22] =	ssyncadd.s32 $0xFFFFFF00  }
0x58: {  	[tilespmem:s23], [sflag:$0x2] =	stream.indirect.gather [hbm4b:s4+s19], $0x40, s21, s19, $0xb8;
	[tilespmem:$0xE200] =	vst v63  }
0x59: {  	_ =	swait.ge [sflag:s24], $0x2000  }
0x5a: {  	[sflag:s24] =	ssyncset.done $0x0  }
0x5b: {  	[sflag:s24] =	ssyncadd.s32 $0xFFFFE000  }
0x5c: {  	[spmem:s1] =	stream.indirect.scatter.add.f32 [tilespmem:s20], [sflag:$0x5], $0x40, s25, s19, $0xb8;
	[tilespmem:$0xE200] =	vst v63  }
0x5d: {  	_ =	swait.ge [sflag:s17], $0x2000  }
0x5e: {  	s2 =	sadd.s32 s0, s13;
	[sflag:s17] =	ssyncset.done $0x0  }
0x5f: {  	s7 =	sadd.s32 $0x1380, s2;
	[sflag:s17] =	ssyncadd.s32 $0xFFFFE000  }
0x60: {  	[tilespmem:s18], [sflag:$0x3] =	stream.linear.gather [hbm4b:s7+s3], $0x100, $0x38;
	[tilespmem:$0xE200] =	vst v63  }
0x61: {  	_ =	swait.ge [sflag:s26], $0x100  }
0x62: {  	[sflag:s26] =	ssyncset.done $0x0  }
0x63: {  	[sflag:s26] =	ssyncadd.s32 $0xFFFFFF00  }
0x64: {  	[tilespmem:s20], [sflag:$0x1] =	stream.indirect.gather [hbm4b:s4+s19], $0x40, s18, s19, $0xb8;
	[tilespmem:$0xE200] =	vst v63  }
0x65: {  	_ =	swait.ge [sflag:s28], $0x2000  }
0x66: {  	p1 =	seq.s32 s0, $0x0;
	[sflag:s28] =	ssyncset.done $0x0  }
.Ltmp5:
0x67: {  	[sflag:s28] =	ssyncadd.s32 $0xFFFFE000;
	(pc) =	sbr.rel @p1 .LBB2_4-.Ltmp5, $4  }
0x68: {  	[spmem:s1] =	stream.indirect.scatter.add.f32 [tilespmem:s23], [sflag:$0x5], $0x40, s29, s19, $0xb8;
	[tilespmem:$0xE200] =	vst v63  }
0x69: {  	_ =	swait.ge [sflag:s17], $0x2000  }
0x6a: {  	[sflag:s17] =	ssyncset.done $0x0  }
0x6b: {  	[sflag:s17] =	ssyncadd.s32 $0xFFFFE000  }
.Ltmp6:
0x6c: {  	(pc) =	sbr.rel .LBB2_3-.Ltmp6, $3  }
0x6d: {  	_ =	sdelay $0x1  }
0x6e: {  	s2 =	sadd.s32 $0x13A0, s2;
	s0 =	sadd.s32 $0x40, s0  }
0x6f: {  	[tilespmem:s21], [sflag:$0x4] =	stream.linear.gather [hbm4b:s2+s3], $0x100, $0x38;
	[tilespmem:$0xE200] =	vst v63  }
.LBB2_4:
.Ltmp7:
0x70: {  	(pc) =	sbr.rel .LBB2_9-.Ltmp7, $2  }
0x71: {  	_ =	sdelay $0x2  }
0x72: {  	s0 =	smov.u32 s9  }
.LBB2_10:
0x73: {  	_ =	sfence.sel $0x180000  }
0x74: {  	[bflag:$0x0] =	sbarrier.arrive $0xFFFF  }
0x75: {  	_ =	strace $0x9000004A  }
0x76: {  	s0 =	stileid.u32;
	[bflag:$0x2] =	sbarrier.arrive $0xFFFF  }
0x77: {  	p0 =	sne.s32 s0, $0x0;
	s0 =	rddreg [dreg:$0x2]  }
0x78: {  	s0 =	sadd.s32 @!p0 $0x100000, s0  }
0x79: {  	[sflag:s0] =	ssyncadd.tile.s32 @!p0 $0x1;
	_ =	shalt  }
.Lfunc_end2:
_tile_overlayer_lowered:
.L_overlay_start_2:
0x7a: {  	(tag) =	ssettag $0x2  }
0x7b: {  	s0 =	rddreg [dreg:$0x0];
	s2 =	stileid.u32  }
0x7c: {  	s1 =	rddreg [dreg:$0x1];
	p0 =	sne.s32 s2, $0x0  }
0x7d: {  	s3 =	rddreg [dreg:$0x2];
	[bflag:$0x3] =	sbarrier.arrive $0xFFFF;
	s2 =	simm.s32 @!p0 $0x1C05  }
0x7e: {  	[timem:s3], [sflag:s2] =	dma.local @!p0 [hbm:s0], s1  }
0x7f: {  	s0 =	simm.s32 @!p0 $0x5  }
0x80: {  	_ =	swait.ge @!p0 [sflag:s0], s1  }
0x81: {  	s1 =	ssub.s32 @!p0 $0x0, s1;
	[sflag:s0] =	ssyncset.done @!p0 $0x0  }
0x82: {  	[sflag:s0] =	ssyncadd.s32 @!p0 s1  }
0x83: {  	[bflag:$0x3] =	sbarrier.arrive $0xFFFF  }
0x84: {  	_ =	shalt  }

// kernel: kernel.14.cloned.1.call-start
scs
__scs_entry_jumppad:
0x0: {  	(pc) =	sbr.rel $0x88, $3  }
0x1: {  	(tag) =	ssettag $0x0;
	lr =	simm.s32 $0x1  }
0x2: {  	[smem:$0x3F93] =	sst lr;
	_ =	strace $0xD0000000  }
0x3: {  	_ = 	snop  }
0x4: {  	_ = 	snop  }
0x5: {  	_ = 	snop  }
0x6: {  	_ = 	snop  }
0x7: {  	_ = 	snop  }
__scs_overlays_trampoline_lowered:
0x8: {  	[smem:$0x3FA2] =	sst s0  }
0x9: {  	[smem:$0x3FA3] =	sst s1  }
0xa: {  	[smem:$0x3FA4] =	sst s2  }
0xb: {  	[smem:$0x3FA5] =	sst s3  }
0xc: {  	[smem:$0x3FA6] =	sst s4  }
0xd: {  	[smem:$0x3FA7] =	sst s5  }
0xe: {  	[smem:$0x3FA8] =	sst s6  }
0xf: {  	[smem:$0x3FA9] =	sst s7  }
0x10: {  	[smem:$0x3FAA] =	sst s8  }
0x11: {  	[smem:$0x3FAB] =	sst s9;
	s0 =	simm.s32 @!p0 $0x0  }
0x12: {  	s1 =	sld [smem:$0x3F91];
	s0 =	simm.s32 @p0 $0x1  }
0x13: {  	[smem:$0x3FAC] =	sst s0;
	s0 =	simm.s32 @!p1 $0x0  }
0x14: {  	s2 =	sld [smem:$0x3F90];
	s0 =	simm.s32 @p1 $0x1  }
0x15: {  	[smem:$0x3FAD] =	sst s0;
	s0 =	simm.s32 @!p2 $0x0  }
0x16: {  	s3 =	sld [smem:$0x3FDB];
	s0 =	simm.s32 @p2 $0x1  }
0x17: {  	s4 =	simm.s32 $0x1BF5;
	[smem:$0x3FAF] =	sst s0  }
0x18: {  	s0 =	sld [smem:$0x3F92];
	_ =	swait.ge [sflag:s4], $0x0  }
0x19: {  	s7 =	sld [smem:$0x3F93]  }
0x1a: {  	s8 =	sadd.s32 $0xFFFFE003, lr  }
0x1b: {  	s9 =	sadd.s32 $0xFFFFFEF7, lr;
	s5 =	simm.s32 $0xFFFFFFFF;
	p2 =	slt.u32 s8, $0xFFFFF086  }
0x1c: {  	p1 =	slt.u32 s9, $0xF7A;
	s5 =	simm.s32 @!p2 $0x0  }
0x1d: {  	s5 =	simm.s32 @p1 $0x1;
	p0 =	seq.s32 s7, s2  }
0x1e: {  	s7 =	smul.u32 @!p0 $0xF7A, s2;
	p2 =	seq.s32 @!p0 s5, $0x0  }
0x1f: {  	s9 =	smul.u32 $0xF7A, s1;
	s8 =	simm.s32 @!p0 $0x1BF5;
	p2 =	por !p2, p0  }
0x20: {  	[sflag:s8] =	ssyncset.s32 @!p0 $0xFFFFF086;
	s6 =	sadd.s32 @!p0 s3, s7;
	s7 =	simm.s32 @!p0 $0x108  }
0x21: {  	s3 =	sadd.s32 s3, s9;
	s6 =	sadd.s32 @!p0 $0x88, s6;
	s7 =	simm.s32 @p2 $0x1082  }
0x22: {  	[simem:s7], [sflag:s8] =	dma.local @!p0 [hbm:s6], $0xF7A  }
0x23: {  	s9 =	sor.u32 $0xD0000000, s2;
	s6 =	simm.s32 $0x108;
	_ =	swait.ge @!p0 [sflag:s8], $0x0  }
0x24: {  	s3 =	sadd.s32 $0x88, s3;
	s6 =	simm.s32 @!p1 $0x1082;
	[sflag:s4] =	ssyncset.s32 $0xFFFFF086  }
0x25: {  	[simem:s6], [sflag:s4] =	dma.local [hbm:s3], $0xF7A  }
0x26: {  	[smem:$0x3F93] =	sst s1;
	(tag) =	ssettag s2;
	_ =	strace s9  }
0x27: {  	s1 =	sld [smem:$0x3FA3]  }
0x28: {  	s2 =	sld [smem:$0x3FA4]  }
0x29: {  	s4 =	sld [smem:$0x3FA6]  }
0x2a: {  	p0 =	seq.s32 s5, $0x0;
	s5 =	sld [smem:$0x3FA7]  }
0x2b: {  	s6 =	sld [smem:$0x3FA8]  }
0x2c: {  	s7 =	sld [smem:$0x3FA9]  }
0x2d: {  	s3 =	simm.s32 $0x108;
	s8 =	sld [smem:$0x3FAA]  }
0x2e: {  	s3 =	simm.s32 @!p0 $0x1082;
	s9 =	sld [smem:$0x3FAB]  }
0x2f: {  	lr =	sadd.s32 s0, s3;
	s0 =	sld [smem:$0x3FA2]  }
0x30: {  	s3 =	sld [smem:$0x3FA5]  }
0x31: {  	[smem:$0x3FAE] =	sst s10  }
0x32: {  	s10 =	sld [smem:$0x3FAC];
	_ =	sdelay $0x3  }
0x33: {  	p0 =	seq.s32 s10, $0x1;
	s10 =	sld [smem:$0x3FAE];
	_ =	sdelay $0x3  }
0x34: {  	[smem:$0x3FAE] =	sst s10  }
0x35: {  	s10 =	sld [smem:$0x3FAD];
	_ =	sdelay $0x3  }
0x36: {  	p1 =	seq.s32 s10, $0x1;
	s10 =	sld [smem:$0x3FAE];
	_ =	sdelay $0x3  }
0x37: {  	[smem:$0x3FAE] =	sst s10  }
0x38: {  	s10 =	sld [smem:$0x3FAF]  }
0x39: {  	_ = 	snop;
	(pc) =	sbr.ind lr, $3  }
0x3a: {  	_ = 	snop  }
0x3b: {  	_ = 	snop  }
0x3c: {  	p2 =	seq.s32 s10, $0x1;
	s10 =	sld [smem:$0x3FAE]  }
0x3d: {  	_ =	shalt  }
0x3e: {  	_ =	shalt  }
0x3f: {  	_ =	shalt  }
0x40: {  	_ =	shalt  }
0x41: {  	_ =	shalt  }
0x42: {  	_ =	shalt  }
0x43: {  	_ =	shalt  }
0x44: {  	_ =	shalt  }
0x45: {  	_ =	shalt  }
0x46: {  	_ =	shalt  }
0x47: {  	_ =	shalt  }
0x48: {  	_ =	shalt  }
0x49: {  	_ =	shalt  }
0x4a: {  	_ =	shalt  }
0x4b: {  	_ =	shalt  }
0x4c: {  	_ =	shalt  }
0x4d: {  	_ =	shalt  }
0x4e: {  	_ =	shalt  }
0x4f: {  	_ =	shalt  }
0x50: {  	_ =	shalt  }
0x51: {  	_ =	shalt  }
0x52: {  	_ =	shalt  }
0x53: {  	_ =	shalt  }
0x54: {  	_ =	shalt  }
0x55: {  	_ =	shalt  }
0x56: {  	_ =	shalt  }
0x57: {  	_ =	shalt  }
0x58: {  	_ =	shalt  }
0x59: {  	_ =	shalt  }
0x5a: {  	_ =	shalt  }
0x5b: {  	_ =	shalt  }
0x5c: {  	_ =	shalt  }
0x5d: {  	_ =	shalt  }
0x5e: {  	_ =	shalt  }
0x5f: {  	_ =	shalt  }
0x60: {  	_ =	shalt  }
0x61: {  	_ =	shalt  }
0x62: {  	_ =	shalt  }
0x63: {  	_ =	shalt  }
0x64: {  	_ =	shalt  }
0x65: {  	_ =	shalt  }
0x66: {  	_ =	shalt  }
0x67: {  	_ =	shalt  }
0x68: {  	_ =	shalt  }
0x69: {  	_ =	shalt  }
0x6a: {  	_ =	shalt  }
0x6b: {  	_ =	shalt  }
0x6c: {  	_ =	shalt  }
0x6d: {  	_ =	shalt  }
0x6e: {  	_ =	shalt  }
0x6f: {  	_ =	shalt  }
0x70: {  	_ =	shalt  }
0x71: {  	_ =	shalt  }
0x72: {  	_ =	shalt  }
0x73: {  	_ =	shalt  }
0x74: {  	_ =	shalt  }
0x75: {  	_ =	shalt  }
0x76: {  	_ =	shalt  }
0x77: {  	_ =	shalt  }
0x78: {  	_ =	shalt  }
0x79: {  	_ =	shalt  }
0x7a: {  	_ =	shalt  }
0x7b: {  	_ =	shalt  }
0x7c: {  	_ =	shalt  }
0x7d: {  	_ =	shalt  }
0x7e: {  	_ =	shalt  }
0x7f: {  	_ =	shalt  }
0x80: {  	_ =	shalt  }
0x81: {  	_ =	shalt  }
0x82: {  	_ =	shalt  }
0x83: {  	_ =	shalt  }
0x84: {  	_ =	shalt  }
0x85: {  	_ =	shalt  }
0x86: {  	_ =	shalt  }
0x87: {  	_ =	shalt  }
.Lfunc_end0:
.L_simem_size_0:
called_computation.2_lowered:
.L_overlay_start_0:
0x88: {  	s2 =	sld [smem:$0x3FD9]  }
0x89: {  	s3 =	sld [smem:$0x3FFE];
	_ =	sdelay $0x1  }
0x8a: {  	s1 =	srdreg.scid  }
0x8b: {  	s0 =	sand.u32 $0x1, s1  }
0x8c: {  	s16 =	sshll.u32 s0, $0xA;
	s2 =	sadd.s32 s3, s2  }
0x8d: {  	s2 =	sadd.s32 s2, s16  }
0x8e: {  	[smem:$0x3FBA] =	sst s2  }
0x8f: {  	_ = 	snop  }
0x90: {  	(tm) =	ssettm $0x1  }
0x91: {  	s17 =	sld [smem:$0x3FFB];
	_ =	sdelay $0x3  }
0x92: {  	_ =	strace s17  }
0x93: {  	s2 =	sld [smem:$0x3FFC];
	_ =	sdelay $0x3  }
0x94: {  	_ =	strace s2  }
0x95: {  	s2 =	sld [smem:$0x3FFD];
	_ =	sdelay $0x3  }
0x96: {  	_ =	strace s2  }
0x97: {  	_ =	strace $0x8FFFFFFF  }
0x98: {  	s18 =	sld [smem:$0x3FDB];
	_ =	sdelay $0x1  }
0x99: {  	s19 =	simm.s32 $_scs_section_size  }
0x9a: {  	s4 =	simm.s32 $_size__tile_overlayer_lowered;
	s5 =	simm.s32 $_tile_overlayer_lowered  }
0x9b: {  	s22 =	simm.s32 $0x1BFF;
	s21 =	sshll.u32 s5, $0x1;
	s2 =	sadd.s32 s19, s18  }
0x9c: {  	s6 =	simm.s32 $0x0;
	s20 =	sshll.u32 s4, $0x1;
	s4 =	sadd.s32 s21, s2  }
0x9d: {  	[timem:s6], [sflag:s22] =	dma.local [hbm:s4], s20  }
0x9e: {  	_ =	swait.ge [sflag:s22], s20  }
0x9f: {  	s3 =	ssub.s32 $0x0, s20;
	[sflag:s22] =	ssyncset.done $0x0  }
0xa0: {  	[sflag:s22] =	ssyncadd.s32 s3;
	_ =	sdelay $0x1  }
0xa1: {  	s23 =	simm.s32 $0x1B8B  }
0xa2: {  	_ =	swait.ge [sflag:s23], $0x1  }
0xa3: {  	[sflag:s23] =	ssyncset.done $0x0  }
0xa4: {  	s25 =	simm.s32 $0x1B8E;
	s24 =	sld [smem:$0x3FFE];
	[sflag:s23] =	ssyncadd.s32 $0xFFFFFFFF  }
0xa5: {  	s26 =	simm.s32 $execute0_lowered;
	[smem:$0x3FD2] =	sst s25  }
0xa6: {  	s4 =	sshll.u32 s26, $0x1;
	_ =	strace $0x8000004C;
	[dreg:$0x1] =	wrdreg $0xFFFFFFFF  }
0xa7: {  	s28 =	simm.s32 $_size_execute0_lowered;
	s2 =	sadd.s32 s2, s4;
	[dreg:$0x0] =	wrdreg $0x0  }
0xa8: {  	s4 =	sshll.u32 s28, $0x1;
	[dreg:$0x2] =	wrdreg s2  }
0xa9: {  	[dreg:$0x3] =	wrdreg s4  }
0xaa: {  	[dreg:$0x4] =	wrdreg $0xC0  }
0xab: {  	_ =	task [dreg:s6], $0x5FFFF  }
0xac: {  	[dreg:$0x1] =	wrdreg $0xFFFFFFFF  }
0xad: {  	[dreg:$0x0] =	wrdreg $0x60  }
0xae: {  	[dreg:$0x2] =	wrdreg s24  }
0xaf: {  	[dreg:$0x3] =	wrdreg $0x0  }
0xb0: {  	[dreg:$0x4] =	wrdreg $0x9  }
0xb1: {  	_ =	task.clear_ibuf [dreg:s6], $0x5FFFF;
	_ =	strace $0x9000004C  }
0xb2: {  	s29 =	simm.s32 $0x9;
	_ =	strace $0x8000004E  }
0xb3: {  	_ =	swait.ge [sflag:s29], $0x1  }
0xb4: {  	[sflag:s29] =	ssyncadd.s32 $0xFFFFFFFF  }
0xb5: {  	_ =	strace $0x9000004E  }
0xb6: {  	_ =	sfence  }
0xb7: {  	s30 =	sld [smem:$0x0];
	_ =	sdelay $0x2  }
0xb8: {  	s31 =	sshll.u32 s1, $0xD;
	s1 =	sshrl.u32 s1, $0x2  }
0xb9: {  	s3 =	sand.u32 $0x4000, s31;
	s1 =	sadd.s32 s1, s30  }
0xba: {  	s0 =	sor.u32 s3, s0;
	s1 =	sshll.u32 s1, $0x11  }
0xbb: {  	s0 =	sor.u32 s1, s0  }
0xbc: {  	s0 =	sadd.s32 $0x8F2B, s0  }
0xbd: {  	[sflag:s0] =	ssyncadd.remote.s32 $0x1  }
0xbe: {  	_ =	sfence.sel $0xFFFF  }
0xbf: {  	[dreg:$0x0] =	wrdreg $0xFFFFFFFF;
	(pc) =	sbr.abs _section_cstart, $3  }
0xc0: {  	[dreg:$0x1] =	wrdreg $0xFFFFFFFF  }
0xc1: {  	_ =	task.clear_ibuf [dreg:s6], $0x2FFFF;
	_ =	strace $0x9FFFFFFF  }
0xc2: {  	(tm) =	ssettm $0x7FFFFFFF  }
0xc3: {  	_ =	shalt  }
tec
execute0_lowered:
.L_overlay_start_1:
0x0: {  	(tag) =	ssettag $0x1  }
0x1: {  	s0 =	rddreg [dreg:$0x0]  }
0x2: {  	s1 =	rddreg [dreg:$0x1];
	s3 =	simm.s32 $0x0;
	s14 =	stileid.u32  }
0x3: {  	s5 =	srdreg.scid;
	s17 =	simm.s32 $0x5;
	s18 =	simm.s32 $0x14000  }
0x4: {  	s19 =	simm.s32 $0x80;
	s20 =	simm.s32 $0x14200;
	s21 =	simm.s32 $0x14100  }
0x5: {  	s22 =	simm.s32 $0x4;
	s23 =	simm.s32 $0x18200;
	s24 =	simm.s32 $0x1  }
0x6: {  	s28 =	simm.s32 $0x2;
	s29 =	simm.s32 $0x14180;
	s6 =	smul.u32 $0x2800, s14  }
0x7: {  	s30 =	simm.s32 $0x0;
	[smem:$0x7FF] =	sst s3;
	s9 =	smul.u32 $0x9D00, s14  }
0x8: {  	s2 =	sadd.s32 $0x17200, s0;
	s4 =	sadd.s32 $0x2AC00, s0;
	s10 =	smul.u32 $0x14000, s14  }
0x9: {  	s7 =	sand.u32 $0x1, s5;
	s5 =	sadd.s32 $0x52C00, s0;
	s13 =	smul.u32 $0x13A0, s14  }
0xa: {  	s14 =	sshll.u32 s14, $0x6;
	_ =	strace $0x8000004D;
	s8 =	ssub.s32 $0x2, s7  }
0xb: {  	p0 =	seq.s32 s7, $0x1;
	s15 =	sor.u32 $0x1C05, s14;
	s0 =	sadd.s32 s6, s0  }
0xc: {  	s25 =	sshrl.u32 s8, $0x1;
	s26 =	sshrl.u32 s9, $0x3;
	s16 =	sadd.s32 s10, s1  }
.Ltmp0:
0xd: {  	s10 =	sshrl.u32 s10, $0x3;
	s13 =	sadd.s32 s13, s2;
	(pc) =	sbr.rel .LBB2_1-.Ltmp0, $4  }
0xe: {  	s12 =	ssub.s32 s8, s25;
	s6 =	sadd.s32 s2, s26;
	s31 =	sadd.s32 s4, s10  }
0xf: {  	s9 =	sadd.s32 $0x7AC00, s0;
	s10 =	sadd.s32 s5, s10;
	s11 =	sadd.s32 $0xA2C00, s0  }
0x10: {  	s16 =	sshrl.u32 s16, $0x3;
	s25 =	simm.s32 $0x14080;
	s26 =	simm.s32 $0x3  }
0x11: {  	[dreg:$0x3] =	wrdreg s31;
	s8 =	sadd.s32 $0x20, s6;
	s12 =	smax.u32 s12, $0x1  }
.LBB2_8:
0x12: {  	s0 =	smov.u32 s11;
	s31 =	smov.u32 s15  }
.LBB2_9:
0x13: {  	_ =	swait.ge [sflag:s24], $0x4000  }
0x14: {  	[sflag:s24] =	ssyncset.done $0x0  }
0x15: {  	[sflag:s24] =	ssyncadd.s32 $0xFFFFC000  }
0x16: {  	[spmem:s1] =	stream.indirect.scatter.add.f32 [tilespmem:s20], [sflag:$0x5], $0x80, s25, s19, $0xb8;
	[tilespmem:$0x1C200] =	vst v63  }
0x17: {  	_ =	swait.ge [sflag:s17], $0x4000  }
0x18: {  	s30 =	sadd.s32 $0x1, s30;
	[sflag:s17] =	ssyncset.done $0x0  }
0x19: {  	p1 =	sne.s32 s30, s12;
	[sflag:s17] =	ssyncadd.s32 $0xFFFFC000  }
.Ltmp1:
0x1a: {  	[bflag:$0x0] =	sbarrier.arrive $0xFFFF;
	(pc) =	sbr.rel @!p1 .LBB2_10-.Ltmp1, $4  }
0x1b: {  	[hbm:s0], [sflag:s31] =	dma.local [spmem:s16], $0x2800  }
0x1c: {  	_ =	swait.ge [sflag:s17], $0x2800  }
0x1d: {  	[sflag:s17] =	ssyncset.done $0x0  }
0x1e: {  	[sflag:s17] =	ssyncadd.s32 $0xFFFFD800  }
.LBB2_1:
.Ltmp2:
0x1f: {  	(pc) =	sbr.rel @!p0 .LBB2_2-.Ltmp2, $1  }
0x20: {  	_ =	sdelay $0x3  }
0x21: {  	[spmem:s16], [sflag:s15] =	dma.local [hbm:s10], $0x2800  }
0x22: {  	_ =	swait.ge [sflag:s17], $0x2800  }
0x23: {  	[sflag:s17] =	ssyncset.done $0x0  }
0x24: {  	[sflag:s17] =	ssyncadd.s32 $0xFFFFD800  }
0x25: {  	[bflag:$0x0] =	sbarrier.arrive $0xFFFF  }
0x26: {  	[tilespmem:s18], [sflag:$0x5] =	stream.linear.gather [hbm4b:s6+s3], $0x100, $0x38;
	[tilespmem:$0x1C200] =	vst v63  }
0x27: {  	_ =	swait.ge [sflag:s17], $0x100  }
0x28: {  	[sflag:s17] =	ssyncset.done $0x0  }
0x29: {  	[sflag:s17] =	ssyncadd.s32 $0xFFFFFF00  }
0x2a: {  	[tilespmem:s20], [sflag:$0x1] =	stream.indirect.gather [hbm4b:s5+s19], $0x80, s18, s19, $0xb8;
	[tilespmem:$0x1C200] =	vst v63  }
0x2b: {  	s0 =	simm.s32 $0xFFFFECC0  }
0x2c: {  	[tilespmem:s21], [sflag:$0x4] =	stream.linear.gather [hbm4b:s8+s3], $0x100, $0x38;
	[tilespmem:$0x1C200] =	vst v63  }
.LBB2_7:
0x2d: {  	_ =	swait.ge [sflag:s22], $0x100  }
0x2e: {  	[sflag:s22] =	ssyncset.done $0x0  }
0x2f: {  	[sflag:s22] =	ssyncadd.s32 $0xFFFFFF00  }
0x30: {  	[tilespmem:s23], [sflag:$0x2] =	stream.indirect.gather [hbm4b:s5+s19], $0x80, s21, s19, $0xb8;
	[tilespmem:$0x1C200] =	vst v63  }
0x31: {  	_ =	swait.ge [sflag:s24], $0x4000  }
0x32: {  	[sflag:s24] =	ssyncset.done $0x0  }
0x33: {  	[sflag:s24] =	ssyncadd.s32 $0xFFFFC000  }
0x34: {  	[spmem:s1] =	stream.indirect.scatter.add.f32 [tilespmem:s20], [sflag:$0x5], $0x80, s25, s19, $0xb8;
	[tilespmem:$0x1C200] =	vst v63  }
0x35: {  	_ =	swait.ge [sflag:s17], $0x4000  }
0x36: {  	s2 =	sadd.s32 s0, s13;
	[sflag:s17] =	ssyncset.done $0x0  }
0x37: {  	s7 =	sadd.s32 $0x1380, s2;
	[sflag:s17] =	ssyncadd.s32 $0xFFFFC000  }
0x38: {  	[tilespmem:s18], [sflag:$0x3] =	stream.linear.gather [hbm4b:s7+s3], $0x100, $0x38;
	[tilespmem:$0x1C200] =	vst v63  }
0x39: {  	_ =	swait.ge [sflag:s26], $0x100  }
0x3a: {  	[sflag:s26] =	ssyncset.done $0x0  }
0x3b: {  	[sflag:s26] =	ssyncadd.s32 $0xFFFFFF00  }
0x3c: {  	[tilespmem:s20], [sflag:$0x1] =	stream.indirect.gather [hbm4b:s5+s19], $0x80, s18, s19, $0xb8;
	[tilespmem:$0x1C200] =	vst v63  }
0x3d: {  	_ =	swait.ge [sflag:s28], $0x4000  }
0x3e: {  	p1 =	seq.s32 s0, $0x0;
	[sflag:s28] =	ssyncset.done $0x0  }
.Ltmp3:
0x3f: {  	[sflag:s28] =	ssyncadd.s32 $0xFFFFC000;
	(pc) =	sbr.rel @p1 .LBB2_8-.Ltmp3, $4  }
0x40: {  	[spmem:s1] =	stream.indirect.scatter.add.f32 [tilespmem:s23], [sflag:$0x5], $0x80, s29, s19, $0xb8;
	[tilespmem:$0x1C200] =	vst v63  }
0x41: {  	_ =	swait.ge [sflag:s17], $0x4000  }
0x42: {  	[sflag:s17] =	ssyncset.done $0x0  }
0x43: {  	[sflag:s17] =	ssyncadd.s32 $0xFFFFC000  }
.Ltmp4:
0x44: {  	(pc) =	sbr.rel .LBB2_7-.Ltmp4, $3  }
0x45: {  	_ =	sdelay $0x1  }
0x46: {  	s2 =	sadd.s32 $0x13A0, s2;
	s0 =	sadd.s32 $0x40, s0  }
0x47: {  	[tilespmem:s21], [sflag:$0x4] =	stream.linear.gather [hbm4b:s2+s3], $0x100, $0x38;
	[tilespmem:$0x1C200] =	vst v63  }
.LBB2_2:
0x48: {  	s31 =	sor.u32 $0x1C05, s14;
	s0 =	rddreg [dreg:$0x3]  }
0x49: {  	[spmem:s16], [sflag:s31] =	dma.local [hbm:s0], $0x2800  }
0x4a: {  	_ =	swait.ge [sflag:s17], $0x2800  }
0x4b: {  	[sflag:s17] =	ssyncset.done $0x0  }
0x4c: {  	[sflag:s17] =	ssyncadd.s32 $0xFFFFD800  }
0x4d: {  	[bflag:$0x0] =	sbarrier.arrive $0xFFFF  }
0x4e: {  	[tilespmem:s18], [sflag:$0x5] =	stream.linear.gather [hbm4b:s6+s3], $0x100, $0x38;
	[tilespmem:$0x1C200] =	vst v63  }
0x4f: {  	_ =	swait.ge [sflag:s17], $0x100  }
0x50: {  	[sflag:s17] =	ssyncset.done $0x0  }
0x51: {  	[sflag:s17] =	ssyncadd.s32 $0xFFFFFF00  }
0x52: {  	[tilespmem:s20], [sflag:$0x1] =	stream.indirect.gather [hbm4b:s4+s19], $0x80, s18, s19, $0xb8;
	[tilespmem:$0x1C200] =	vst v63  }
0x53: {  	s0 =	simm.s32 $0xFFFFECC0  }
0x54: {  	[tilespmem:s21], [sflag:$0x4] =	stream.linear.gather [hbm4b:s8+s3], $0x100, $0x38;
	[tilespmem:$0x1C200] =	vst v63  }
.LBB2_3:
0x55: {  	_ =	swait.ge [sflag:s22], $0x100  }
0x56: {  	[sflag:s22] =	ssyncset.done $0x0  }
0x57: {  	[sflag:s22] =	ssyncadd.s32 $0xFFFFFF00  }
0x58: {  	[tilespmem:s23], [sflag:$0x2] =	stream.indirect.gather [hbm4b:s4+s19], $0x80, s21, s19, $0xb8;
	[tilespmem:$0x1C200] =	vst v63  }
0x59: {  	_ =	swait.ge [sflag:s24], $0x4000  }
0x5a: {  	[sflag:s24] =	ssyncset.done $0x0  }
0x5b: {  	[sflag:s24] =	ssyncadd.s32 $0xFFFFC000  }
0x5c: {  	[spmem:s1] =	stream.indirect.scatter.add.f32 [tilespmem:s20], [sflag:$0x5], $0x80, s25, s19, $0xb8;
	[tilespmem:$0x1C200] =	vst v63  }
0x5d: {  	_ =	swait.ge [sflag:s17], $0x4000  }
0x5e: {  	s2 =	sadd.s32 s0, s13;
	[sflag:s17] =	ssyncset.done $0x0  }
0x5f: {  	s7 =	sadd.s32 $0x1380, s2;
	[sflag:s17] =	ssyncadd.s32 $0xFFFFC000  }
0x60: {  	[tilespmem:s18], [sflag:$0x3] =	stream.linear.gather [hbm4b:s7+s3], $0x100, $0x38;
	[tilespmem:$0x1C200] =	vst v63  }
0x61: {  	_ =	swait.ge [sflag:s26], $0x100  }
0x62: {  	[sflag:s26] =	ssyncset.done $0x0  }
0x63: {  	[sflag:s26] =	ssyncadd.s32 $0xFFFFFF00  }
0x64: {  	[tilespmem:s20], [sflag:$0x1] =	stream.indirect.gather [hbm4b:s4+s19], $0x80, s18, s19, $0xb8;
	[tilespmem:$0x1C200] =	vst v63  }
0x65: {  	_ =	swait.ge [sflag:s28], $0x4000  }
0x66: {  	p1 =	seq.s32 s0, $0x0;
	[sflag:s28] =	ssyncset.done $0x0  }
.Ltmp5:
0x67: {  	[sflag:s28] =	ssyncadd.s32 $0xFFFFC000;
	(pc) =	sbr.rel @p1 .LBB2_4-.Ltmp5, $4  }
0x68: {  	[spmem:s1] =	stream.indirect.scatter.add.f32 [tilespmem:s23], [sflag:$0x5], $0x80, s29, s19, $0xb8;
	[tilespmem:$0x1C200] =	vst v63  }
0x69: {  	_ =	swait.ge [sflag:s17], $0x4000  }
0x6a: {  	[sflag:s17] =	ssyncset.done $0x0  }
0x6b: {  	[sflag:s17] =	ssyncadd.s32 $0xFFFFC000  }
.Ltmp6:
0x6c: {  	(pc) =	sbr.rel .LBB2_3-.Ltmp6, $3  }
0x6d: {  	_ =	sdelay $0x1  }
0x6e: {  	s2 =	sadd.s32 $0x13A0, s2;
	s0 =	sadd.s32 $0x40, s0  }
0x6f: {  	[tilespmem:s21], [sflag:$0x4] =	stream.linear.gather [hbm4b:s2+s3], $0x100, $0x38;
	[tilespmem:$0x1C200] =	vst v63  }
.LBB2_4:
.Ltmp7:
0x70: {  	(pc) =	sbr.rel .LBB2_9-.Ltmp7, $2  }
0x71: {  	_ =	sdelay $0x2  }
0x72: {  	s0 =	smov.u32 s9  }
.LBB2_10:
0x73: {  	_ =	sfence.sel $0x180000  }
0x74: {  	[bflag:$0x0] =	sbarrier.arrive $0xFFFF  }
0x75: {  	_ =	strace $0x9000004D  }
0x76: {  	s0 =	stileid.u32;
	[bflag:$0x2] =	sbarrier.arrive $0xFFFF  }
0x77: {  	p0 =	sne.s32 s0, $0x0;
	s0 =	rddreg [dreg:$0x2]  }
0x78: {  	s0 =	sadd.s32 @!p0 $0x100000, s0  }
0x79: {  	[sflag:s0] =	ssyncadd.tile.s32 @!p0 $0x1;
	_ =	shalt  }
.Lfunc_end2:
_tile_overlayer_lowered:
.L_overlay_start_2:
0x7a: {  	(tag) =	ssettag $0x2  }
0x7b: {  	s0 =	rddreg [dreg:$0x0];
	s2 =	stileid.u32  }
0x7c: {  	s1 =	rddreg [dreg:$0x1];
	p0 =	sne.s32 s2, $0x0  }
0x7d: {  	s3 =	rddreg [dreg:$0x2];
	[bflag:$0x3] =	sbarrier.arrive $0xFFFF;
	s2 =	simm.s32 @!p0 $0x1C05  }
0x7e: {  	[timem:s3], [sflag:s2] =	dma.local @!p0 [hbm:s0], s1  }
0x7f: {  	s0 =	simm.s32 @!p0 $0x5  }
0x80: {  	_ =	swait.ge @!p0 [sflag:s0], s1  }
0x81: {  	s1 =	ssub.s32 @!p0 $0x0, s1;
	[sflag:s0] =	ssyncset.done @!p0 $0x0  }
0x82: {  	[sflag:s0] =	ssyncadd.s32 @!p0 s1  }
0x83: {  	[bflag:$0x3] =	sbarrier.arrive $0xFFFF  }
0x84: {  	_ =	shalt  }

// kernel: kernel.8.cloned.1.call-start
scs
__scs_entry_jumppad:
0x0: {  	(pc) =	sbr.rel $0x88, $3  }
0x1: {  	(tag) =	ssettag $0x0;
	lr =	simm.s32 $0x1  }
0x2: {  	[smem:$0x3F93] =	sst lr;
	_ =	strace $0xD0000000  }
0x3: {  	_ = 	snop  }
0x4: {  	_ = 	snop  }
0x5: {  	_ = 	snop  }
0x6: {  	_ = 	snop  }
0x7: {  	_ = 	snop  }
__scs_overlays_trampoline_lowered:
0x8: {  	[smem:$0x3FA2] =	sst s0  }
0x9: {  	[smem:$0x3FA3] =	sst s1  }
0xa: {  	[smem:$0x3FA4] =	sst s2  }
0xb: {  	[smem:$0x3FA5] =	sst s3  }
0xc: {  	[smem:$0x3FA6] =	sst s4  }
0xd: {  	[smem:$0x3FA7] =	sst s5  }
0xe: {  	[smem:$0x3FA8] =	sst s6  }
0xf: {  	[smem:$0x3FA9] =	sst s7  }
0x10: {  	[smem:$0x3FAA] =	sst s8  }
0x11: {  	[smem:$0x3FAB] =	sst s9;
	s0 =	simm.s32 @!p0 $0x0  }
0x12: {  	s1 =	sld [smem:$0x3F91];
	s0 =	simm.s32 @p0 $0x1  }
0x13: {  	[smem:$0x3FAC] =	sst s0;
	s0 =	simm.s32 @!p1 $0x0  }
0x14: {  	s2 =	sld [smem:$0x3F90];
	s0 =	simm.s32 @p1 $0x1  }
0x15: {  	[smem:$0x3FAD] =	sst s0;
	s0 =	simm.s32 @!p2 $0x0  }
0x16: {  	s3 =	sld [smem:$0x3FDB];
	s0 =	simm.s32 @p2 $0x1  }
0x17: {  	s4 =	simm.s32 $0x1BF5;
	[smem:$0x3FAF] =	sst s0  }
0x18: {  	s0 =	sld [smem:$0x3F92];
	_ =	swait.ge [sflag:s4], $0x0  }
0x19: {  	s7 =	sld [smem:$0x3F93]  }
0x1a: {  	s8 =	sadd.s32 $0xFFFFE003, lr  }
0x1b: {  	s9 =	sadd.s32 $0xFFFFFEF7, lr;
	s5 =	simm.s32 $0xFFFFFFFF;
	p2 =	slt.u32 s8, $0xFFFFF086  }
0x1c: {  	p1 =	slt.u32 s9, $0xF7A;
	s5 =	simm.s32 @!p2 $0x0  }
0x1d: {  	s5 =	simm.s32 @p1 $0x1;
	p0 =	seq.s32 s7, s2  }
0x1e: {  	s7 =	smul.u32 @!p0 $0xF7A, s2;
	p2 =	seq.s32 @!p0 s5, $0x0  }
0x1f: {  	s9 =	smul.u32 $0xF7A, s1;
	s8 =	simm.s32 @!p0 $0x1BF5;
	p2 =	por !p2, p0  }
0x20: {  	[sflag:s8] =	ssyncset.s32 @!p0 $0xFFFFF086;
	s6 =	sadd.s32 @!p0 s3, s7;
	s7 =	simm.s32 @!p0 $0x108  }
0x21: {  	s3 =	sadd.s32 s3, s9;
	s6 =	sadd.s32 @!p0 $0x88, s6;
	s7 =	simm.s32 @p2 $0x1082  }
0x22: {  	[simem:s7], [sflag:s8] =	dma.local @!p0 [hbm:s6], $0xF7A  }
0x23: {  	s9 =	sor.u32 $0xD0000000, s2;
	s6 =	simm.s32 $0x108;
	_ =	swait.ge @!p0 [sflag:s8], $0x0  }
0x24: {  	s3 =	sadd.s32 $0x88, s3;
	s6 =	simm.s32 @!p1 $0x1082;
	[sflag:s4] =	ssyncset.s32 $0xFFFFF086  }
0x25: {  	[simem:s6], [sflag:s4] =	dma.local [hbm:s3], $0xF7A  }
0x26: {  	[smem:$0x3F93] =	sst s1;
	(tag) =	ssettag s2;
	_ =	strace s9  }
0x27: {  	s1 =	sld [smem:$0x3FA3]  }
0x28: {  	s2 =	sld [smem:$0x3FA4]  }
0x29: {  	s4 =	sld [smem:$0x3FA6]  }
0x2a: {  	p0 =	seq.s32 s5, $0x0;
	s5 =	sld [smem:$0x3FA7]  }
0x2b: {  	s6 =	sld [smem:$0x3FA8]  }
0x2c: {  	s7 =	sld [smem:$0x3FA9]  }
0x2d: {  	s3 =	simm.s32 $0x108;
	s8 =	sld [smem:$0x3FAA]  }
0x2e: {  	s3 =	simm.s32 @!p0 $0x1082;
	s9 =	sld [smem:$0x3FAB]  }
0x2f: {  	lr =	sadd.s32 s0, s3;
	s0 =	sld [smem:$0x3FA2]  }
0x30: {  	s3 =	sld [smem:$0x3FA5]  }
0x31: {  	[smem:$0x3FAE] =	sst s10  }
0x32: {  	s10 =	sld [smem:$0x3FAC];
	_ =	sdelay $0x3  }
0x33: {  	p0 =	seq.s32 s10, $0x1;
	s10 =	sld [smem:$0x3FAE];
	_ =	sdelay $0x3  }
0x34: {  	[smem:$0x3FAE] =	sst s10  }
0x35: {  	s10 =	sld [smem:$0x3FAD];
	_ =	sdelay $0x3  }
0x36: {  	p1 =	seq.s32 s10, $0x1;
	s10 =	sld [smem:$0x3FAE];
	_ =	sdelay $0x3  }
0x37: {  	[smem:$0x3FAE] =	sst s10  }
0x38: {  	s10 =	sld [smem:$0x3FAF]  }
0x39: {  	_ = 	snop;
	(pc) =	sbr.ind lr, $3  }
0x3a: {  	_ = 	snop  }
0x3b: {  	_ = 	snop  }
0x3c: {  	p2 =	seq.s32 s10, $0x1;
	s10 =	sld [smem:$0x3FAE]  }
0x3d: {  	_ =	shalt  }
0x3e: {  	_ =	shalt  }
0x3f: {  	_ =	shalt  }
0x40: {  	_ =	shalt  }
0x41: {  	_ =	shalt  }
0x42: {  	_ =	shalt  }
0x43: {  	_ =	shalt  }
0x44: {  	_ =	shalt  }
0x45: {  	_ =	shalt  }
0x46: {  	_ =	shalt  }
0x47: {  	_ =	shalt  }
0x48: {  	_ =	shalt  }
0x49: {  	_ =	shalt  }
0x4a: {  	_ =	shalt  }
0x4b: {  	_ =	shalt  }
0x4c: {  	_ =	shalt  }
0x4d: {  	_ =	shalt  }
0x4e: {  	_ =	shalt  }
0x4f: {  	_ =	shalt  }
0x50: {  	_ =	shalt  }
0x51: {  	_ =	shalt  }
0x52: {  	_ =	shalt  }
0x53: {  	_ =	shalt  }
0x54: {  	_ =	shalt  }
0x55: {  	_ =	shalt  }
0x56: {  	_ =	shalt  }
0x57: {  	_ =	shalt  }
0x58: {  	_ =	shalt  }
0x59: {  	_ =	shalt  }
0x5a: {  	_ =	shalt  }
0x5b: {  	_ =	shalt  }
0x5c: {  	_ =	shalt  }
0x5d: {  	_ =	shalt  }
0x5e: {  	_ =	shalt  }
0x5f: {  	_ =	shalt  }
0x60: {  	_ =	shalt  }
0x61: {  	_ =	shalt  }
0x62: {  	_ =	shalt  }
0x63: {  	_ =	shalt  }
0x64: {  	_ =	shalt  }
0x65: {  	_ =	shalt  }
0x66: {  	_ =	shalt  }
0x67: {  	_ =	shalt  }
0x68: {  	_ =	shalt  }
0x69: {  	_ =	shalt  }
0x6a: {  	_ =	shalt  }
0x6b: {  	_ =	shalt  }
0x6c: {  	_ =	shalt  }
0x6d: {  	_ =	shalt  }
0x6e: {  	_ =	shalt  }
0x6f: {  	_ =	shalt  }
0x70: {  	_ =	shalt  }
0x71: {  	_ =	shalt  }
0x72: {  	_ =	shalt  }
0x73: {  	_ =	shalt  }
0x74: {  	_ =	shalt  }
0x75: {  	_ =	shalt  }
0x76: {  	_ =	shalt  }
0x77: {  	_ =	shalt  }
0x78: {  	_ =	shalt  }
0x79: {  	_ =	shalt  }
0x7a: {  	_ =	shalt  }
0x7b: {  	_ =	shalt  }
0x7c: {  	_ =	shalt  }
0x7d: {  	_ =	shalt  }
0x7e: {  	_ =	shalt  }
0x7f: {  	_ =	shalt  }
0x80: {  	_ =	shalt  }
0x81: {  	_ =	shalt  }
0x82: {  	_ =	shalt  }
0x83: {  	_ =	shalt  }
0x84: {  	_ =	shalt  }
0x85: {  	_ =	shalt  }
0x86: {  	_ =	shalt  }
0x87: {  	_ =	shalt  }
.Lfunc_end0:
.L_simem_size_0:
called_computation_lowered:
.L_overlay_start_0:
0x88: {  	s2 =	sld [smem:$0x3FD9]  }
0x89: {  	s3 =	sld [smem:$0x3FFE];
	_ =	sdelay $0x1  }
0x8a: {  	s1 =	srdreg.scid  }
0x8b: {  	s0 =	sand.u32 $0x1, s1  }
0x8c: {  	s17 =	sshll.u32 s0, $0xA;
	s2 =	sadd.s32 s3, s2  }
0x8d: {  	s2 =	sadd.s32 s2, s17  }
0x8e: {  	[smem:$0x3FBA] =	sst s2  }
0x8f: {  	_ = 	snop  }
0x90: {  	s2 =	sld [smem:$0x3FD0];
	(tm) =	ssettm $0x1  }
0x91: {  	s18 =	sld [smem:$0x3FFB];
	_ =	sdelay $0x3  }
0x92: {  	_ =	strace s18  }
0x93: {  	s3 =	sld [smem:$0x3FFC];
	_ =	sdelay $0x3  }
0x94: {  	_ =	strace s3  }
0x95: {  	s3 =	sld [smem:$0x3FFD];
	_ =	sdelay $0x3  }
0x96: {  	_ =	strace s3  }
0x97: {  	_ =	strace $0x8FFFFFFF  }
0x98: {  	s19 =	sld [smem:$0x3FDB];
	_ =	sdelay $0x1  }
0x99: {  	s4 =	simm.s32 $_scs_section_size  }
0x9a: {  	s5 =	simm.s32 $_size__tile_overlayer_lowered;
	s6 =	simm.s32 $_tile_overlayer_lowered  }
0x9b: {  	s22 =	simm.s32 $0x1BFF;
	s21 =	sshll.u32 s6, $0x1;
	s3 =	sadd.s32 s4, s19  }
0x9c: {  	s7 =	simm.s32 $0x0;
	s20 =	sshll.u32 s5, $0x1;
	s5 =	sadd.s32 s21, s3  }
0x9d: {  	[timem:s7], [sflag:s22] =	dma.local [hbm:s5], s20  }
0x9e: {  	_ =	swait.ge [sflag:s22], s20  }
0x9f: {  	s4 =	ssub.s32 $0x0, s20;
	[sflag:s22] =	ssyncset.done $0x0  }
0xa0: {  	[sflag:s22] =	ssyncadd.s32 s4;
	_ =	sdelay $0x1  }
0xa1: {  	s23 =	simm.s32 $0x1B8B  }
0xa2: {  	_ =	swait.ge [sflag:s23], $0x1  }
0xa3: {  	[sflag:s23] =	ssyncset.done $0x0  }
0xa4: {  	s25 =	simm.s32 $0x1B8E;
	s24 =	sld [smem:$0x3FFE];
	[sflag:s23] =	ssyncadd.s32 $0xFFFFFFFF  }
0xa5: {  	s26 =	simm.s32 $execute0_lowered;
	[smem:$0x3FD2] =	sst s25  }
0xa6: {  	s5 =	sshll.u32 s26, $0x1;
	_ =	strace $0x80000046;
	[dreg:$0x1] =	wrdreg $0xFFFFFFFF  }
0xa7: {  	s28 =	simm.s32 $_size_execute0_lowered;
	s3 =	sadd.s32 s3, s5;
	[dreg:$0x0] =	wrdreg $0x0  }
0xa8: {  	s5 =	sshll.u32 s28, $0x1;
	[dreg:$0x2] =	wrdreg s3  }
0xa9: {  	[dreg:$0x3] =	wrdreg s5  }
0xaa: {  	[dreg:$0x4] =	wrdreg $0xC0  }
0xab: {  	_ =	task [dreg:s7], $0x5FFFF  }
0xac: {  	[dreg:$0x1] =	wrdreg $0xFFFFFFFF  }
0xad: {  	[dreg:$0x0] =	wrdreg $0x60  }
0xae: {  	[dreg:$0x2] =	wrdreg s24  }
0xaf: {  	[dreg:$0x3] =	wrdreg s2  }
0xb0: {  	[dreg:$0x4] =	wrdreg $0x0  }
0xb1: {  	[dreg:$0x5] =	wrdreg $0x9  }
0xb2: {  	_ =	task.clear_ibuf [dreg:s7], $0x6FFFF;
	_ =	strace $0x90000046  }
0xb3: {  	s29 =	simm.s32 $0x9;
	_ =	strace $0x80000048  }
0xb4: {  	_ =	swait.ge [sflag:s29], $0x1  }
0xb5: {  	[sflag:s29] =	ssyncadd.s32 $0xFFFFFFFF  }
0xb6: {  	_ =	strace $0x90000048  }
0xb7: {  	_ =	sfence  }
0xb8: {  	s30 =	sld [smem:$0x0];
	_ =	sdelay $0x2  }
0xb9: {  	s31 =	sshll.u32 s1, $0xD;
	s1 =	sshrl.u32 s1, $0x2  }
0xba: {  	s3 =	sand.u32 $0x4000, s31;
	s1 =	sadd.s32 s1, s30  }
0xbb: {  	s0 =	sor.u32 s3, s0;
	s1 =	sshll.u32 s1, $0x11  }
0xbc: {  	s0 =	sor.u32 s1, s0  }
0xbd: {  	s0 =	sadd.s32 $0x8F2B, s0  }
0xbe: {  	[sflag:s0] =	ssyncadd.remote.s32 $0x1  }
0xbf: {  	_ =	sfence.sel $0xFFFF  }
0xc0: {  	[dreg:$0x0] =	wrdreg $0xFFFFFFFF;
	(pc) =	sbr.abs _section_cstart, $3  }
0xc1: {  	[dreg:$0x1] =	wrdreg $0xFFFFFFFF  }
0xc2: {  	_ =	task.clear_ibuf [dreg:s7], $0x2FFFF;
	_ =	strace $0x9FFFFFFF  }
0xc3: {  	(tm) =	ssettm $0x7FFFFFFF  }
tec
execute0_lowered:
.L_overlay_start_1:
0x0: {  	(tag) =	ssettag $0x1  }
0x1: {  	s6 =	rddreg [dreg:$0x0]  }
0x2: {  	s0 =	srdreg.scid;
	s2 =	rddreg [dreg:$0x1]  }
0x3: {  	s3 =	rddreg [dreg:$0x2];
	s7 =	sand.u32 $0x1, s0  }
0x4: {  	s0 =	stileid.u32;
	s5 =	smul.u32 $0x27800, s7  }
0x5: {  	s1 =	rddreg [dreg:$0x3];
	s4 =	simm.s32 $0x0;
	s8 =	smul.u32 $0x2780, s0  }
0x6: {  	s14 =	simm.s32 $0x80;
	[smem:$0x7FF] =	sst s4;
	s9 =	smul.u32 $0x500, s0  }
0x7: {  	s15 =	simm.s32 $0x0;
	s29 =	smul.u32 $0x5000, s7;
	_ =	strace $0x80000047  }
0x8: {  	s30 =	smul.u32 $0xA000, s0;
	s31 =	ssub.s32 $0x2, s7;
	s11 =	sshll.u32 s0, $0x6  }
0x9: {  	s7 =	sshrl.u32 s31, $0x1;
	s5 =	sadd.s32 s8, s5;
	s8 =	sadd.s32 s9, s29  }
0xa: {  	s9 =	sshrl.u32 s30, $0x2;
	s12 =	ssub.s32 s31, s7;
	s5 =	sshrl.u32 s5, $0x3  }
0xb: {  	s8 =	sadd.s32 s8, s6;
	s13 =	sadd.s32 s9, s3;
	s9 =	smax.u32 s12, $0x1  }
0xc: {  	s12 =	simm.s32 $0x4F80;
	s10 =	sadd.s32 s5, s6;
	s5 =	sadd.s32 $0xCC00, s6  }
0xd: {  	s6 =	sor.u32 $0x1C01, s11;
	s8 =	sadd.s32 $0xD200, s8;
	s11 =	simm.s32 $0x1  }
0xe: {  	s7 =	sadd.s32 $0x2E00, s10;
	s10 =	sshrl.u32 s13, $0x3;
	s13 =	simm.s32 $0x2800  }
.LBB2_1:
0xf: {  	[spmem:s10], [sflag:s6] =	dma.local [hbm:s5], $0x500  }
0x10: {  	_ =	swait.ge [sflag:s11], $0x500  }
0x11: {  	[sflag:s11] =	ssyncset.done $0x0  }
0x12: {  	[sflag:s11] =	ssyncadd.s32 $0xFFFFFB00  }
0x13: {  	[tilespmem:s12], [sflag:$0x1] =	stream.linear.gather [hbm4b:s2+s4], $0x800, $0x38;
	[tilespmem:$0x5780] =	vst v63  }
0x14: {  	_ =	swait.ge [sflag:s11], $0x800  }
0x15: {  	[sflag:s11] =	ssyncset.done $0x0  }
0x16: {  	[sflag:s11] =	ssyncadd.s32 $0xFFFFF800  }
0x17: {  	[tilespmem:s13], [sflag:$0x1] =	stream.linear.gather [hbm4b:s7+s4], $0x2780, $0x38;
	[tilespmem:$0x5780] =	vst v63  }
0x18: {  	_ =	swait.ge [sflag:s11], $0x2780  }
0x19: {  	[sflag:s11] =	ssyncset.done $0x0  }
0x1a: {  	[sflag:s11] =	ssyncadd.s32 $0xFFFFD880  }
0x1b: {  	s16 =	simm.s32 $0x2800;
	[bflag:$0x0] =	sbarrier.arrive $0xFFFF  }
0x1c: {  	[spmem:s3] =	stream.indirect.scatter.add.f32 [tilespmem:s12], [sflag:$0x1], $0x10, s16, s14, $0xb8;
	[tilespmem:$0x5780] =	vst v63  }
0x1d: {  	s16 =	simm.s32 $0x200;
	_ =	swait.ge [sflag:s11], $0x800  }
.LBB2_2:
0x1e: {  	s17 =	sshra.s32 s16, $0x2;
	[sflag:s11] =	ssyncset.done $0x0;
	p0 =	sne.s32 s16, $0x9C00  }
.Ltmp0:
0x1f: {  	s17 =	sadd.s32 $0x2800, s17;
	[sflag:s11] =	ssyncadd.s32 $0xFFFFF800;
	(pc) =	sbr.rel @p0 .LBB2_2-.Ltmp0, $3  }
0x20: {  	[spmem:s3] =	stream.indirect.scatter.add.f32 [tilespmem:s12], [sflag:$0x1], $0x10, s17, s14, $0xb8;
	[tilespmem:$0x5780] =	vst v63  }
0x21: {  	s16 =	sadd.s32 $0x200, s16;
	_ =	sdelay $0x1  }
0x22: {  	_ =	swait.ge [sflag:s11], $0x800  }
0x23: {  	[sflag:s11] =	ssyncset.done $0x0;
	s15 =	sadd.s32 $0x1, s15  }
0x24: {  	[sflag:s11] =	ssyncadd.s32 $0xFFFFF800;
	p0 =	sne.s32 s15, s9  }
.Ltmp1:
0x25: {  	[bflag:$0x0] =	sbarrier.arrive $0xFFFF;
	(pc) =	sbr.rel @p0 .LBB2_1-.Ltmp1, $4  }
0x26: {  	[hbm:s8], [sflag:s6] =	dma.local [spmem:s10], $0x500  }
0x27: {  	_ =	swait.ge [sflag:s11], $0x500  }
0x28: {  	[sflag:s11] =	ssyncset.done $0x0  }
0x29: {  	[sflag:s11] =	ssyncadd.s32 $0xFFFFFB00  }
0x2a: {  	_ =	sfence.sel $0x180000  }
0x2b: {  	[bflag:$0x0] =	sbarrier.arrive $0xFFFF  }
0x2c: {  	p0 =	sne.s32 s0, $0x0;
	_ =	strace $0x90000047  }
0x2d: {  	s0 =	sadd.s32 @!p0 $0x100000, s1;
	[bflag:$0x2] =	sbarrier.arrive $0xFFFF  }
0x2e: {  	[sflag:s0] =	ssyncadd.tile.s32 @!p0 $0x1;
	_ =	shalt  }
.Lfunc_end2:
_tile_overlayer_lowered:
.L_overlay_start_2:
0x2f: {  	(tag) =	ssettag $0x2  }
0x30: {  	s0 =	rddreg [dreg:$0x0];
	s2 =	stileid.u32  }
0x31: {  	s1 =	rddreg [dreg:$0x1];
	p0 =	sne.s32 s2, $0x0  }
0x32: {  	s3 =	rddreg [dreg:$0x2];
	[bflag:$0x3] =	sbarrier.arrive $0xFFFF;
	s2 =	simm.s32 @!p0 $0x1C01  }
0x33: {  	[timem:s3], [sflag:s2] =	dma.local @!p0 [hbm:s0], s1  }
0x34: {  	s0 =	simm.s32 @!p0 $0x1  }
0x35: {  	_ =	swait.ge @!p0 [sflag:s0], s1  }
0x36: {  	s1 =	ssub.s32 @!p0 $0x0, s1;
	[sflag:s0] =	ssyncset.done @!p0 $0x0  }
0x37: {  	[sflag:s0] =	ssyncadd.s32 @!p0 s1  }
0x38: {  	[bflag:$0x3] =	sbarrier.arrive $0xFFFF  }
0x39: {  	_ =	shalt  }

</sc_bundles>
